<compile_context>
chip_gen: v7x
topology: tpu7x:2x2x1
jax: 0.10.2.dev20260603
libtpu: 0.0.44.dev20260713+nightly
codegen_flags: <defaults>
</compile_context>

<pallas_src>
import functools

import jax
import jax.numpy as jnp
from jax import lax
from jax.experimental import pallas as pl
from jax.experimental.pallas import tpu as pltpu
from jax.experimental.pallas import tpu_sc as plsc

NC = 2
NS = 16
NW = NC * NS
CHUNK = 64
NBUF = 4
DEG_AHEAD = 4


def _mesh():
    return plsc.VectorSubcoreMesh(
        core_axis_name="c", subcore_axis_name="s", num_cores=NC, num_subcores=NS
    )


def _load_idx(idx_hbm, j, fill_hbm, buf, start, q, main_rows):
    is_fill = start >= main_rows

    @pl.when(is_fill)
    def _():
        pltpu.sync_copy(fill_hbm.at[pl.ds(start - main_rows, q)], buf)

    @pl.when(jnp.logical_not(is_fill))
    def _():
        pltpu.sync_copy(idx_hbm.at[j, pl.ds(start, q)], buf)


def _make_deg_kernel(n_chunks, npad, main_rows):
    rows_per_sub = npad // NS
    q = n_chunks // 4

    @functools.partial(
        pl.kernel,
        out_type=jax.ShapeDtypeStruct((NC, npad, 16), jnp.float32),
        mesh=_mesh(),
        scratch_types=[
            pltpu.VMEM((q, CHUNK), jnp.int32),
            pltpu.VMEM((CHUNK, 16), jnp.float32),
            pltpu.VMEM_SHARED((npad, 16), jnp.float32),
            pltpu.SemaphoreType.DMA,
        ],
        compiler_params=pltpu.CompilerParams(use_tc_tiling_on_sc=False),
    )
    def deg_kernel(idx_hbm, fill_hbm, zeros_hbm, ones_hbm, out_hbm,
                   dst_v, ones_v, acc_sh, dsem):
        cid = lax.axis_index("c")
        sid = lax.axis_index("s")
        wid = sid * NC + cid
        pltpu.sync_copy(
            zeros_hbm.at[pl.ds(sid * rows_per_sub, rows_per_sub)],
            acc_sh.at[pl.ds(sid * rows_per_sub, rows_per_sub)],
        )
        pltpu.sync_copy(ones_hbm, ones_v)
        plsc.subcore_barrier()

        for h in range(4):
            _load_idx(idx_hbm, 1, fill_hbm, dst_v, wid * n_chunks + h * q,
                      q, main_rows)
            for k in range(DEG_AHEAD):
                pltpu.async_copy(ones_v, acc_sh.at[dst_v.at[k]], dsem,
                                 add=True)

            @pl.loop(0, q - DEG_AHEAD)
            def _(c):
                pltpu.make_async_copy(ones_v, acc_sh.at[dst_v.at[0]],
                                      dsem).wait()
                pltpu.async_copy(ones_v, acc_sh.at[dst_v.at[c + DEG_AHEAD]],
                                 dsem, add=True)

            @pl.loop(0, DEG_AHEAD)
            def _(c):
                pltpu.make_async_copy(ones_v, acc_sh.at[dst_v.at[0]],
                                      dsem).wait()

        plsc.subcore_barrier()
        pltpu.sync_copy(
            acc_sh.at[pl.ds(sid * rows_per_sub, rows_per_sub)],
            out_hbm.at[cid, pl.ds(sid * rows_per_sub, rows_per_sub)],
        )

    return deg_kernel


def _make_edge_kernel(n_chunks, npad, dim, main_rows):
    rows_per_sub = npad // NS
    q = n_chunks // 4

    @functools.partial(
        pl.kernel,
        out_type=jax.ShapeDtypeStruct((NC, npad, dim), jnp.float32),
        mesh=_mesh(),
        scratch_types=(
            [
                pltpu.VMEM((q, CHUNK), jnp.int32),
                pltpu.VMEM((q, CHUNK), jnp.int32),
            ]
            + [pltpu.VMEM((CHUNK, dim), jnp.float32)] * NBUF
            + [pltpu.VMEM_SHARED((npad, dim), jnp.float32)]
            + [pltpu.SemaphoreType.DMA] * (2 * NBUF)
        ),
    )
    def edge_kernel(idx_hbm, fill_src_hbm, fill_dst_hbm, hp_hbm, zeros_hbm,
                    out_hbm, *scr):
        src_v, dst_v = scr[0], scr[1]
        rows = scr[2:2 + NBUF]
        acc_sh = scr[2 + NBUF]
        gsem = scr[3 + NBUF:3 + 2 * NBUF]
        ssem = scr[3 + 2 * NBUF:3 + 3 * NBUF]
        cid = lax.axis_index("c")
        sid = lax.axis_index("s")
        wid = sid * NC + cid
        zdesc = pltpu.async_copy(
            zeros_hbm.at[pl.ds(sid * rows_per_sub, rows_per_sub)],
            acc_sh.at[pl.ds(sid * rows_per_sub, rows_per_sub)],
            gsem[0],
        )
        _load_idx(idx_hbm, 0, fill_src_hbm, src_v, wid * n_chunks, q,
                  main_rows)
        _load_idx(idx_hbm, 1, fill_dst_hbm, dst_v, wid * n_chunks, q,
                  main_rows)
        zdesc.wait()
        for k in range(NBUF):
            pltpu.async_copy(hp_hbm.at[src_v.at[k]], rows[k], gsem[k])
        plsc.subcore_barrier()

        for h in range(4):
            base = wid * n_chunks + h * q
            if h > 0:
                _load_idx(idx_hbm, 0, fill_src_hbm, src_v, base, q, main_rows)
                _load_idx(idx_hbm, 1, fill_dst_hbm, dst_v, base, q, main_rows)

                for k in range(NBUF):
                    pltpu.async_copy(hp_hbm.at[src_v.at[k]], rows[k], gsem[k])

            @pl.loop(0, q // NBUF)
            def _(i):
                c = i * NBUF
                for k in range(NBUF):
                    pltpu.make_async_copy(
                        hp_hbm.at[src_v.at[c + k]], rows[k], gsem[k]
                    ).wait()
                    pltpu.async_copy(
                        rows[k], acc_sh.at[dst_v.at[c + k]], ssem[k], add=True
                    )
                for k in range(NBUF):
                    pltpu.make_async_copy(
                        rows[k], acc_sh.at[dst_v.at[c + k]], ssem[k]
                    ).wait()

                    @pl.when(c + NBUF + k < q)
                    def _():
                        pltpu.async_copy(
                            hp_hbm.at[src_v.at[c + NBUF + k]], rows[k], gsem[k]
                        )

        plsc.subcore_barrier()
        pltpu.sync_copy(
            acc_sh.at[pl.ds(sid * rows_per_sub, rows_per_sub)],
            out_hbm.at[cid, pl.ds(sid * rows_per_sub, rows_per_sub)],
        )

    return edge_kernel


def _mm_body(x_ref, w_ref, out_ref):
    out_ref[...] = jnp.dot(x_ref[...], w_ref[...],
                           preferred_element_type=jnp.float32)


def _scale_body(h0_ref, h1_ref, hraw_ref, out_ref):
    deg = h0_ref[0][:, 0:1] + h1_ref[0][:, 0:1] + 1.0
    out_ref[...] = hraw_ref[...] * lax.rsqrt(deg)


def _final_body(a0_ref, a1_ref, hp_ref, h0_ref, h1_ref, b1_ref, w2_ref,
                b2_ref, out_ref):
    deg = h0_ref[0][:, 0:1] + h1_ref[0][:, 0:1] + 1.0
    dinv = lax.rsqrt(deg)
    tot = (a0_ref[0] + a1_ref[0] + hp_ref[...]) * dinv + b1_ref[...]
    r = jnp.maximum(tot, 0.0)
    z = jnp.dot(r, w2_ref[...], preferred_element_type=jnp.float32)
    z = z + b2_ref[...]
    m = jnp.max(z, axis=1, keepdims=True)
    zm = z - m
    out_ref[...] = zm - jnp.log(jnp.sum(jnp.exp(zm), axis=1, keepdims=True))


def kernel(x, edge_index, W1, b1, W2, b2):
    n, in_dim = x.shape
    hid = W1.shape[1]
    out_dim = W2.shape[1]
    e = edge_index.shape[1]

    npad = ((n + 1 + 127) // 128) * 128
    n_chunks = ((-(-e // (NW * CHUNK)) + 7) // 8) * 8
    q = n_chunks // 4
    assert e % CHUNK == 0 and (e // CHUNK) % q == 0, (
        "edge tail must align to whole staging quarters"
    )
    main_rows = e // CHUNK
    fill_rows = NW * n_chunks - main_rows

    idx3 = edge_index.astype(jnp.int32).reshape(2, main_rows, CHUNK)
    ramp = jnp.arange(fill_rows * CHUNK, dtype=jnp.int32)
    fill_dst = (n + jax.lax.rem(ramp, jnp.int32(npad - n))
                ).reshape(fill_rows, CHUNK)
    fill_src = jax.lax.rem(ramp, jnp.int32(n)).reshape(fill_rows, CHUNK)

    zeros16 = jnp.zeros((npad, 16), jnp.float32)
    ones16 = jnp.ones((CHUNK, 16), jnp.float32)
    zerosd = jnp.zeros((npad, hid), jnp.float32)

    hist2 = _make_deg_kernel(n_chunks, npad, main_rows)(
        idx3, fill_dst, zeros16, ones16)

    blk1 = 2000
    h_raw = pl.pallas_call(
        _mm_body,
        grid=(n // blk1,),
        in_specs=[
            pl.BlockSpec((blk1, in_dim), lambda i: (i, 0)),
            pl.BlockSpec((in_dim, hid), lambda i: (0, 0)),
        ],
        out_specs=pl.BlockSpec((blk1, hid), lambda i: (i, 0)),
        out_shape=jax.ShapeDtypeStruct((n, hid), jnp.float32),
    )(x, W1)

    hp = pl.pallas_call(
        _scale_body,
        grid=(n // blk1,),
        in_specs=[
            pl.BlockSpec((1, blk1, 16), lambda i: (0, i, 0)),
            pl.BlockSpec((1, blk1, 16), lambda i: (1, i, 0)),
            pl.BlockSpec((blk1, hid), lambda i: (i, 0)),
        ],
        out_specs=pl.BlockSpec((blk1, hid), lambda i: (i, 0)),
        out_shape=jax.ShapeDtypeStruct((n, hid), jnp.float32),
    )(hist2, hist2, h_raw)

    acc2 = _make_edge_kernel(n_chunks, npad, hid, main_rows)(
        idx3, fill_src, fill_dst, hp, zerosd)

    blk2 = 2000
    out = pl.pallas_call(
        _final_body,
        grid=(n // blk2,),
        in_specs=[
            pl.BlockSpec((1, blk2, hid), lambda i: (0, i, 0)),
            pl.BlockSpec((1, blk2, hid), lambda i: (1, i, 0)),
            pl.BlockSpec((blk2, hid), lambda i: (i, 0)),
            pl.BlockSpec((1, blk2, 16), lambda i: (0, i, 0)),
            pl.BlockSpec((1, blk2, 16), lambda i: (1, i, 0)),
            pl.BlockSpec((1, hid), lambda i: (0, 0)),
            pl.BlockSpec((hid, out_dim), lambda i: (0, 0)),
            pl.BlockSpec((1, out_dim), lambda i: (0, 0)),
        ],
        out_specs=pl.BlockSpec((blk2, out_dim), lambda i: (i, 0)),
        out_shape=jax.ShapeDtypeStruct((n, out_dim), jnp.float32),
    )(acc2, acc2, hp, hist2, hist2,
      b1.reshape(1, hid), W2, b2.reshape(1, out_dim))

    return out

# --- scband reference (transcript-rebuilt; emitter-appended) ---
"""Pipeline reference for scband-gcn-74414603370648 (READ-ONLY COPY).

The authoritative reference and input builder live on the scoring server;
editing this copy changes nothing except your own understanding.
"""

import jax, jax.numpy as jnp
import numpy as np

N_NODES = 10000
N_EDGES = 320000
IN_DIM = 128
HID_DIM = 128
OUT_DIM = 64


def setup_inputs(seed: int = 0) -> dict:
    key = jax.random.key(seed)
    k1, k2, k3, k4, k5, k6 = jax.random.split(key, 6)
    x = jax.random.normal(k1, (N_NODES, IN_DIM), dtype=jnp.float32)
    edge_index = jax.random.randint(k2, (2, N_EDGES), 0, N_NODES, dtype=jnp.int64)
    # GCNConv weight (glorot) and bias
    W1 = jax.random.normal(k3, (IN_DIM, HID_DIM), dtype=jnp.float32) * (1.0 / np.sqrt(IN_DIM))
    b1 = jnp.zeros((HID_DIM,), dtype=jnp.float32)
    # Linear layer weight and bias
    W2 = jax.random.normal(k4, (HID_DIM, OUT_DIM), dtype=jnp.float32) * (1.0 / np.sqrt(HID_DIM))
    b2 = jax.random.uniform(k5, (OUT_DIM,), dtype=jnp.float32, minval=-1.0 / np.sqrt(HID_DIM), maxval=1.0 / np.sqrt(HID_DIM))
    return {"x": x, "edge_index": edge_index, "W1": W1, "b1": b1, "W2": W2, "b2": b2}


def _gcn_conv(x, edge_index, W, b):
    N = x.shape[0]
    src = edge_index[0]
    dst = edge_index[1]
    # add self-loops (PyG GCNConv default: add_self_loops=True)
    loop = jnp.arange(N, dtype=src.dtype)
    src_full = jnp.concatenate([src, loop], axis=0)
    dst_full = jnp.concatenate([dst, loop], axis=0)
    # symmetric normalization D^{-1/2} (A+I) D^{-1/2}
    ones = jnp.ones_like(dst_full, dtype=x.dtype)
    deg = jax.ops.segment_sum(ones, dst_full, num_segments=N)
    deg_inv_sqrt = jnp.where(deg > 0, 1.0 / jnp.sqrt(deg), 0.0)
    norm = deg_inv_sqrt[src_full] * deg_inv_sqrt[dst_full]
    # transform then propagate
    h = x @ W
    msg = h[src_full] * norm[:, None]
    agg = jax.ops.segment_sum(msg, dst_full, num_segments=N)
    return agg + b


def reference(x, edge_index, W1, b1, W2, b2):
    h = _gcn_conv(x, edge_index, W1, b1)
    h = jax.nn.relu(h)
    # F.dropout(training=self.training) -> identity in eval mode
    out = h @ W2 + b2
    return jax.nn.log_softmax(out, axis=1)

if __name__ == "__main__":
    import jax
    _d = setup_inputs()
    print(jax.jit(kernel)(*tuple(_d.values())))

</pallas_src>

<mosaic_0001>
#map = affine_map<(d0, d1) -> (0, 0, 0)>
#map1 = affine_map<(d0, d1) -> (0, 0)>
module attributes {stable_mosaic.version = 14 : i64} {
  func.func @deg_kernel(%arg0: i32, %arg1: i32, %arg2: memref<2x5000x64xi32, #tpu.memory_space<hbm>>, %arg3: memref<120x64xi32, #tpu.memory_space<hbm>>, %arg4: memref<10112x16xf32, #tpu.memory_space<hbm>>, %arg5: memref<64x16xf32, #tpu.memory_space<hbm>>, %arg6: memref<2x10112x16xf32, #tpu.memory_space<hbm>>, %arg7: memref<40x64xi32, #tpu.memory_space<vmem>>, %arg8: memref<64x16xf32, #tpu.memory_space<vmem>>, %arg9: memref<10112x16xf32, #tpu.memory_space<vmem_shared>>, %arg10: memref<!tpu.dma_semaphore, #tpu.memory_space<semaphore_mem>>) attributes {dimension_semantics = [#tpu.dimension_semantics<core_parallel>, #tpu.dimension_semantics<subcore_parallel>], iteration_bounds = array<i64: 2, 16>, scalar_prefetch = 0 : i64, scratch_operands = 4 : i64, tpu.core_type = #tpu.core_type<sc_vector_subcore>, window_params = [{transform_indices = #map}, {transform_indices = #map1}, {transform_indices = #map1}, {transform_indices = #map1}, {transform_indices = #map}]} {
    %mul3A = arith.constant 2 : i32
    %mul3A_0 = arith.muli %arg1, %mul3A : i32
    %add3A = arith.addi %mul3A_0, %arg0 : i32
    %mul3A_1 = arith.constant 632 : i32
    %mul3A_2 = arith.muli %arg1, %mul3A_1 : i32
    %mul3A_3 = arith.constant 632 : i32
    %mul3A_4 = arith.muli %arg1, %mul3A_3 : i32
    "tpu.region"() ({
      %run_scoped3A = tpu.sem_alloc : memref<!tpu.dma_semaphore, #tpu.memory_space<semaphore_mem>>
      %dma_start3A_212 = arith.constant 0 : i32
      %dma_start3A_213 = tpu.memref_slice %arg9[%mul3A_4, %dma_start3A_212] : memref<10112x16xf32, #tpu.memory_space<vmem_shared>> -> memref<632x16xf32, #tpu.memory_space<vmem_shared>>
      %dma_start3A_214 = arith.constant 0 : i32
      %dma_start3A_215 = tpu.memref_slice %arg4[%mul3A_2, %dma_start3A_214] : memref<10112x16xf32, #tpu.memory_space<hbm>> -> memref<632x16xf32, #tpu.memory_space<hbm>>
      tpu.enqueue_dma source(%dma_start3A_215 : memref<632x16xf32, #tpu.memory_space<hbm>>) target(%dma_start3A_213 : memref<632x16xf32, #tpu.memory_space<vmem_shared>>) target_semaphore(%run_scoped3A : memref<!tpu.dma_semaphore, #tpu.memory_space<semaphore_mem>>)
      %dma_wait3A = arith.constant 0 : i32
      %dma_wait3A_216 = tpu.memref_slice %arg9[%mul3A_4, %dma_wait3A] : memref<10112x16xf32, #tpu.memory_space<vmem_shared>> -> memref<632x16xf32, #tpu.memory_space<vmem_shared>>
      %dma_wait3A_217 = arith.constant 0 : i32
      %dma_wait3A_218 = tpu.memref_slice %arg4[%mul3A_2, %dma_wait3A_217] : memref<10112x16xf32, #tpu.memory_space<hbm>> -> memref<632x16xf32, #tpu.memory_space<hbm>>
      tpu.wait_dma2 semaphore(%run_scoped3A : memref<!tpu.dma_semaphore, #tpu.memory_space<semaphore_mem>>) src(%dma_wait3A_218 : memref<632x16xf32, #tpu.memory_space<hbm>>) dst(%dma_wait3A_216 : memref<632x16xf32, #tpu.memory_space<vmem_shared>>)
      tpu.yield
    }) : () -> ()
    "tpu.region"() ({
      %run_scoped3A = tpu.sem_alloc : memref<!tpu.dma_semaphore, #tpu.memory_space<semaphore_mem>>
      tpu.enqueue_dma source(%arg5 : memref<64x16xf32, #tpu.memory_space<hbm>>) target(%arg8 : memref<64x16xf32, #tpu.memory_space<vmem>>) target_semaphore(%run_scoped3A : memref<!tpu.dma_semaphore, #tpu.memory_space<semaphore_mem>>)
      tpu.wait_dma2 semaphore(%run_scoped3A : memref<!tpu.dma_semaphore, #tpu.memory_space<semaphore_mem>>) src(%arg5 : memref<64x16xf32, #tpu.memory_space<hbm>>) dst(%arg8 : memref<64x16xf32, #tpu.memory_space<vmem>>)
      tpu.yield
    }) : () -> ()
    %barrier3A = arith.constant 0 : index
    tpu.barrier barrier_id(%barrier3A)
    %mul3A_5 = arith.constant 160 : i32
    %mul3A_6 = arith.muli %add3A, %mul3A_5 : i32
    %add3A_7 = arith.constant 0 : i32
    %add3A_8 = arith.addi %mul3A_6, %add3A_7 : i32
    %ge3A = arith.constant 5000 : i32
    %ge3A_9 = arith.cmpi sge, %add3A_8, %ge3A : i32
    %convert_element_type3A = arith.extui %ge3A_9 : i1 to i32
    %cond3A = arith.constant 0 : i32
    %cond3A_10 = arith.cmpi ne, %convert_element_type3A, %cond3A : i32
    scf.if %cond3A_10 {
      %sub3A = arith.constant 5000 : i32
      %sub3A_212 = arith.subi %add3A_8, %sub3A : i32
      "tpu.region"() ({
        %run_scoped3A = tpu.sem_alloc : memref<!tpu.dma_semaphore, #tpu.memory_space<semaphore_mem>>
        %dma_start3A_213 = arith.constant 0 : i32
        %dma_start3A_214 = tpu.memref_slice %arg3[%sub3A_212, %dma_start3A_213] : memref<120x64xi32, #tpu.memory_space<hbm>> -> memref<40x64xi32, #tpu.memory_space<hbm>>
        %dma_start3A_215 = arith.constant 0 : i32
        %dma_start3A_216 = tpu.memref_slice %arg3[%sub3A_212, %dma_start3A_215] : memref<120x64xi32, #tpu.memory_space<hbm>> -> memref<40x64xi32, #tpu.memory_space<hbm>>
        tpu.enqueue_dma source(%dma_start3A_216 : memref<40x64xi32, #tpu.memory_space<hbm>>) target(%arg7 : memref<40x64xi32, #tpu.memory_space<vmem>>) target_semaphore(%run_scoped3A : memref<!tpu.dma_semaphore, #tpu.memory_space<semaphore_mem>>)
        %dma_wait3A = arith.constant 0 : i32
        %dma_wait3A_217 = tpu.memref_slice %arg3[%sub3A_212, %dma_wait3A] : memref<120x64xi32, #tpu.memory_space<hbm>> -> memref<40x64xi32, #tpu.memory_space<hbm>>
        %dma_wait3A_218 = arith.constant 0 : i32
        %dma_wait3A_219 = tpu.memref_slice %arg3[%sub3A_212, %dma_wait3A_218] : memref<120x64xi32, #tpu.memory_space<hbm>> -> memref<40x64xi32, #tpu.memory_space<hbm>>
        tpu.wait_dma2 semaphore(%run_scoped3A : memref<!tpu.dma_semaphore, #tpu.memory_space<semaphore_mem>>) src(%dma_wait3A_219 : memref<40x64xi32, #tpu.memory_space<hbm>>) dst(%arg7 : memref<40x64xi32, #tpu.memory_space<vmem>>)
        tpu.yield
      }) : () -> ()
    } else {
    }
    %not3A = arith.constant true
    %not3A_11 = arith.xori %ge3A_9, %not3A : i1
    %convert_element_type3A_12 = arith.extui %not3A_11 : i1 to i32
    %cond3A_13 = arith.constant 0 : i32
    %cond3A_14 = arith.cmpi ne, %convert_element_type3A_12, %cond3A_13 : i32
    scf.if %cond3A_14 {
      %run_scoped3A = arith.constant 1 : i32
      "tpu.region"() ({
        %run_scoped3A_212 = tpu.sem_alloc : memref<!tpu.dma_semaphore, #tpu.memory_space<semaphore_mem>>
        %dma_start3A_213 = arith.constant 0 : i32
        %dma_start3A_214 = tpu.memref_slice %arg2[%run_scoped3A, %add3A_8, %dma_start3A_213] : memref<2x5000x64xi32, #tpu.memory_space<hbm>> -> memref<1x40x64xi32, #tpu.memory_space<hbm>>
        %dma_start3A_215 = tpu.memref_squeeze %dma_start3A_214 : memref<1x40x64xi32, #tpu.memory_space<hbm>> -> memref<40x64xi32, #tpu.memory_space<hbm>>
        %dma_start3A_216 = arith.constant 0 : i32
        %dma_start3A_217 = tpu.memref_slice %arg2[%run_scoped3A, %add3A_8, %dma_start3A_216] : memref<2x5000x64xi32, #tpu.memory_space<hbm>> -> memref<1x40x64xi32, #tpu.memory_space<hbm>>
        %dma_start3A_218 = tpu.memref_squeeze %dma_start3A_217 : memref<1x40x64xi32, #tpu.memory_space<hbm>> -> memref<40x64xi32, #tpu.memory_space<hbm>>
        tpu.enqueue_dma source(%dma_start3A_218 : memref<40x64xi32, #tpu.memory_space<hbm>>) target(%arg7 : memref<40x64xi32, #tpu.memory_space<vmem>>) target_semaphore(%run_scoped3A_212 : memref<!tpu.dma_semaphore, #tpu.memory_space<semaphore_mem>>)
        %dma_wait3A = arith.constant 0 : i32
        %dma_wait3A_219 = tpu.memref_slice %arg2[%run_scoped3A, %add3A_8, %dma_wait3A] : memref<2x5000x64xi32, #tpu.memory_space<hbm>> -> memref<1x40x64xi32, #tpu.memory_space<hbm>>
        %dma_wait3A_220 = tpu.memref_squeeze %dma_wait3A_219 : memref<1x40x64xi32, #tpu.memory_space<hbm>> -> memref<40x64xi32, #tpu.memory_space<hbm>>
        %dma_wait3A_221 = arith.constant 0 : i32
        %dma_wait3A_222 = tpu.memref_slice %arg2[%run_scoped3A, %add3A_8, %dma_wait3A_221] : memref<2x5000x64xi32, #tpu.memory_space<hbm>> -> memref<1x40x64xi32, #tpu.memory_space<hbm>>
        %dma_wait3A_223 = tpu.memref_squeeze %dma_wait3A_222 : memref<1x40x64xi32, #tpu.memory_space<hbm>> -> memref<40x64xi32, #tpu.memory_space<hbm>>
        tpu.wait_dma2 semaphore(%run_scoped3A_212 : memref<!tpu.dma_semaphore, #tpu.memory_space<semaphore_mem>>) src(%dma_wait3A_223 : memref<40x64xi32, #tpu.memory_space<hbm>>) dst(%arg7 : memref<40x64xi32, #tpu.memory_space<vmem>>)
        tpu.yield
      }) : () -> ()
    } else {
    }
    %dma_start3A = arith.constant 0 : i32
    %dma_start3A_15 = arith.constant 0 : i32
    %dma_start3A_16 = tpu.memref_slice %arg7[%dma_start3A, %dma_start3A_15] : memref<40x64xi32, #tpu.memory_space<vmem>> -> memref<1x64xi32, #tpu.memory_space<vmem>>
    %dma_start3A_17 = tpu.memref_squeeze %dma_start3A_16 : memref<1x64xi32, #tpu.memory_space<vmem>> -> memref<64xi32, #tpu.memory_space<vmem>>
    %dma_start3A_18 = arith.constant 0 : i32
    %dma_start3A_19 = arith.constant 0 : i32
    %dma_start3A_20 = tpu.memref_slice %arg9[%dma_start3A_18, %dma_start3A_19] : memref<10112x16xf32, #tpu.memory_space<vmem_shared>> -> memref<10112x16xf32, #tpu.memory_space<vmem_shared>>
    tpu.enqueue_indirect_dma source(%arg8 : memref<64x16xf32, #tpu.memory_space<vmem>>) target(%dma_start3A_20 : memref<10112x16xf32, #tpu.memory_space<vmem_shared>>) offsets(%dma_start3A_17 : memref<64xi32, #tpu.memory_space<vmem>>) semaphore(%arg10 : memref<!tpu.dma_semaphore, #tpu.memory_space<semaphore_mem>>) {add = true}
    %dma_start3A_21 = arith.constant 1 : i32
    %dma_start3A_22 = arith.constant 0 : i32
    %dma_start3A_23 = tpu.memref_slice %arg7[%dma_start3A_21, %dma_start3A_22] : memref<40x64xi32, #tpu.memory_space<vmem>> -> memref<1x64xi32, #tpu.memory_space<vmem>>
    %dma_start3A_24 = tpu.memref_squeeze %dma_start3A_23 : memref<1x64xi32, #tpu.memory_space<vmem>> -> memref<64xi32, #tpu.memory_space<vmem>>
    %dma_start3A_25 = arith.constant 0 : i32
    %dma_start3A_26 = arith.constant 0 : i32
    %dma_start3A_27 = tpu.memref_slice %arg9[%dma_start3A_25, %dma_start3A_26] : memref<10112x16xf32, #tpu.memory_space<vmem_shared>> -> memref<10112x16xf32, #tpu.memory_space<vmem_shared>>
    tpu.enqueue_indirect_dma source(%arg8 : memref<64x16xf32, #tpu.memory_space<vmem>>) target(%dma_start3A_27 : memref<10112x16xf32, #tpu.memory_space<vmem_shared>>) offsets(%dma_start3A_24 : memref<64xi32, #tpu.memory_space<vmem>>) semaphore(%arg10 : memref<!tpu.dma_semaphore, #tpu.memory_space<semaphore_mem>>) {add = true}
    %dma_start3A_28 = arith.constant 2 : i32
    %dma_start3A_29 = arith.constant 0 : i32
    %dma_start3A_30 = tpu.memref_slice %arg7[%dma_start3A_28, %dma_start3A_29] : memref<40x64xi32, #tpu.memory_space<vmem>> -> memref<1x64xi32, #tpu.memory_space<vmem>>
    %dma_start3A_31 = tpu.memref_squeeze %dma_start3A_30 : memref<1x64xi32, #tpu.memory_space<vmem>> -> memref<64xi32, #tpu.memory_space<vmem>>
    %dma_start3A_32 = arith.constant 0 : i32
    %dma_start3A_33 = arith.constant 0 : i32
    %dma_start3A_34 = tpu.memref_slice %arg9[%dma_start3A_32, %dma_start3A_33] : memref<10112x16xf32, #tpu.memory_space<vmem_shared>> -> memref<10112x16xf32, #tpu.memory_space<vmem_shared>>
    tpu.enqueue_indirect_dma source(%arg8 : memref<64x16xf32, #tpu.memory_space<vmem>>) target(%dma_start3A_34 : memref<10112x16xf32, #tpu.memory_space<vmem_shared>>) offsets(%dma_start3A_31 : memref<64xi32, #tpu.memory_space<vmem>>) semaphore(%arg10 : memref<!tpu.dma_semaphore, #tpu.memory_space<semaphore_mem>>) {add = true}
    %dma_start3A_35 = arith.constant 3 : i32
    %dma_start3A_36 = arith.constant 0 : i32
    %dma_start3A_37 = tpu.memref_slice %arg7[%dma_start3A_35, %dma_start3A_36] : memref<40x64xi32, #tpu.memory_space<vmem>> -> memref<1x64xi32, #tpu.memory_space<vmem>>
    %dma_start3A_38 = tpu.memref_squeeze %dma_start3A_37 : memref<1x64xi32, #tpu.memory_space<vmem>> -> memref<64xi32, #tpu.memory_space<vmem>>
    %dma_start3A_39 = arith.constant 0 : i32
    %dma_start3A_40 = arith.constant 0 : i32
    %dma_start3A_41 = tpu.memref_slice %arg9[%dma_start3A_39, %dma_start3A_40] : memref<10112x16xf32, #tpu.memory_space<vmem_shared>> -> memref<10112x16xf32, #tpu.memory_space<vmem_shared>>
    tpu.enqueue_indirect_dma source(%arg8 : memref<64x16xf32, #tpu.memory_space<vmem>>) target(%dma_start3A_41 : memref<10112x16xf32, #tpu.memory_space<vmem_shared>>) offsets(%dma_start3A_38 : memref<64xi32, #tpu.memory_space<vmem>>) semaphore(%arg10 : memref<!tpu.dma_semaphore, #tpu.memory_space<semaphore_mem>>) {add = true}
    %scan3A = arith.constant 0 : i32
    %scan3A_42 = arith.constant 36 : i32
    %scan3A_43 = arith.addi %scan3A, %scan3A_42 : i32
    %scan3A_44 = arith.constant 1 : i32
    scf.for %scan3A_212 = %scan3A to %scan3A_43 step %scan3A_44  : i32 {
      %mul3A_213 = arith.constant 1 : i32
      %mul3A_214 = arith.muli %scan3A_212, %mul3A_213 : i32
      %add3A_215 = arith.constant 0 : i32
      %add3A_216 = arith.addi %add3A_215, %mul3A_214 : i32
      %dma_wait3A = arith.constant 0 : i32
      %dma_wait3A_217 = arith.constant 0 : i32
      %dma_wait3A_218 = tpu.memref_slice %arg7[%dma_wait3A, %dma_wait3A_217] : memref<40x64xi32, #tpu.memory_space<vmem>> -> memref<1x64xi32, #tpu.memory_space<vmem>>
      %dma_wait3A_219 = tpu.memref_squeeze %dma_wait3A_218 : memref<1x64xi32, #tpu.memory_space<vmem>> -> memref<64xi32, #tpu.memory_space<vmem>>
      %dma_wait3A_220 = arith.constant 0 : i32
      %dma_wait3A_221 = arith.constant 0 : i32
      %dma_wait3A_222 = tpu.memref_slice %arg9[%dma_wait3A_220, %dma_wait3A_221] : memref<10112x16xf32, #tpu.memory_space<vmem_shared>> -> memref<10112x16xf32, #tpu.memory_space<vmem_shared>>
      tpu.wait_indirect_dma semaphore(%arg10 : memref<!tpu.dma_semaphore, #tpu.memory_space<semaphore_mem>>) src(%arg8 : memref<64x16xf32, #tpu.memory_space<vmem>>) dst(%dma_wait3A_222 : memref<10112x16xf32, #tpu.memory_space<vmem_shared>>)
      %add3A_223 = arith.constant 4 : i32
      %add3A_224 = arith.addi %add3A_216, %add3A_223 : i32
      %dma_start3A_225 = arith.constant 0 : i32
      %dma_start3A_226 = tpu.memref_slice %arg7[%add3A_224, %dma_start3A_225] : memref<40x64xi32, #tpu.memory_space<vmem>> -> memref<1x64xi32, #tpu.memory_space<vmem>>
      %dma_start3A_227 = tpu.memref_squeeze %dma_start3A_226 : memref<1x64xi32, #tpu.memory_space<vmem>> -> memref<64xi32, #tpu.memory_space<vmem>>
      %dma_start3A_228 = arith.constant 0 : i32
      %dma_start3A_229 = arith.constant 0 : i32
      %dma_start3A_230 = tpu.memref_slice %arg9[%dma_start3A_228, %dma_start3A_229] : memref<10112x16xf32, #tpu.memory_space<vmem_shared>> -> memref<10112x16xf32, #tpu.memory_space<vmem_shared>>
      tpu.enqueue_indirect_dma source(%arg8 : memref<64x16xf32, #tpu.memory_space<vmem>>) target(%dma_start3A_230 : memref<10112x16xf32, #tpu.memory_space<vmem_shared>>) offsets(%dma_start3A_227 : memref<64xi32, #tpu.memory_space<vmem>>) semaphore(%arg10 : memref<!tpu.dma_semaphore, #tpu.memory_space<semaphore_mem>>) {add = true}
    }
    %scan3A_45 = arith.constant 36 : i32
    %scan3A_46 = arith.constant 0 : i32
    %scan3A_47 = arith.constant 4 : i32
    %scan3A_48 = arith.addi %scan3A_46, %scan3A_47 : i32
    %scan3A_49 = arith.constant 1 : i32
    scf.for %scan3A_212 = %scan3A_46 to %scan3A_48 step %scan3A_49  : i32 {
      %mul3A_213 = arith.constant 1 : i32
      %mul3A_214 = arith.muli %scan3A_212, %mul3A_213 : i32
      %add3A_215 = arith.constant 0 : i32
      %add3A_216 = arith.addi %add3A_215, %mul3A_214 : i32
      %dma_wait3A = arith.constant 0 : i32
      %dma_wait3A_217 = arith.constant 0 : i32
      %dma_wait3A_218 = tpu.memref_slice %arg7[%dma_wait3A, %dma_wait3A_217] : memref<40x64xi32, #tpu.memory_space<vmem>> -> memref<1x64xi32, #tpu.memory_space<vmem>>
      %dma_wait3A_219 = tpu.memref_squeeze %dma_wait3A_218 : memref<1x64xi32, #tpu.memory_space<vmem>> -> memref<64xi32, #tpu.memory_space<vmem>>
      %dma_wait3A_220 = arith.constant 0 : i32
      %dma_wait3A_221 = arith.constant 0 : i32
      %dma_wait3A_222 = tpu.memref_slice %arg9[%dma_wait3A_220, %dma_wait3A_221] : memref<10112x16xf32, #tpu.memory_space<vmem_shared>> -> memref<10112x16xf32, #tpu.memory_space<vmem_shared>>
      tpu.wait_indirect_dma semaphore(%arg10 : memref<!tpu.dma_semaphore, #tpu.memory_space<semaphore_mem>>) src(%arg8 : memref<64x16xf32, #tpu.memory_space<vmem>>) dst(%dma_wait3A_222 : memref<10112x16xf32, #tpu.memory_space<vmem_shared>>)
    }
    %scan3A_50 = arith.constant 4 : i32
    %mul3A_51 = arith.constant 160 : i32
    %mul3A_52 = arith.muli %add3A, %mul3A_51 : i32
    %add3A_53 = arith.constant 40 : i32
    %add3A_54 = arith.addi %mul3A_52, %add3A_53 : i32
    %ge3A_55 = arith.constant 5000 : i32
    %ge3A_56 = arith.cmpi sge, %add3A_54, %ge3A_55 : i32
    %convert_element_type3A_57 = arith.extui %ge3A_56 : i1 to i32
    %cond3A_58 = arith.constant 0 : i32
    %cond3A_59 = arith.cmpi ne, %convert_element_type3A_57, %cond3A_58 : i32
    scf.if %cond3A_59 {
      %sub3A = arith.constant 5000 : i32
      %sub3A_212 = arith.subi %add3A_54, %sub3A : i32
      "tpu.region"() ({
        %run_scoped3A = tpu.sem_alloc : memref<!tpu.dma_semaphore, #tpu.memory_space<semaphore_mem>>
        %dma_start3A_213 = arith.constant 0 : i32
        %dma_start3A_214 = tpu.memref_slice %arg3[%sub3A_212, %dma_start3A_213] : memref<120x64xi32, #tpu.memory_space<hbm>> -> memref<40x64xi32, #tpu.memory_space<hbm>>
        %dma_start3A_215 = arith.constant 0 : i32
        %dma_start3A_216 = tpu.memref_slice %arg3[%sub3A_212, %dma_start3A_215] : memref<120x64xi32, #tpu.memory_space<hbm>> -> memref<40x64xi32, #tpu.memory_space<hbm>>
        tpu.enqueue_dma source(%dma_start3A_216 : memref<40x64xi32, #tpu.memory_space<hbm>>) target(%arg7 : memref<40x64xi32, #tpu.memory_space<vmem>>) target_semaphore(%run_scoped3A : memref<!tpu.dma_semaphore, #tpu.memory_space<semaphore_mem>>)
        %dma_wait3A = arith.constant 0 : i32
        %dma_wait3A_217 = tpu.memref_slice %arg3[%sub3A_212, %dma_wait3A] : memref<120x64xi32, #tpu.memory_space<hbm>> -> memref<40x64xi32, #tpu.memory_space<hbm>>
        %dma_wait3A_218 = arith.constant 0 : i32
        %dma_wait3A_219 = tpu.memref_slice %arg3[%sub3A_212, %dma_wait3A_218] : memref<120x64xi32, #tpu.memory_space<hbm>> -> memref<40x64xi32, #tpu.memory_space<hbm>>
        tpu.wait_dma2 semaphore(%run_scoped3A : memref<!tpu.dma_semaphore, #tpu.memory_space<semaphore_mem>>) src(%dma_wait3A_219 : memref<40x64xi32, #tpu.memory_space<hbm>>) dst(%arg7 : memref<40x64xi32, #tpu.memory_space<vmem>>)
        tpu.yield
      }) : () -> ()
    } else {
    }
    %not3A_60 = arith.constant true
    %not3A_61 = arith.xori %ge3A_56, %not3A_60 : i1
    %convert_element_type3A_62 = arith.extui %not3A_61 : i1 to i32
    %cond3A_63 = arith.constant 0 : i32
    %cond3A_64 = arith.cmpi ne, %convert_element_type3A_62, %cond3A_63 : i32
    scf.if %cond3A_64 {
      %run_scoped3A = arith.constant 1 : i32
      "tpu.region"() ({
        %run_scoped3A_212 = tpu.sem_alloc : memref<!tpu.dma_semaphore, #tpu.memory_space<semaphore_mem>>
        %dma_start3A_213 = arith.constant 0 : i32
        %dma_start3A_214 = tpu.memref_slice %arg2[%run_scoped3A, %add3A_54, %dma_start3A_213] : memref<2x5000x64xi32, #tpu.memory_space<hbm>> -> memref<1x40x64xi32, #tpu.memory_space<hbm>>
        %dma_start3A_215 = tpu.memref_squeeze %dma_start3A_214 : memref<1x40x64xi32, #tpu.memory_space<hbm>> -> memref<40x64xi32, #tpu.memory_space<hbm>>
        %dma_start3A_216 = arith.constant 0 : i32
        %dma_start3A_217 = tpu.memref_slice %arg2[%run_scoped3A, %add3A_54, %dma_start3A_216] : memref<2x5000x64xi32, #tpu.memory_space<hbm>> -> memref<1x40x64xi32, #tpu.memory_space<hbm>>
        %dma_start3A_218 = tpu.memref_squeeze %dma_start3A_217 : memref<1x40x64xi32, #tpu.memory_space<hbm>> -> memref<40x64xi32, #tpu.memory_space<hbm>>
        tpu.enqueue_dma source(%dma_start3A_218 : memref<40x64xi32, #tpu.memory_space<hbm>>) target(%arg7 : memref<40x64xi32, #tpu.memory_space<vmem>>) target_semaphore(%run_scoped3A_212 : memref<!tpu.dma_semaphore, #tpu.memory_space<semaphore_mem>>)
        %dma_wait3A = arith.constant 0 : i32
        %dma_wait3A_219 = tpu.memref_slice %arg2[%run_scoped3A, %add3A_54, %dma_wait3A] : memref<2x5000x64xi32, #tpu.memory_space<hbm>> -> memref<1x40x64xi32, #tpu.memory_space<hbm>>
        %dma_wait3A_220 = tpu.memref_squeeze %dma_wait3A_219 : memref<1x40x64xi32, #tpu.memory_space<hbm>> -> memref<40x64xi32, #tpu.memory_space<hbm>>
        %dma_wait3A_221 = arith.constant 0 : i32
        %dma_wait3A_222 = tpu.memref_slice %arg2[%run_scoped3A, %add3A_54, %dma_wait3A_221] : memref<2x5000x64xi32, #tpu.memory_space<hbm>> -> memref<1x40x64xi32, #tpu.memory_space<hbm>>
        %dma_wait3A_223 = tpu.memref_squeeze %dma_wait3A_222 : memref<1x40x64xi32, #tpu.memory_space<hbm>> -> memref<40x64xi32, #tpu.memory_space<hbm>>
        tpu.wait_dma2 semaphore(%run_scoped3A_212 : memref<!tpu.dma_semaphore, #tpu.memory_space<semaphore_mem>>) src(%dma_wait3A_223 : memref<40x64xi32, #tpu.memory_space<hbm>>) dst(%arg7 : memref<40x64xi32, #tpu.memory_space<vmem>>)
        tpu.yield
      }) : () -> ()
    } else {
    }
    %dma_start3A_65 = arith.constant 0 : i32
    %dma_start3A_66 = arith.constant 0 : i32
    %dma_start3A_67 = tpu.memref_slice %arg7[%dma_start3A_65, %dma_start3A_66] : memref<40x64xi32, #tpu.memory_space<vmem>> -> memref<1x64xi32, #tpu.memory_space<vmem>>
    %dma_start3A_68 = tpu.memref_squeeze %dma_start3A_67 : memref<1x64xi32, #tpu.memory_space<vmem>> -> memref<64xi32, #tpu.memory_space<vmem>>
    %dma_start3A_69 = arith.constant 0 : i32
    %dma_start3A_70 = arith.constant 0 : i32
    %dma_start3A_71 = tpu.memref_slice %arg9[%dma_start3A_69, %dma_start3A_70] : memref<10112x16xf32, #tpu.memory_space<vmem_shared>> -> memref<10112x16xf32, #tpu.memory_space<vmem_shared>>
    tpu.enqueue_indirect_dma source(%arg8 : memref<64x16xf32, #tpu.memory_space<vmem>>) target(%dma_start3A_71 : memref<10112x16xf32, #tpu.memory_space<vmem_shared>>) offsets(%dma_start3A_68 : memref<64xi32, #tpu.memory_space<vmem>>) semaphore(%arg10 : memref<!tpu.dma_semaphore, #tpu.memory_space<semaphore_mem>>) {add = true}
    %dma_start3A_72 = arith.constant 1 : i32
    %dma_start3A_73 = arith.constant 0 : i32
    %dma_start3A_74 = tpu.memref_slice %arg7[%dma_start3A_72, %dma_start3A_73] : memref<40x64xi32, #tpu.memory_space<vmem>> -> memref<1x64xi32, #tpu.memory_space<vmem>>
    %dma_start3A_75 = tpu.memref_squeeze %dma_start3A_74 : memref<1x64xi32, #tpu.memory_space<vmem>> -> memref<64xi32, #tpu.memory_space<vmem>>
    %dma_start3A_76 = arith.constant 0 : i32
    %dma_start3A_77 = arith.constant 0 : i32
    %dma_start3A_78 = tpu.memref_slice %arg9[%dma_start3A_76, %dma_start3A_77] : memref<10112x16xf32, #tpu.memory_space<vmem_shared>> -> memref<10112x16xf32, #tpu.memory_space<vmem_shared>>
    tpu.enqueue_indirect_dma source(%arg8 : memref<64x16xf32, #tpu.memory_space<vmem>>) target(%dma_start3A_78 : memref<10112x16xf32, #tpu.memory_space<vmem_shared>>) offsets(%dma_start3A_75 : memref<64xi32, #tpu.memory_space<vmem>>) semaphore(%arg10 : memref<!tpu.dma_semaphore, #tpu.memory_space<semaphore_mem>>) {add = true}
    %dma_start3A_79 = arith.constant 2 : i32
    %dma_start3A_80 = arith.constant 0 : i32
    %dma_start3A_81 = tpu.memref_slice %arg7[%dma_start3A_79, %dma_start3A_80] : memref<40x64xi32, #tpu.memory_space<vmem>> -> memref<1x64xi32, #tpu.memory_space<vmem>>
    %dma_start3A_82 = tpu.memref_squeeze %dma_start3A_81 : memref<1x64xi32, #tpu.memory_space<vmem>> -> memref<64xi32, #tpu.memory_space<vmem>>
    %dma_start3A_83 = arith.constant 0 : i32
    %dma_start3A_84 = arith.constant 0 : i32
    %dma_start3A_85 = tpu.memref_slice %arg9[%dma_start3A_83, %dma_start3A_84] : memref<10112x16xf32, #tpu.memory_space<vmem_shared>> -> memref<10112x16xf32, #tpu.memory_space<vmem_shared>>
    tpu.enqueue_indirect_dma source(%arg8 : memref<64x16xf32, #tpu.memory_space<vmem>>) target(%dma_start3A_85 : memref<10112x16xf32, #tpu.memory_space<vmem_shared>>) offsets(%dma_start3A_82 : memref<64xi32, #tpu.memory_space<vmem>>) semaphore(%arg10 : memref<!tpu.dma_semaphore, #tpu.memory_space<semaphore_mem>>) {add = true}
    %dma_start3A_86 = arith.constant 3 : i32
    %dma_start3A_87 = arith.constant 0 : i32
    %dma_start3A_88 = tpu.memref_slice %arg7[%dma_start3A_86, %dma_start3A_87] : memref<40x64xi32, #tpu.memory_space<vmem>> -> memref<1x64xi32, #tpu.memory_space<vmem>>
    %dma_start3A_89 = tpu.memref_squeeze %dma_start3A_88 : memref<1x64xi32, #tpu.memory_space<vmem>> -> memref<64xi32, #tpu.memory_space<vmem>>
    %dma_start3A_90 = arith.constant 0 : i32
    %dma_start3A_91 = arith.constant 0 : i32
    %dma_start3A_92 = tpu.memref_slice %arg9[%dma_start3A_90, %dma_start3A_91] : memref<10112x16xf32, #tpu.memory_space<vmem_shared>> -> memref<10112x16xf32, #tpu.memory_space<vmem_shared>>
    tpu.enqueue_indirect_dma source(%arg8 : memref<64x16xf32, #tpu.memory_space<vmem>>) target(%dma_start3A_92 : memref<10112x16xf32, #tpu.memory_space<vmem_shared>>) offsets(%dma_start3A_89 : memref<64xi32, #tpu.memory_space<vmem>>) semaphore(%arg10 : memref<!tpu.dma_semaphore, #tpu.memory_space<semaphore_mem>>) {add = true}
    %scan3A_93 = arith.constant 0 : i32
    %scan3A_94 = arith.constant 36 : i32
    %scan3A_95 = arith.addi %scan3A_93, %scan3A_94 : i32
    %scan3A_96 = arith.constant 1 : i32
    scf.for %scan3A_212 = %scan3A_93 to %scan3A_95 step %scan3A_96  : i32 {
      %mul3A_213 = arith.constant 1 : i32
      %mul3A_214 = arith.muli %scan3A_212, %mul3A_213 : i32
      %add3A_215 = arith.constant 0 : i32
      %add3A_216 = arith.addi %add3A_215, %mul3A_214 : i32
      %dma_wait3A = arith.constant 0 : i32
      %dma_wait3A_217 = arith.constant 0 : i32
      %dma_wait3A_218 = tpu.memref_slice %arg7[%dma_wait3A, %dma_wait3A_217] : memref<40x64xi32, #tpu.memory_space<vmem>> -> memref<1x64xi32, #tpu.memory_space<vmem>>
      %dma_wait3A_219 = tpu.memref_squeeze %dma_wait3A_218 : memref<1x64xi32, #tpu.memory_space<vmem>> -> memref<64xi32, #tpu.memory_space<vmem>>
      %dma_wait3A_220 = arith.constant 0 : i32
      %dma_wait3A_221 = arith.constant 0 : i32
      %dma_wait3A_222 = tpu.memref_slice %arg9[%dma_wait3A_220, %dma_wait3A_221] : memref<10112x16xf32, #tpu.memory_space<vmem_shared>> -> memref<10112x16xf32, #tpu.memory_space<vmem_shared>>
      tpu.wait_indirect_dma semaphore(%arg10 : memref<!tpu.dma_semaphore, #tpu.memory_space<semaphore_mem>>) src(%arg8 : memref<64x16xf32, #tpu.memory_space<vmem>>) dst(%dma_wait3A_222 : memref<10112x16xf32, #tpu.memory_space<vmem_shared>>)
      %add3A_223 = arith.constant 4 : i32
      %add3A_224 = arith.addi %add3A_216, %add3A_223 : i32
      %dma_start3A_225 = arith.constant 0 : i32
      %dma_start3A_226 = tpu.memref_slice %arg7[%add3A_224, %dma_start3A_225] : memref<40x64xi32, #tpu.memory_space<vmem>> -> memref<1x64xi32, #tpu.memory_space<vmem>>
      %dma_start3A_227 = tpu.memref_squeeze %dma_start3A_226 : memref<1x64xi32, #tpu.memory_space<vmem>> -> memref<64xi32, #tpu.memory_space<vmem>>
      %dma_start3A_228 = arith.constant 0 : i32
      %dma_start3A_229 = arith.constant 0 : i32
      %dma_start3A_230 = tpu.memref_slice %arg9[%dma_start3A_228, %dma_start3A_229] : memref<10112x16xf32, #tpu.memory_space<vmem_shared>> -> memref<10112x16xf32, #tpu.memory_space<vmem_shared>>
      tpu.enqueue_indirect_dma source(%arg8 : memref<64x16xf32, #tpu.memory_space<vmem>>) target(%dma_start3A_230 : memref<10112x16xf32, #tpu.memory_space<vmem_shared>>) offsets(%dma_start3A_227 : memref<64xi32, #tpu.memory_space<vmem>>) semaphore(%arg10 : memref<!tpu.dma_semaphore, #tpu.memory_space<semaphore_mem>>) {add = true}
    }
    %scan3A_97 = arith.constant 36 : i32
    %scan3A_98 = arith.constant 0 : i32
    %scan3A_99 = arith.constant 4 : i32
    %scan3A_100 = arith.addi %scan3A_98, %scan3A_99 : i32
    %scan3A_101 = arith.constant 1 : i32
    scf.for %scan3A_212 = %scan3A_98 to %scan3A_100 step %scan3A_101  : i32 {
      %mul3A_213 = arith.constant 1 : i32
      %mul3A_214 = arith.muli %scan3A_212, %mul3A_213 : i32
      %add3A_215 = arith.constant 0 : i32
      %add3A_216 = arith.addi %add3A_215, %mul3A_214 : i32
      %dma_wait3A = arith.constant 0 : i32
      %dma_wait3A_217 = arith.constant 0 : i32
      %dma_wait3A_218 = tpu.memref_slice %arg7[%dma_wait3A, %dma_wait3A_217] : memref<40x64xi32, #tpu.memory_space<vmem>> -> memref<1x64xi32, #tpu.memory_space<vmem>>
      %dma_wait3A_219 = tpu.memref_squeeze %dma_wait3A_218 : memref<1x64xi32, #tpu.memory_space<vmem>> -> memref<64xi32, #tpu.memory_space<vmem>>
      %dma_wait3A_220 = arith.constant 0 : i32
      %dma_wait3A_221 = arith.constant 0 : i32
      %dma_wait3A_222 = tpu.memref_slice %arg9[%dma_wait3A_220, %dma_wait3A_221] : memref<10112x16xf32, #tpu.memory_space<vmem_shared>> -> memref<10112x16xf32, #tpu.memory_space<vmem_shared>>
      tpu.wait_indirect_dma semaphore(%arg10 : memref<!tpu.dma_semaphore, #tpu.memory_space<semaphore_mem>>) src(%arg8 : memref<64x16xf32, #tpu.memory_space<vmem>>) dst(%dma_wait3A_222 : memref<10112x16xf32, #tpu.memory_space<vmem_shared>>)
    }
    %scan3A_102 = arith.constant 4 : i32
    %mul3A_103 = arith.constant 160 : i32
    %mul3A_104 = arith.muli %add3A, %mul3A_103 : i32
    %add3A_105 = arith.constant 80 : i32
    %add3A_106 = arith.addi %mul3A_104, %add3A_105 : i32
    %ge3A_107 = arith.constant 5000 : i32
    %ge3A_108 = arith.cmpi sge, %add3A_106, %ge3A_107 : i32
    %convert_element_type3A_109 = arith.extui %ge3A_108 : i1 to i32
    %cond3A_110 = arith.constant 0 : i32
    %cond3A_111 = arith.cmpi ne, %convert_element_type3A_109, %cond3A_110 : i32
    scf.if %cond3A_111 {
      %sub3A = arith.constant 5000 : i32
      %sub3A_212 = arith.subi %add3A_106, %sub3A : i32
      "tpu.region"() ({
        %run_scoped3A = tpu.sem_alloc : memref<!tpu.dma_semaphore, #tpu.memory_space<semaphore_mem>>
        %dma_start3A_213 = arith.constant 0 : i32
        %dma_start3A_214 = tpu.memref_slice %arg3[%sub3A_212, %dma_start3A_213] : memref<120x64xi32, #tpu.memory_space<hbm>> -> memref<40x64xi32, #tpu.memory_space<hbm>>
        %dma_start3A_215 = arith.constant 0 : i32
        %dma_start3A_216 = tpu.memref_slice %arg3[%sub3A_212, %dma_start3A_215] : memref<120x64xi32, #tpu.memory_space<hbm>> -> memref<40x64xi32, #tpu.memory_space<hbm>>
        tpu.enqueue_dma source(%dma_start3A_216 : memref<40x64xi32, #tpu.memory_space<hbm>>) target(%arg7 : memref<40x64xi32, #tpu.memory_space<vmem>>) target_semaphore(%run_scoped3A : memref<!tpu.dma_semaphore, #tpu.memory_space<semaphore_mem>>)
        %dma_wait3A = arith.constant 0 : i32
        %dma_wait3A_217 = tpu.memref_slice %arg3[%sub3A_212, %dma_wait3A] : memref<120x64xi32, #tpu.memory_space<hbm>> -> memref<40x64xi32, #tpu.memory_space<hbm>>
        %dma_wait3A_218 = arith.constant 0 : i32
        %dma_wait3A_219 = tpu.memref_slice %arg3[%sub3A_212, %dma_wait3A_218] : memref<120x64xi32, #tpu.memory_space<hbm>> -> memref<40x64xi32, #tpu.memory_space<hbm>>
        tpu.wait_dma2 semaphore(%run_scoped3A : memref<!tpu.dma_semaphore, #tpu.memory_space<semaphore_mem>>) src(%dma_wait3A_219 : memref<40x64xi32, #tpu.memory_space<hbm>>) dst(%arg7 : memref<40x64xi32, #tpu.memory_space<vmem>>)
        tpu.yield
      }) : () -> ()
    } else {
    }
    %not3A_112 = arith.constant true
    %not3A_113 = arith.xori %ge3A_108, %not3A_112 : i1
    %convert_element_type3A_114 = arith.extui %not3A_113 : i1 to i32
    %cond3A_115 = arith.constant 0 : i32
    %cond3A_116 = arith.cmpi ne, %convert_element_type3A_114, %cond3A_115 : i32
    scf.if %cond3A_116 {
      %run_scoped3A = arith.constant 1 : i32
      "tpu.region"() ({
        %run_scoped3A_212 = tpu.sem_alloc : memref<!tpu.dma_semaphore, #tpu.memory_space<semaphore_mem>>
        %dma_start3A_213 = arith.constant 0 : i32
        %dma_start3A_214 = tpu.memref_slice %arg2[%run_scoped3A, %add3A_106, %dma_start3A_213] : memref<2x5000x64xi32, #tpu.memory_space<hbm>> -> memref<1x40x64xi32, #tpu.memory_space<hbm>>
        %dma_start3A_215 = tpu.memref_squeeze %dma_start3A_214 : memref<1x40x64xi32, #tpu.memory_space<hbm>> -> memref<40x64xi32, #tpu.memory_space<hbm>>
        %dma_start3A_216 = arith.constant 0 : i32
        %dma_start3A_217 = tpu.memref_slice %arg2[%run_scoped3A, %add3A_106, %dma_start3A_216] : memref<2x5000x64xi32, #tpu.memory_space<hbm>> -> memref<1x40x64xi32, #tpu.memory_space<hbm>>
        %dma_start3A_218 = tpu.memref_squeeze %dma_start3A_217 : memref<1x40x64xi32, #tpu.memory_space<hbm>> -> memref<40x64xi32, #tpu.memory_space<hbm>>
        tpu.enqueue_dma source(%dma_start3A_218 : memref<40x64xi32, #tpu.memory_space<hbm>>) target(%arg7 : memref<40x64xi32, #tpu.memory_space<vmem>>) target_semaphore(%run_scoped3A_212 : memref<!tpu.dma_semaphore, #tpu.memory_space<semaphore_mem>>)
        %dma_wait3A = arith.constant 0 : i32
        %dma_wait3A_219 = tpu.memref_slice %arg2[%run_scoped3A, %add3A_106, %dma_wait3A] : memref<2x5000x64xi32, #tpu.memory_space<hbm>> -> memref<1x40x64xi32, #tpu.memory_space<hbm>>
        %dma_wait3A_220 = tpu.memref_squeeze %dma_wait3A_219 : memref<1x40x64xi32, #tpu.memory_space<hbm>> -> memref<40x64xi32, #tpu.memory_space<hbm>>
        %dma_wait3A_221 = arith.constant 0 : i32
        %dma_wait3A_222 = tpu.memref_slice %arg2[%run_scoped3A, %add3A_106, %dma_wait3A_221] : memref<2x5000x64xi32, #tpu.memory_space<hbm>> -> memref<1x40x64xi32, #tpu.memory_space<hbm>>
        %dma_wait3A_223 = tpu.memref_squeeze %dma_wait3A_222 : memref<1x40x64xi32, #tpu.memory_space<hbm>> -> memref<40x64xi32, #tpu.memory_space<hbm>>
        tpu.wait_dma2 semaphore(%run_scoped3A_212 : memref<!tpu.dma_semaphore, #tpu.memory_space<semaphore_mem>>) src(%dma_wait3A_223 : memref<40x64xi32, #tpu.memory_space<hbm>>) dst(%arg7 : memref<40x64xi32, #tpu.memory_space<vmem>>)
        tpu.yield
      }) : () -> ()
    } else {
    }
    %dma_start3A_117 = arith.constant 0 : i32
    %dma_start3A_118 = arith.constant 0 : i32
    %dma_start3A_119 = tpu.memref_slice %arg7[%dma_start3A_117, %dma_start3A_118] : memref<40x64xi32, #tpu.memory_space<vmem>> -> memref<1x64xi32, #tpu.memory_space<vmem>>
    %dma_start3A_120 = tpu.memref_squeeze %dma_start3A_119 : memref<1x64xi32, #tpu.memory_space<vmem>> -> memref<64xi32, #tpu.memory_space<vmem>>
    %dma_start3A_121 = arith.constant 0 : i32
    %dma_start3A_122 = arith.constant 0 : i32
    %dma_start3A_123 = tpu.memref_slice %arg9[%dma_start3A_121, %dma_start3A_122] : memref<10112x16xf32, #tpu.memory_space<vmem_shared>> -> memref<10112x16xf32, #tpu.memory_space<vmem_shared>>
    tpu.enqueue_indirect_dma source(%arg8 : memref<64x16xf32, #tpu.memory_space<vmem>>) target(%dma_start3A_123 : memref<10112x16xf32, #tpu.memory_space<vmem_shared>>) offsets(%dma_start3A_120 : memref<64xi32, #tpu.memory_space<vmem>>) semaphore(%arg10 : memref<!tpu.dma_semaphore, #tpu.memory_space<semaphore_mem>>) {add = true}
    %dma_start3A_124 = arith.constant 1 : i32
    %dma_start3A_125 = arith.constant 0 : i32
    %dma_start3A_126 = tpu.memref_slice %arg7[%dma_start3A_124, %dma_start3A_125] : memref<40x64xi32, #tpu.memory_space<vmem>> -> memref<1x64xi32, #tpu.memory_space<vmem>>
    %dma_start3A_127 = tpu.memref_squeeze %dma_start3A_126 : memref<1x64xi32, #tpu.memory_space<vmem>> -> memref<64xi32, #tpu.memory_space<vmem>>
    %dma_start3A_128 = arith.constant 0 : i32
    %dma_start3A_129 = arith.constant 0 : i32
    %dma_start3A_130 = tpu.memref_slice %arg9[%dma_start3A_128, %dma_start3A_129] : memref<10112x16xf32, #tpu.memory_space<vmem_shared>> -> memref<10112x16xf32, #tpu.memory_space<vmem_shared>>
    tpu.enqueue_indirect_dma source(%arg8 : memref<64x16xf32, #tpu.memory_space<vmem>>) target(%dma_start3A_130 : memref<10112x16xf32, #tpu.memory_space<vmem_shared>>) offsets(%dma_start3A_127 : memref<64xi32, #tpu.memory_space<vmem>>) semaphore(%arg10 : memref<!tpu.dma_semaphore, #tpu.memory_space<semaphore_mem>>) {add = true}
    %dma_start3A_131 = arith.constant 2 : i32
    %dma_start3A_132 = arith.constant 0 : i32
    %dma_start3A_133 = tpu.memref_slice %arg7[%dma_start3A_131, %dma_start3A_132] : memref<40x64xi32, #tpu.memory_space<vmem>> -> memref<1x64xi32, #tpu.memory_space<vmem>>
    %dma_start3A_134 = tpu.memref_squeeze %dma_start3A_133 : memref<1x64xi32, #tpu.memory_space<vmem>> -> memref<64xi32, #tpu.memory_space<vmem>>
    %dma_start3A_135 = arith.constant 0 : i32
    %dma_start3A_136 = arith.constant 0 : i32
    %dma_start3A_137 = tpu.memref_slice %arg9[%dma_start3A_135, %dma_start3A_136] : memref<10112x16xf32, #tpu.memory_space<vmem_shared>> -> memref<10112x16xf32, #tpu.memory_space<vmem_shared>>
    tpu.enqueue_indirect_dma source(%arg8 : memref<64x16xf32, #tpu.memory_space<vmem>>) target(%dma_start3A_137 : memref<10112x16xf32, #tpu.memory_space<vmem_shared>>) offsets(%dma_start3A_134 : memref<64xi32, #tpu.memory_space<vmem>>) semaphore(%arg10 : memref<!tpu.dma_semaphore, #tpu.memory_space<semaphore_mem>>) {add = true}
    %dma_start3A_138 = arith.constant 3 : i32
    %dma_start3A_139 = arith.constant 0 : i32
    %dma_start3A_140 = tpu.memref_slice %arg7[%dma_start3A_138, %dma_start3A_139] : memref<40x64xi32, #tpu.memory_space<vmem>> -> memref<1x64xi32, #tpu.memory_space<vmem>>
    %dma_start3A_141 = tpu.memref_squeeze %dma_start3A_140 : memref<1x64xi32, #tpu.memory_space<vmem>> -> memref<64xi32, #tpu.memory_space<vmem>>
    %dma_start3A_142 = arith.constant 0 : i32
    %dma_start3A_143 = arith.constant 0 : i32
    %dma_start3A_144 = tpu.memref_slice %arg9[%dma_start3A_142, %dma_start3A_143] : memref<10112x16xf32, #tpu.memory_space<vmem_shared>> -> memref<10112x16xf32, #tpu.memory_space<vmem_shared>>
    tpu.enqueue_indirect_dma source(%arg8 : memref<64x16xf32, #tpu.memory_space<vmem>>) target(%dma_start3A_144 : memref<10112x16xf32, #tpu.memory_space<vmem_shared>>) offsets(%dma_start3A_141 : memref<64xi32, #tpu.memory_space<vmem>>) semaphore(%arg10 : memref<!tpu.dma_semaphore, #tpu.memory_space<semaphore_mem>>) {add = true}
    %scan3A_145 = arith.constant 0 : i32
    %scan3A_146 = arith.constant 36 : i32
    %scan3A_147 = arith.addi %scan3A_145, %scan3A_146 : i32
    %scan3A_148 = arith.constant 1 : i32
    scf.for %scan3A_212 = %scan3A_145 to %scan3A_147 step %scan3A_148  : i32 {
      %mul3A_213 = arith.constant 1 : i32
      %mul3A_214 = arith.muli %scan3A_212, %mul3A_213 : i32
      %add3A_215 = arith.constant 0 : i32
      %add3A_216 = arith.addi %add3A_215, %mul3A_214 : i32
      %dma_wait3A = arith.constant 0 : i32
      %dma_wait3A_217 = arith.constant 0 : i32
      %dma_wait3A_218 = tpu.memref_slice %arg7[%dma_wait3A, %dma_wait3A_217] : memref<40x64xi32, #tpu.memory_space<vmem>> -> memref<1x64xi32, #tpu.memory_space<vmem>>
      %dma_wait3A_219 = tpu.memref_squeeze %dma_wait3A_218 : memref<1x64xi32, #tpu.memory_space<vmem>> -> memref<64xi32, #tpu.memory_space<vmem>>
      %dma_wait3A_220 = arith.constant 0 : i32
      %dma_wait3A_221 = arith.constant 0 : i32
      %dma_wait3A_222 = tpu.memref_slice %arg9[%dma_wait3A_220, %dma_wait3A_221] : memref<10112x16xf32, #tpu.memory_space<vmem_shared>> -> memref<10112x16xf32, #tpu.memory_space<vmem_shared>>
      tpu.wait_indirect_dma semaphore(%arg10 : memref<!tpu.dma_semaphore, #tpu.memory_space<semaphore_mem>>) src(%arg8 : memref<64x16xf32, #tpu.memory_space<vmem>>) dst(%dma_wait3A_222 : memref<10112x16xf32, #tpu.memory_space<vmem_shared>>)
      %add3A_223 = arith.constant 4 : i32
      %add3A_224 = arith.addi %add3A_216, %add3A_223 : i32
      %dma_start3A_225 = arith.constant 0 : i32
      %dma_start3A_226 = tpu.memref_slice %arg7[%add3A_224, %dma_start3A_225] : memref<40x64xi32, #tpu.memory_space<vmem>> -> memref<1x64xi32, #tpu.memory_space<vmem>>
      %dma_start3A_227 = tpu.memref_squeeze %dma_start3A_226 : memref<1x64xi32, #tpu.memory_space<vmem>> -> memref<64xi32, #tpu.memory_space<vmem>>
      %dma_start3A_228 = arith.constant 0 : i32
      %dma_start3A_229 = arith.constant 0 : i32
      %dma_start3A_230 = tpu.memref_slice %arg9[%dma_start3A_228, %dma_start3A_229] : memref<10112x16xf32, #tpu.memory_space<vmem_shared>> -> memref<10112x16xf32, #tpu.memory_space<vmem_shared>>
      tpu.enqueue_indirect_dma source(%arg8 : memref<64x16xf32, #tpu.memory_space<vmem>>) target(%dma_start3A_230 : memref<10112x16xf32, #tpu.memory_space<vmem_shared>>) offsets(%dma_start3A_227 : memref<64xi32, #tpu.memory_space<vmem>>) semaphore(%arg10 : memref<!tpu.dma_semaphore, #tpu.memory_space<semaphore_mem>>) {add = true}
    }
    %scan3A_149 = arith.constant 36 : i32
    %scan3A_150 = arith.constant 0 : i32
    %scan3A_151 = arith.constant 4 : i32
    %scan3A_152 = arith.addi %scan3A_150, %scan3A_151 : i32
    %scan3A_153 = arith.constant 1 : i32
    scf.for %scan3A_212 = %scan3A_150 to %scan3A_152 step %scan3A_153  : i32 {
      %mul3A_213 = arith.constant 1 : i32
      %mul3A_214 = arith.muli %scan3A_212, %mul3A_213 : i32
      %add3A_215 = arith.constant 0 : i32
      %add3A_216 = arith.addi %add3A_215, %mul3A_214 : i32
      %dma_wait3A = arith.constant 0 : i32
      %dma_wait3A_217 = arith.constant 0 : i32
      %dma_wait3A_218 = tpu.memref_slice %arg7[%dma_wait3A, %dma_wait3A_217] : memref<40x64xi32, #tpu.memory_space<vmem>> -> memref<1x64xi32, #tpu.memory_space<vmem>>
      %dma_wait3A_219 = tpu.memref_squeeze %dma_wait3A_218 : memref<1x64xi32, #tpu.memory_space<vmem>> -> memref<64xi32, #tpu.memory_space<vmem>>
      %dma_wait3A_220 = arith.constant 0 : i32
      %dma_wait3A_221 = arith.constant 0 : i32
      %dma_wait3A_222 = tpu.memref_slice %arg9[%dma_wait3A_220, %dma_wait3A_221] : memref<10112x16xf32, #tpu.memory_space<vmem_shared>> -> memref<10112x16xf32, #tpu.memory_space<vmem_shared>>
      tpu.wait_indirect_dma semaphore(%arg10 : memref<!tpu.dma_semaphore, #tpu.memory_space<semaphore_mem>>) src(%arg8 : memref<64x16xf32, #tpu.memory_space<vmem>>) dst(%dma_wait3A_222 : memref<10112x16xf32, #tpu.memory_space<vmem_shared>>)
    }
    %scan3A_154 = arith.constant 4 : i32
    %mul3A_155 = arith.constant 160 : i32
    %mul3A_156 = arith.muli %add3A, %mul3A_155 : i32
    %add3A_157 = arith.constant 120 : i32
    %add3A_158 = arith.addi %mul3A_156, %add3A_157 : i32
    %ge3A_159 = arith.constant 5000 : i32
    %ge3A_160 = arith.cmpi sge, %add3A_158, %ge3A_159 : i32
    %convert_element_type3A_161 = arith.extui %ge3A_160 : i1 to i32
    %cond3A_162 = arith.constant 0 : i32
    %cond3A_163 = arith.cmpi ne, %convert_element_type3A_161, %cond3A_162 : i32
    scf.if %cond3A_163 {
      %sub3A = arith.constant 5000 : i32
      %sub3A_212 = arith.subi %add3A_158, %sub3A : i32
      "tpu.region"() ({
        %run_scoped3A = tpu.sem_alloc : memref<!tpu.dma_semaphore, #tpu.memory_space<semaphore_mem>>
        %dma_start3A_213 = arith.constant 0 : i32
        %dma_start3A_214 = tpu.memref_slice %arg3[%sub3A_212, %dma_start3A_213] : memref<120x64xi32, #tpu.memory_space<hbm>> -> memref<40x64xi32, #tpu.memory_space<hbm>>
        %dma_start3A_215 = arith.constant 0 : i32
        %dma_start3A_216 = tpu.memref_slice %arg3[%sub3A_212, %dma_start3A_215] : memref<120x64xi32, #tpu.memory_space<hbm>> -> memref<40x64xi32, #tpu.memory_space<hbm>>
        tpu.enqueue_dma source(%dma_start3A_216 : memref<40x64xi32, #tpu.memory_space<hbm>>) target(%arg7 : memref<40x64xi32, #tpu.memory_space<vmem>>) target_semaphore(%run_scoped3A : memref<!tpu.dma_semaphore, #tpu.memory_space<semaphore_mem>>)
        %dma_wait3A = arith.constant 0 : i32
        %dma_wait3A_217 = tpu.memref_slice %arg3[%sub3A_212, %dma_wait3A] : memref<120x64xi32, #tpu.memory_space<hbm>> -> memref<40x64xi32, #tpu.memory_space<hbm>>
        %dma_wait3A_218 = arith.constant 0 : i32
        %dma_wait3A_219 = tpu.memref_slice %arg3[%sub3A_212, %dma_wait3A_218] : memref<120x64xi32, #tpu.memory_space<hbm>> -> memref<40x64xi32, #tpu.memory_space<hbm>>
        tpu.wait_dma2 semaphore(%run_scoped3A : memref<!tpu.dma_semaphore, #tpu.memory_space<semaphore_mem>>) src(%dma_wait3A_219 : memref<40x64xi32, #tpu.memory_space<hbm>>) dst(%arg7 : memref<40x64xi32, #tpu.memory_space<vmem>>)
        tpu.yield
      }) : () -> ()
    } else {
    }
    %not3A_164 = arith.constant true
    %not3A_165 = arith.xori %ge3A_160, %not3A_164 : i1
    %convert_element_type3A_166 = arith.extui %not3A_165 : i1 to i32
    %cond3A_167 = arith.constant 0 : i32
    %cond3A_168 = arith.cmpi ne, %convert_element_type3A_166, %cond3A_167 : i32
    scf.if %cond3A_168 {
      %run_scoped3A = arith.constant 1 : i32
      "tpu.region"() ({
        %run_scoped3A_212 = tpu.sem_alloc : memref<!tpu.dma_semaphore, #tpu.memory_space<semaphore_mem>>
        %dma_start3A_213 = arith.constant 0 : i32
        %dma_start3A_214 = tpu.memref_slice %arg2[%run_scoped3A, %add3A_158, %dma_start3A_213] : memref<2x5000x64xi32, #tpu.memory_space<hbm>> -> memref<1x40x64xi32, #tpu.memory_space<hbm>>
        %dma_start3A_215 = tpu.memref_squeeze %dma_start3A_214 : memref<1x40x64xi32, #tpu.memory_space<hbm>> -> memref<40x64xi32, #tpu.memory_space<hbm>>
        %dma_start3A_216 = arith.constant 0 : i32
        %dma_start3A_217 = tpu.memref_slice %arg2[%run_scoped3A, %add3A_158, %dma_start3A_216] : memref<2x5000x64xi32, #tpu.memory_space<hbm>> -> memref<1x40x64xi32, #tpu.memory_space<hbm>>
        %dma_start3A_218 = tpu.memref_squeeze %dma_start3A_217 : memref<1x40x64xi32, #tpu.memory_space<hbm>> -> memref<40x64xi32, #tpu.memory_space<hbm>>
        tpu.enqueue_dma source(%dma_start3A_218 : memref<40x64xi32, #tpu.memory_space<hbm>>) target(%arg7 : memref<40x64xi32, #tpu.memory_space<vmem>>) target_semaphore(%run_scoped3A_212 : memref<!tpu.dma_semaphore, #tpu.memory_space<semaphore_mem>>)
        %dma_wait3A = arith.constant 0 : i32
        %dma_wait3A_219 = tpu.memref_slice %arg2[%run_scoped3A, %add3A_158, %dma_wait3A] : memref<2x5000x64xi32, #tpu.memory_space<hbm>> -> memref<1x40x64xi32, #tpu.memory_space<hbm>>
        %dma_wait3A_220 = tpu.memref_squeeze %dma_wait3A_219 : memref<1x40x64xi32, #tpu.memory_space<hbm>> -> memref<40x64xi32, #tpu.memory_space<hbm>>
        %dma_wait3A_221 = arith.constant 0 : i32
        %dma_wait3A_222 = tpu.memref_slice %arg2[%run_scoped3A, %add3A_158, %dma_wait3A_221] : memref<2x5000x64xi32, #tpu.memory_space<hbm>> -> memref<1x40x64xi32, #tpu.memory_space<hbm>>
        %dma_wait3A_223 = tpu.memref_squeeze %dma_wait3A_222 : memref<1x40x64xi32, #tpu.memory_space<hbm>> -> memref<40x64xi32, #tpu.memory_space<hbm>>
        tpu.wait_dma2 semaphore(%run_scoped3A_212 : memref<!tpu.dma_semaphore, #tpu.memory_space<semaphore_mem>>) src(%dma_wait3A_223 : memref<40x64xi32, #tpu.memory_space<hbm>>) dst(%arg7 : memref<40x64xi32, #tpu.memory_space<vmem>>)
        tpu.yield
      }) : () -> ()
    } else {
    }
    %dma_start3A_169 = arith.constant 0 : i32
    %dma_start3A_170 = arith.constant 0 : i32
    %dma_start3A_171 = tpu.memref_slice %arg7[%dma_start3A_169, %dma_start3A_170] : memref<40x64xi32, #tpu.memory_space<vmem>> -> memref<1x64xi32, #tpu.memory_space<vmem>>
    %dma_start3A_172 = tpu.memref_squeeze %dma_start3A_171 : memref<1x64xi32, #tpu.memory_space<vmem>> -> memref<64xi32, #tpu.memory_space<vmem>>
    %dma_start3A_173 = arith.constant 0 : i32
    %dma_start3A_174 = arith.constant 0 : i32
    %dma_start3A_175 = tpu.memref_slice %arg9[%dma_start3A_173, %dma_start3A_174] : memref<10112x16xf32, #tpu.memory_space<vmem_shared>> -> memref<10112x16xf32, #tpu.memory_space<vmem_shared>>
    tpu.enqueue_indirect_dma source(%arg8 : memref<64x16xf32, #tpu.memory_space<vmem>>) target(%dma_start3A_175 : memref<10112x16xf32, #tpu.memory_space<vmem_shared>>) offsets(%dma_start3A_172 : memref<64xi32, #tpu.memory_space<vmem>>) semaphore(%arg10 : memref<!tpu.dma_semaphore, #tpu.memory_space<semaphore_mem>>) {add = true}
    %dma_start3A_176 = arith.constant 1 : i32
    %dma_start3A_177 = arith.constant 0 : i32
    %dma_start3A_178 = tpu.memref_slice %arg7[%dma_start3A_176, %dma_start3A_177] : memref<40x64xi32, #tpu.memory_space<vmem>> -> memref<1x64xi32, #tpu.memory_space<vmem>>
    %dma_start3A_179 = tpu.memref_squeeze %dma_start3A_178 : memref<1x64xi32, #tpu.memory_space<vmem>> -> memref<64xi32, #tpu.memory_space<vmem>>
    %dma_start3A_180 = arith.constant 0 : i32
    %dma_start3A_181 = arith.constant 0 : i32
    %dma_start3A_182 = tpu.memref_slice %arg9[%dma_start3A_180, %dma_start3A_181] : memref<10112x16xf32, #tpu.memory_space<vmem_shared>> -> memref<10112x16xf32, #tpu.memory_space<vmem_shared>>
    tpu.enqueue_indirect_dma source(%arg8 : memref<64x16xf32, #tpu.memory_space<vmem>>) target(%dma_start3A_182 : memref<10112x16xf32, #tpu.memory_space<vmem_shared>>) offsets(%dma_start3A_179 : memref<64xi32, #tpu.memory_space<vmem>>) semaphore(%arg10 : memref<!tpu.dma_semaphore, #tpu.memory_space<semaphore_mem>>) {add = true}
    %dma_start3A_183 = arith.constant 2 : i32
    %dma_start3A_184 = arith.constant 0 : i32
    %dma_start3A_185 = tpu.memref_slice %arg7[%dma_start3A_183, %dma_start3A_184] : memref<40x64xi32, #tpu.memory_space<vmem>> -> memref<1x64xi32, #tpu.memory_space<vmem>>
    %dma_start3A_186 = tpu.memref_squeeze %dma_start3A_185 : memref<1x64xi32, #tpu.memory_space<vmem>> -> memref<64xi32, #tpu.memory_space<vmem>>
    %dma_start3A_187 = arith.constant 0 : i32
    %dma_start3A_188 = arith.constant 0 : i32
    %dma_start3A_189 = tpu.memref_slice %arg9[%dma_start3A_187, %dma_start3A_188] : memref<10112x16xf32, #tpu.memory_space<vmem_shared>> -> memref<10112x16xf32, #tpu.memory_space<vmem_shared>>
    tpu.enqueue_indirect_dma source(%arg8 : memref<64x16xf32, #tpu.memory_space<vmem>>) target(%dma_start3A_189 : memref<10112x16xf32, #tpu.memory_space<vmem_shared>>) offsets(%dma_start3A_186 : memref<64xi32, #tpu.memory_space<vmem>>) semaphore(%arg10 : memref<!tpu.dma_semaphore, #tpu.memory_space<semaphore_mem>>) {add = true}
    %dma_start3A_190 = arith.constant 3 : i32
    %dma_start3A_191 = arith.constant 0 : i32
    %dma_start3A_192 = tpu.memref_slice %arg7[%dma_start3A_190, %dma_start3A_191] : memref<40x64xi32, #tpu.memory_space<vmem>> -> memref<1x64xi32, #tpu.memory_space<vmem>>
    %dma_start3A_193 = tpu.memref_squeeze %dma_start3A_192 : memref<1x64xi32, #tpu.memory_space<vmem>> -> memref<64xi32, #tpu.memory_space<vmem>>
    %dma_start3A_194 = arith.constant 0 : i32
    %dma_start3A_195 = arith.constant 0 : i32
    %dma_start3A_196 = tpu.memref_slice %arg9[%dma_start3A_194, %dma_start3A_195] : memref<10112x16xf32, #tpu.memory_space<vmem_shared>> -> memref<10112x16xf32, #tpu.memory_space<vmem_shared>>
    tpu.enqueue_indirect_dma source(%arg8 : memref<64x16xf32, #tpu.memory_space<vmem>>) target(%dma_start3A_196 : memref<10112x16xf32, #tpu.memory_space<vmem_shared>>) offsets(%dma_start3A_193 : memref<64xi32, #tpu.memory_space<vmem>>) semaphore(%arg10 : memref<!tpu.dma_semaphore, #tpu.memory_space<semaphore_mem>>) {add = true}
    %scan3A_197 = arith.constant 0 : i32
    %scan3A_198 = arith.constant 36 : i32
    %scan3A_199 = arith.addi %scan3A_197, %scan3A_198 : i32
    %scan3A_200 = arith.constant 1 : i32
    scf.for %scan3A_212 = %scan3A_197 to %scan3A_199 step %scan3A_200  : i32 {
      %mul3A_213 = arith.constant 1 : i32
      %mul3A_214 = arith.muli %scan3A_212, %mul3A_213 : i32
      %add3A_215 = arith.constant 0 : i32
      %add3A_216 = arith.addi %add3A_215, %mul3A_214 : i32
      %dma_wait3A = arith.constant 0 : i32
      %dma_wait3A_217 = arith.constant 0 : i32
      %dma_wait3A_218 = tpu.memref_slice %arg7[%dma_wait3A, %dma_wait3A_217] : memref<40x64xi32, #tpu.memory_space<vmem>> -> memref<1x64xi32, #tpu.memory_space<vmem>>
      %dma_wait3A_219 = tpu.memref_squeeze %dma_wait3A_218 : memref<1x64xi32, #tpu.memory_space<vmem>> -> memref<64xi32, #tpu.memory_space<vmem>>
      %dma_wait3A_220 = arith.constant 0 : i32
      %dma_wait3A_221 = arith.constant 0 : i32
      %dma_wait3A_222 = tpu.memref_slice %arg9[%dma_wait3A_220, %dma_wait3A_221] : memref<10112x16xf32, #tpu.memory_space<vmem_shared>> -> memref<10112x16xf32, #tpu.memory_space<vmem_shared>>
      tpu.wait_indirect_dma semaphore(%arg10 : memref<!tpu.dma_semaphore, #tpu.memory_space<semaphore_mem>>) src(%arg8 : memref<64x16xf32, #tpu.memory_space<vmem>>) dst(%dma_wait3A_222 : memref<10112x16xf32, #tpu.memory_space<vmem_shared>>)
      %add3A_223 = arith.constant 4 : i32
      %add3A_224 = arith.addi %add3A_216, %add3A_223 : i32
      %dma_start3A_225 = arith.constant 0 : i32
      %dma_start3A_226 = tpu.memref_slice %arg7[%add3A_224, %dma_start3A_225] : memref<40x64xi32, #tpu.memory_space<vmem>> -> memref<1x64xi32, #tpu.memory_space<vmem>>
      %dma_start3A_227 = tpu.memref_squeeze %dma_start3A_226 : memref<1x64xi32, #tpu.memory_space<vmem>> -> memref<64xi32, #tpu.memory_space<vmem>>
      %dma_start3A_228 = arith.constant 0 : i32
      %dma_start3A_229 = arith.constant 0 : i32
      %dma_start3A_230 = tpu.memref_slice %arg9[%dma_start3A_228, %dma_start3A_229] : memref<10112x16xf32, #tpu.memory_space<vmem_shared>> -> memref<10112x16xf32, #tpu.memory_space<vmem_shared>>
      tpu.enqueue_indirect_dma source(%arg8 : memref<64x16xf32, #tpu.memory_space<vmem>>) target(%dma_start3A_230 : memref<10112x16xf32, #tpu.memory_space<vmem_shared>>) offsets(%dma_start3A_227 : memref<64xi32, #tpu.memory_space<vmem>>) semaphore(%arg10 : memref<!tpu.dma_semaphore, #tpu.memory_space<semaphore_mem>>) {add = true}
    }
    %scan3A_201 = arith.constant 36 : i32
    %scan3A_202 = arith.constant 0 : i32
    %scan3A_203 = arith.constant 4 : i32
    %scan3A_204 = arith.addi %scan3A_202, %scan3A_203 : i32
    %scan3A_205 = arith.constant 1 : i32
    scf.for %scan3A_212 = %scan3A_202 to %scan3A_204 step %scan3A_205  : i32 {
      %mul3A_213 = arith.constant 1 : i32
      %mul3A_214 = arith.muli %scan3A_212, %mul3A_213 : i32
      %add3A_215 = arith.constant 0 : i32
      %add3A_216 = arith.addi %add3A_215, %mul3A_214 : i32
      %dma_wait3A = arith.constant 0 : i32
      %dma_wait3A_217 = arith.constant 0 : i32
      %dma_wait3A_218 = tpu.memref_slice %arg7[%dma_wait3A, %dma_wait3A_217] : memref<40x64xi32, #tpu.memory_space<vmem>> -> memref<1x64xi32, #tpu.memory_space<vmem>>
      %dma_wait3A_219 = tpu.memref_squeeze %dma_wait3A_218 : memref<1x64xi32, #tpu.memory_space<vmem>> -> memref<64xi32, #tpu.memory_space<vmem>>
      %dma_wait3A_220 = arith.constant 0 : i32
      %dma_wait3A_221 = arith.constant 0 : i32
      %dma_wait3A_222 = tpu.memref_slice %arg9[%dma_wait3A_220, %dma_wait3A_221] : memref<10112x16xf32, #tpu.memory_space<vmem_shared>> -> memref<10112x16xf32, #tpu.memory_space<vmem_shared>>
      tpu.wait_indirect_dma semaphore(%arg10 : memref<!tpu.dma_semaphore, #tpu.memory_space<semaphore_mem>>) src(%arg8 : memref<64x16xf32, #tpu.memory_space<vmem>>) dst(%dma_wait3A_222 : memref<10112x16xf32, #tpu.memory_space<vmem_shared>>)
    }
    %scan3A_206 = arith.constant 4 : i32
    %barrier3A_207 = arith.constant 0 : index
    tpu.barrier barrier_id(%barrier3A_207)
    %mul3A_208 = arith.constant 632 : i32
    %mul3A_209 = arith.muli %arg1, %mul3A_208 : i32
    %mul3A_210 = arith.constant 632 : i32
    %mul3A_211 = arith.muli %arg1, %mul3A_210 : i32
    "tpu.region"() ({
      %run_scoped3A = tpu.sem_alloc : memref<!tpu.dma_semaphore, #tpu.memory_space<semaphore_mem>>
      %dma_start3A_212 = arith.constant 0 : i32
      %dma_start3A_213 = tpu.memref_slice %arg6[%arg0, %mul3A_211, %dma_start3A_212] : memref<2x10112x16xf32, #tpu.memory_space<hbm>> -> memref<1x632x16xf32, #tpu.memory_space<hbm>>
      %dma_start3A_214 = tpu.memref_squeeze %dma_start3A_213 : memref<1x632x16xf32, #tpu.memory_space<hbm>> -> memref<632x16xf32, #tpu.memory_space<hbm>>
      %dma_start3A_215 = arith.constant 0 : i32
      %dma_start3A_216 = tpu.memref_slice %arg9[%mul3A_209, %dma_start3A_215] : memref<10112x16xf32, #tpu.memory_space<vmem_shared>> -> memref<632x16xf32, #tpu.memory_space<vmem_shared>>
      tpu.enqueue_dma source(%dma_start3A_216 : memref<632x16xf32, #tpu.memory_space<vmem_shared>>) target(%dma_start3A_214 : memref<632x16xf32, #tpu.memory_space<hbm>>) target_semaphore(%run_scoped3A : memref<!tpu.dma_semaphore, #tpu.memory_space<semaphore_mem>>)
      %dma_wait3A = arith.constant 0 : i32
      %dma_wait3A_217 = tpu.memref_slice %arg6[%arg0, %mul3A_211, %dma_wait3A] : memref<2x10112x16xf32, #tpu.memory_space<hbm>> -> memref<1x632x16xf32, #tpu.memory_space<hbm>>
      %dma_wait3A_218 = tpu.memref_squeeze %dma_wait3A_217 : memref<1x632x16xf32, #tpu.memory_space<hbm>> -> memref<632x16xf32, #tpu.memory_space<hbm>>
      %dma_wait3A_219 = arith.constant 0 : i32
      %dma_wait3A_220 = tpu.memref_slice %arg9[%mul3A_209, %dma_wait3A_219] : memref<10112x16xf32, #tpu.memory_space<vmem_shared>> -> memref<632x16xf32, #tpu.memory_space<vmem_shared>>
      tpu.wait_dma2 semaphore(%run_scoped3A : memref<!tpu.dma_semaphore, #tpu.memory_space<semaphore_mem>>) src(%dma_wait3A_220 : memref<632x16xf32, #tpu.memory_space<vmem_shared>>) dst(%dma_wait3A_218 : memref<632x16xf32, #tpu.memory_space<hbm>>)
      tpu.yield
    }) : () -> ()
    return
  }
}

#map = affine_map<(d0, d1) -> (0, 0, 0)>
#map1 = affine_map<(d0, d1) -> (0, 0)>
module attributes {stable_mosaic.version = 14 : i64} {
  func.func @edge_kernel(%arg0: i32, %arg1: i32, %arg2: memref<2x5000x64xi32, #tpu.memory_space<hbm>>, %arg3: memref<120x64xi32, #tpu.memory_space<hbm>>, %arg4: memref<120x64xi32, #tpu.memory_space<hbm>>, %arg5: memref<10000x128xf32, #tpu.memory_space<hbm>>, %arg6: memref<10112x128xf32, #tpu.memory_space<hbm>>, %arg7: memref<2x10112x128xf32, #tpu.memory_space<hbm>>, %arg8: memref<40x64xi32, #tpu.memory_space<vmem>>, %arg9: memref<40x64xi32, #tpu.memory_space<vmem>>, %arg10: memref<64x128xf32, #tpu.memory_space<vmem>>, %arg11: memref<64x128xf32, #tpu.memory_space<vmem>>, %arg12: memref<64x128xf32, #tpu.memory_space<vmem>>, %arg13: memref<64x128xf32, #tpu.memory_space<vmem>>, %arg14: memref<10112x128xf32, #tpu.memory_space<vmem_shared>>, %arg15: memref<!tpu.dma_semaphore, #tpu.memory_space<semaphore_mem>>, %arg16: memref<!tpu.dma_semaphore, #tpu.memory_space<semaphore_mem>>, %arg17: memref<!tpu.dma_semaphore, #tpu.memory_space<semaphore_mem>>, %arg18: memref<!tpu.dma_semaphore, #tpu.memory_space<semaphore_mem>>, %arg19: memref<!tpu.dma_semaphore, #tpu.memory_space<semaphore_mem>>, %arg20: memref<!tpu.dma_semaphore, #tpu.memory_space<semaphore_mem>>, %arg21: memref<!tpu.dma_semaphore, #tpu.memory_space<semaphore_mem>>, %arg22: memref<!tpu.dma_semaphore, #tpu.memory_space<semaphore_mem>>) attributes {dimension_semantics = [#tpu.dimension_semantics<core_parallel>, #tpu.dimension_semantics<subcore_parallel>], iteration_bounds = array<i64: 2, 16>, scalar_prefetch = 0 : i64, scratch_operands = 15 : i64, tpu.core_type = #tpu.core_type<sc_vector_subcore>, window_params = [{transform_indices = #map}, {transform_indices = #map1}, {transform_indices = #map1}, {transform_indices = #map1}, {transform_indices = #map1}, {transform_indices = #map}]} {
    %mul3A = arith.constant 2 : i32
    %mul3A_0 = arith.muli %arg1, %mul3A : i32
    %add3A = arith.addi %mul3A_0, %arg0 : i32
    %mul3A_1 = arith.constant 632 : i32
    %mul3A_2 = arith.muli %arg1, %mul3A_1 : i32
    %mul3A_3 = arith.constant 632 : i32
    %mul3A_4 = arith.muli %arg1, %mul3A_3 : i32
    %dma_start3A = arith.constant 0 : i32
    %dma_start3A_5 = tpu.memref_slice %arg14[%mul3A_4, %dma_start3A] : memref<10112x128xf32, #tpu.memory_space<vmem_shared>> -> memref<632x128xf32, #tpu.memory_space<vmem_shared>>
    %dma_start3A_6 = arith.constant 0 : i32
    %dma_start3A_7 = tpu.memref_slice %arg6[%mul3A_2, %dma_start3A_6] : memref<10112x128xf32, #tpu.memory_space<hbm>> -> memref<632x128xf32, #tpu.memory_space<hbm>>
    tpu.enqueue_dma source(%dma_start3A_7 : memref<632x128xf32, #tpu.memory_space<hbm>>) target(%dma_start3A_5 : memref<632x128xf32, #tpu.memory_space<vmem_shared>>) target_semaphore(%arg15 : memref<!tpu.dma_semaphore, #tpu.memory_space<semaphore_mem>>)
    %mul3A_8 = arith.constant 160 : i32
    %mul3A_9 = arith.muli %add3A, %mul3A_8 : i32
    %ge3A = arith.constant 5000 : i32
    %ge3A_10 = arith.cmpi sge, %mul3A_9, %ge3A : i32
    %convert_element_type3A = arith.extui %ge3A_10 : i1 to i32
    %cond3A = arith.constant 0 : i32
    %cond3A_11 = arith.cmpi ne, %convert_element_type3A, %cond3A : i32
    scf.if %cond3A_11 {
      %sub3A = arith.constant 5000 : i32
      %sub3A_243 = arith.subi %mul3A_9, %sub3A : i32
      "tpu.region"() ({
        %run_scoped3A = tpu.sem_alloc : memref<!tpu.dma_semaphore, #tpu.memory_space<semaphore_mem>>
        %dma_start3A_244 = arith.constant 0 : i32
        %dma_start3A_245 = tpu.memref_slice %arg3[%sub3A_243, %dma_start3A_244] : memref<120x64xi32, #tpu.memory_space<hbm>> -> memref<40x64xi32, #tpu.memory_space<hbm>>
        %dma_start3A_246 = arith.constant 0 : i32
        %dma_start3A_247 = tpu.memref_slice %arg3[%sub3A_243, %dma_start3A_246] : memref<120x64xi32, #tpu.memory_space<hbm>> -> memref<40x64xi32, #tpu.memory_space<hbm>>
        tpu.enqueue_dma source(%dma_start3A_247 : memref<40x64xi32, #tpu.memory_space<hbm>>) target(%arg8 : memref<40x64xi32, #tpu.memory_space<vmem>>) target_semaphore(%run_scoped3A : memref<!tpu.dma_semaphore, #tpu.memory_space<semaphore_mem>>)
        %dma_wait3A_248 = arith.constant 0 : i32
        %dma_wait3A_249 = tpu.memref_slice %arg3[%sub3A_243, %dma_wait3A_248] : memref<120x64xi32, #tpu.memory_space<hbm>> -> memref<40x64xi32, #tpu.memory_space<hbm>>
        %dma_wait3A_250 = arith.constant 0 : i32
        %dma_wait3A_251 = tpu.memref_slice %arg3[%sub3A_243, %dma_wait3A_250] : memref<120x64xi32, #tpu.memory_space<hbm>> -> memref<40x64xi32, #tpu.memory_space<hbm>>
        tpu.wait_dma2 semaphore(%run_scoped3A : memref<!tpu.dma_semaphore, #tpu.memory_space<semaphore_mem>>) src(%dma_wait3A_251 : memref<40x64xi32, #tpu.memory_space<hbm>>) dst(%arg8 : memref<40x64xi32, #tpu.memory_space<vmem>>)
        tpu.yield
      }) : () -> ()
    } else {
    }
    %not3A = arith.constant true
    %not3A_12 = arith.xori %ge3A_10, %not3A : i1
    %convert_element_type3A_13 = arith.extui %not3A_12 : i1 to i32
    %cond3A_14 = arith.constant 0 : i32
    %cond3A_15 = arith.cmpi ne, %convert_element_type3A_13, %cond3A_14 : i32
    scf.if %cond3A_15 {
      %run_scoped3A = arith.constant 0 : i32
      "tpu.region"() ({
        %run_scoped3A_243 = tpu.sem_alloc : memref<!tpu.dma_semaphore, #tpu.memory_space<semaphore_mem>>
        %dma_start3A_244 = arith.constant 0 : i32
        %dma_start3A_245 = tpu.memref_slice %arg2[%run_scoped3A, %mul3A_9, %dma_start3A_244] : memref<2x5000x64xi32, #tpu.memory_space<hbm>> -> memref<1x40x64xi32, #tpu.memory_space<hbm>>
        %dma_start3A_246 = tpu.memref_squeeze %dma_start3A_245 : memref<1x40x64xi32, #tpu.memory_space<hbm>> -> memref<40x64xi32, #tpu.memory_space<hbm>>
        %dma_start3A_247 = arith.constant 0 : i32
        %dma_start3A_248 = tpu.memref_slice %arg2[%run_scoped3A, %mul3A_9, %dma_start3A_247] : memref<2x5000x64xi32, #tpu.memory_space<hbm>> -> memref<1x40x64xi32, #tpu.memory_space<hbm>>
        %dma_start3A_249 = tpu.memref_squeeze %dma_start3A_248 : memref<1x40x64xi32, #tpu.memory_space<hbm>> -> memref<40x64xi32, #tpu.memory_space<hbm>>
        tpu.enqueue_dma source(%dma_start3A_249 : memref<40x64xi32, #tpu.memory_space<hbm>>) target(%arg8 : memref<40x64xi32, #tpu.memory_space<vmem>>) target_semaphore(%run_scoped3A_243 : memref<!tpu.dma_semaphore, #tpu.memory_space<semaphore_mem>>)
        %dma_wait3A_250 = arith.constant 0 : i32
        %dma_wait3A_251 = tpu.memref_slice %arg2[%run_scoped3A, %mul3A_9, %dma_wait3A_250] : memref<2x5000x64xi32, #tpu.memory_space<hbm>> -> memref<1x40x64xi32, #tpu.memory_space<hbm>>
        %dma_wait3A_252 = tpu.memref_squeeze %dma_wait3A_251 : memref<1x40x64xi32, #tpu.memory_space<hbm>> -> memref<40x64xi32, #tpu.memory_space<hbm>>
        %dma_wait3A_253 = arith.constant 0 : i32
        %dma_wait3A_254 = tpu.memref_slice %arg2[%run_scoped3A, %mul3A_9, %dma_wait3A_253] : memref<2x5000x64xi32, #tpu.memory_space<hbm>> -> memref<1x40x64xi32, #tpu.memory_space<hbm>>
        %dma_wait3A_255 = tpu.memref_squeeze %dma_wait3A_254 : memref<1x40x64xi32, #tpu.memory_space<hbm>> -> memref<40x64xi32, #tpu.memory_space<hbm>>
        tpu.wait_dma2 semaphore(%run_scoped3A_243 : memref<!tpu.dma_semaphore, #tpu.memory_space<semaphore_mem>>) src(%dma_wait3A_255 : memref<40x64xi32, #tpu.memory_space<hbm>>) dst(%arg8 : memref<40x64xi32, #tpu.memory_space<vmem>>)
        tpu.yield
      }) : () -> ()
    } else {
    }
    %mul3A_16 = arith.constant 160 : i32
    %mul3A_17 = arith.muli %add3A, %mul3A_16 : i32
    %ge3A_18 = arith.constant 5000 : i32
    %ge3A_19 = arith.cmpi sge, %mul3A_17, %ge3A_18 : i32
    %convert_element_type3A_20 = arith.extui %ge3A_19 : i1 to i32
    %cond3A_21 = arith.constant 0 : i32
    %cond3A_22 = arith.cmpi ne, %convert_element_type3A_20, %cond3A_21 : i32
    scf.if %cond3A_22 {
      %sub3A = arith.constant 5000 : i32
      %sub3A_243 = arith.subi %mul3A_17, %sub3A : i32
      "tpu.region"() ({
        %run_scoped3A = tpu.sem_alloc : memref<!tpu.dma_semaphore, #tpu.memory_space<semaphore_mem>>
        %dma_start3A_244 = arith.constant 0 : i32
        %dma_start3A_245 = tpu.memref_slice %arg4[%sub3A_243, %dma_start3A_244] : memref<120x64xi32, #tpu.memory_space<hbm>> -> memref<40x64xi32, #tpu.memory_space<hbm>>
        %dma_start3A_246 = arith.constant 0 : i32
        %dma_start3A_247 = tpu.memref_slice %arg4[%sub3A_243, %dma_start3A_246] : memref<120x64xi32, #tpu.memory_space<hbm>> -> memref<40x64xi32, #tpu.memory_space<hbm>>
        tpu.enqueue_dma source(%dma_start3A_247 : memref<40x64xi32, #tpu.memory_space<hbm>>) target(%arg9 : memref<40x64xi32, #tpu.memory_space<vmem>>) target_semaphore(%run_scoped3A : memref<!tpu.dma_semaphore, #tpu.memory_space<semaphore_mem>>)
        %dma_wait3A_248 = arith.constant 0 : i32
        %dma_wait3A_249 = tpu.memref_slice %arg4[%sub3A_243, %dma_wait3A_248] : memref<120x64xi32, #tpu.memory_space<hbm>> -> memref<40x64xi32, #tpu.memory_space<hbm>>
        %dma_wait3A_250 = arith.constant 0 : i32
        %dma_wait3A_251 = tpu.memref_slice %arg4[%sub3A_243, %dma_wait3A_250] : memref<120x64xi32, #tpu.memory_space<hbm>> -> memref<40x64xi32, #tpu.memory_space<hbm>>
        tpu.wait_dma2 semaphore(%run_scoped3A : memref<!tpu.dma_semaphore, #tpu.memory_space<semaphore_mem>>) src(%dma_wait3A_251 : memref<40x64xi32, #tpu.memory_space<hbm>>) dst(%arg9 : memref<40x64xi32, #tpu.memory_space<vmem>>)
        tpu.yield
      }) : () -> ()
    } else {
    }
    %not3A_23 = arith.constant true
    %not3A_24 = arith.xori %ge3A_19, %not3A_23 : i1
    %convert_element_type3A_25 = arith.extui %not3A_24 : i1 to i32
    %cond3A_26 = arith.constant 0 : i32
    %cond3A_27 = arith.cmpi ne, %convert_element_type3A_25, %cond3A_26 : i32
    scf.if %cond3A_27 {
      %run_scoped3A = arith.constant 1 : i32
      "tpu.region"() ({
        %run_scoped3A_243 = tpu.sem_alloc : memref<!tpu.dma_semaphore, #tpu.memory_space<semaphore_mem>>
        %dma_start3A_244 = arith.constant 0 : i32
        %dma_start3A_245 = tpu.memref_slice %arg2[%run_scoped3A, %mul3A_17, %dma_start3A_244] : memref<2x5000x64xi32, #tpu.memory_space<hbm>> -> memref<1x40x64xi32, #tpu.memory_space<hbm>>
        %dma_start3A_246 = tpu.memref_squeeze %dma_start3A_245 : memref<1x40x64xi32, #tpu.memory_space<hbm>> -> memref<40x64xi32, #tpu.memory_space<hbm>>
        %dma_start3A_247 = arith.constant 0 : i32
        %dma_start3A_248 = tpu.memref_slice %arg2[%run_scoped3A, %mul3A_17, %dma_start3A_247] : memref<2x5000x64xi32, #tpu.memory_space<hbm>> -> memref<1x40x64xi32, #tpu.memory_space<hbm>>
        %dma_start3A_249 = tpu.memref_squeeze %dma_start3A_248 : memref<1x40x64xi32, #tpu.memory_space<hbm>> -> memref<40x64xi32, #tpu.memory_space<hbm>>
        tpu.enqueue_dma source(%dma_start3A_249 : memref<40x64xi32, #tpu.memory_space<hbm>>) target(%arg9 : memref<40x64xi32, #tpu.memory_space<vmem>>) target_semaphore(%run_scoped3A_243 : memref<!tpu.dma_semaphore, #tpu.memory_space<semaphore_mem>>)
        %dma_wait3A_250 = arith.constant 0 : i32
        %dma_wait3A_251 = tpu.memref_slice %arg2[%run_scoped3A, %mul3A_17, %dma_wait3A_250] : memref<2x5000x64xi32, #tpu.memory_space<hbm>> -> memref<1x40x64xi32, #tpu.memory_space<hbm>>
        %dma_wait3A_252 = tpu.memref_squeeze %dma_wait3A_251 : memref<1x40x64xi32, #tpu.memory_space<hbm>> -> memref<40x64xi32, #tpu.memory_space<hbm>>
        %dma_wait3A_253 = arith.constant 0 : i32
        %dma_wait3A_254 = tpu.memref_slice %arg2[%run_scoped3A, %mul3A_17, %dma_wait3A_253] : memref<2x5000x64xi32, #tpu.memory_space<hbm>> -> memref<1x40x64xi32, #tpu.memory_space<hbm>>
        %dma_wait3A_255 = tpu.memref_squeeze %dma_wait3A_254 : memref<1x40x64xi32, #tpu.memory_space<hbm>> -> memref<40x64xi32, #tpu.memory_space<hbm>>
        tpu.wait_dma2 semaphore(%run_scoped3A_243 : memref<!tpu.dma_semaphore, #tpu.memory_space<semaphore_mem>>) src(%dma_wait3A_255 : memref<40x64xi32, #tpu.memory_space<hbm>>) dst(%arg9 : memref<40x64xi32, #tpu.memory_space<vmem>>)
        tpu.yield
      }) : () -> ()
    } else {
    }
    %dma_wait3A = arith.constant 0 : i32
    %dma_wait3A_28 = tpu.memref_slice %arg14[%mul3A_4, %dma_wait3A] : memref<10112x128xf32, #tpu.memory_space<vmem_shared>> -> memref<632x128xf32, #tpu.memory_space<vmem_shared>>
    %dma_wait3A_29 = arith.constant 0 : i32
    %dma_wait3A_30 = tpu.memref_slice %arg6[%mul3A_2, %dma_wait3A_29] : memref<10112x128xf32, #tpu.memory_space<hbm>> -> memref<632x128xf32, #tpu.memory_space<hbm>>
    tpu.wait_dma2 semaphore(%arg15 : memref<!tpu.dma_semaphore, #tpu.memory_space<semaphore_mem>>) src(%dma_wait3A_30 : memref<632x128xf32, #tpu.memory_space<hbm>>) dst(%dma_wait3A_28 : memref<632x128xf32, #tpu.memory_space<vmem_shared>>)
    %dma_start3A_31 = arith.constant 0 : i32
    %dma_start3A_32 = arith.constant 0 : i32
    %dma_start3A_33 = tpu.memref_slice %arg8[%dma_start3A_31, %dma_start3A_32] : memref<40x64xi32, #tpu.memory_space<vmem>> -> memref<1x64xi32, #tpu.memory_space<vmem>>
    %dma_start3A_34 = tpu.memref_squeeze %dma_start3A_33 : memref<1x64xi32, #tpu.memory_space<vmem>> -> memref<64xi32, #tpu.memory_space<vmem>>
    %dma_start3A_35 = arith.constant 0 : i32
    %dma_start3A_36 = arith.constant 0 : i32
    %dma_start3A_37 = tpu.memref_slice %arg5[%dma_start3A_35, %dma_start3A_36] : memref<10000x128xf32, #tpu.memory_space<hbm>> -> memref<10000x128xf32, #tpu.memory_space<hbm>>
    tpu.enqueue_indirect_dma source(%dma_start3A_37 : memref<10000x128xf32, #tpu.memory_space<hbm>>) target(%arg10 : memref<64x128xf32, #tpu.memory_space<vmem>>) offsets(%dma_start3A_34 : memref<64xi32, #tpu.memory_space<vmem>>) semaphore(%arg15 : memref<!tpu.dma_semaphore, #tpu.memory_space<semaphore_mem>>)
    %dma_start3A_38 = arith.constant 1 : i32
    %dma_start3A_39 = arith.constant 0 : i32
    %dma_start3A_40 = tpu.memref_slice %arg8[%dma_start3A_38, %dma_start3A_39] : memref<40x64xi32, #tpu.memory_space<vmem>> -> memref<1x64xi32, #tpu.memory_space<vmem>>
    %dma_start3A_41 = tpu.memref_squeeze %dma_start3A_40 : memref<1x64xi32, #tpu.memory_space<vmem>> -> memref<64xi32, #tpu.memory_space<vmem>>
    %dma_start3A_42 = arith.constant 0 : i32
    %dma_start3A_43 = arith.constant 0 : i32
    %dma_start3A_44 = tpu.memref_slice %arg5[%dma_start3A_42, %dma_start3A_43] : memref<10000x128xf32, #tpu.memory_space<hbm>> -> memref<10000x128xf32, #tpu.memory_space<hbm>>
    tpu.enqueue_indirect_dma source(%dma_start3A_44 : memref<10000x128xf32, #tpu.memory_space<hbm>>) target(%arg11 : memref<64x128xf32, #tpu.memory_space<vmem>>) offsets(%dma_start3A_41 : memref<64xi32, #tpu.memory_space<vmem>>) semaphore(%arg16 : memref<!tpu.dma_semaphore, #tpu.memory_space<semaphore_mem>>)
    %dma_start3A_45 = arith.constant 2 : i32
    %dma_start3A_46 = arith.constant 0 : i32
    %dma_start3A_47 = tpu.memref_slice %arg8[%dma_start3A_45, %dma_start3A_46] : memref<40x64xi32, #tpu.memory_space<vmem>> -> memref<1x64xi32, #tpu.memory_space<vmem>>
    %dma_start3A_48 = tpu.memref_squeeze %dma_start3A_47 : memref<1x64xi32, #tpu.memory_space<vmem>> -> memref<64xi32, #tpu.memory_space<vmem>>
    %dma_start3A_49 = arith.constant 0 : i32
    %dma_start3A_50 = arith.constant 0 : i32
    %dma_start3A_51 = tpu.memref_slice %arg5[%dma_start3A_49, %dma_start3A_50] : memref<10000x128xf32, #tpu.memory_space<hbm>> -> memref<10000x128xf32, #tpu.memory_space<hbm>>
    tpu.enqueue_indirect_dma source(%dma_start3A_51 : memref<10000x128xf32, #tpu.memory_space<hbm>>) target(%arg12 : memref<64x128xf32, #tpu.memory_space<vmem>>) offsets(%dma_start3A_48 : memref<64xi32, #tpu.memory_space<vmem>>) semaphore(%arg17 : memref<!tpu.dma_semaphore, #tpu.memory_space<semaphore_mem>>)
    %dma_start3A_52 = arith.constant 3 : i32
    %dma_start3A_53 = arith.constant 0 : i32
    %dma_start3A_54 = tpu.memref_slice %arg8[%dma_start3A_52, %dma_start3A_53] : memref<40x64xi32, #tpu.memory_space<vmem>> -> memref<1x64xi32, #tpu.memory_space<vmem>>
    %dma_start3A_55 = tpu.memref_squeeze %dma_start3A_54 : memref<1x64xi32, #tpu.memory_space<vmem>> -> memref<64xi32, #tpu.memory_space<vmem>>
    %dma_start3A_56 = arith.constant 0 : i32
    %dma_start3A_57 = arith.constant 0 : i32
    %dma_start3A_58 = tpu.memref_slice %arg5[%dma_start3A_56, %dma_start3A_57] : memref<10000x128xf32, #tpu.memory_space<hbm>> -> memref<10000x128xf32, #tpu.memory_space<hbm>>
    tpu.enqueue_indirect_dma source(%dma_start3A_58 : memref<10000x128xf32, #tpu.memory_space<hbm>>) target(%arg13 : memref<64x128xf32, #tpu.memory_space<vmem>>) offsets(%dma_start3A_55 : memref<64xi32, #tpu.memory_space<vmem>>) semaphore(%arg18 : memref<!tpu.dma_semaphore, #tpu.memory_space<semaphore_mem>>)
    %barrier3A = arith.constant 0 : index
    tpu.barrier barrier_id(%barrier3A)
    %mul3A_59 = arith.constant 160 : i32
    %mul3A_60 = arith.muli %add3A, %mul3A_59 : i32
    %add3A_61 = arith.constant 0 : i32
    %add3A_62 = arith.addi %mul3A_60, %add3A_61 : i32
    %scan3A = arith.constant 0 : i32
    %scan3A_63 = arith.constant 10 : i32
    %scan3A_64 = arith.addi %scan3A, %scan3A_63 : i32
    %scan3A_65 = arith.constant 1 : i32
    scf.for %scan3A_243 = %scan3A to %scan3A_64 step %scan3A_65  : i32 {
      %mul3A_244 = arith.constant 1 : i32
      %mul3A_245 = arith.muli %scan3A_243, %mul3A_244 : i32
      %add3A_246 = arith.constant 0 : i32
      %add3A_247 = arith.addi %add3A_246, %mul3A_245 : i32
      %mul3A_248 = arith.constant 4 : i32
      %mul3A_249 = arith.muli %add3A_247, %mul3A_248 : i32
      %add3A_250 = arith.constant 0 : i32
      %add3A_251 = arith.addi %mul3A_249, %add3A_250 : i32
      %dma_wait3A_252 = arith.constant 0 : i32
      %dma_wait3A_253 = tpu.memref_slice %arg8[%add3A_251, %dma_wait3A_252] : memref<40x64xi32, #tpu.memory_space<vmem>> -> memref<1x64xi32, #tpu.memory_space<vmem>>
      %dma_wait3A_254 = tpu.memref_squeeze %dma_wait3A_253 : memref<1x64xi32, #tpu.memory_space<vmem>> -> memref<64xi32, #tpu.memory_space<vmem>>
      %dma_wait3A_255 = arith.constant 0 : i32
      %dma_wait3A_256 = arith.constant 0 : i32
      %dma_wait3A_257 = tpu.memref_slice %arg5[%dma_wait3A_255, %dma_wait3A_256] : memref<10000x128xf32, #tpu.memory_space<hbm>> -> memref<10000x128xf32, #tpu.memory_space<hbm>>
      tpu.wait_indirect_dma semaphore(%arg15 : memref<!tpu.dma_semaphore, #tpu.memory_space<semaphore_mem>>) src(%dma_wait3A_257 : memref<10000x128xf32, #tpu.memory_space<hbm>>) dst(%arg10 : memref<64x128xf32, #tpu.memory_space<vmem>>)
      %add3A_258 = arith.constant 0 : i32
      %add3A_259 = arith.addi %mul3A_249, %add3A_258 : i32
      %dma_start3A_260 = arith.constant 0 : i32
      %dma_start3A_261 = tpu.memref_slice %arg9[%add3A_259, %dma_start3A_260] : memref<40x64xi32, #tpu.memory_space<vmem>> -> memref<1x64xi32, #tpu.memory_space<vmem>>
      %dma_start3A_262 = tpu.memref_squeeze %dma_start3A_261 : memref<1x64xi32, #tpu.memory_space<vmem>> -> memref<64xi32, #tpu.memory_space<vmem>>
      %dma_start3A_263 = arith.constant 0 : i32
      %dma_start3A_264 = arith.constant 0 : i32
      %dma_start3A_265 = tpu.memref_slice %arg14[%dma_start3A_263, %dma_start3A_264] : memref<10112x128xf32, #tpu.memory_space<vmem_shared>> -> memref<10112x128xf32, #tpu.memory_space<vmem_shared>>
      tpu.enqueue_indirect_dma source(%arg10 : memref<64x128xf32, #tpu.memory_space<vmem>>) target(%dma_start3A_265 : memref<10112x128xf32, #tpu.memory_space<vmem_shared>>) offsets(%dma_start3A_262 : memref<64xi32, #tpu.memory_space<vmem>>) semaphore(%arg19 : memref<!tpu.dma_semaphore, #tpu.memory_space<semaphore_mem>>) {add = true}
      %add3A_266 = arith.constant 1 : i32
      %add3A_267 = arith.addi %mul3A_249, %add3A_266 : i32
      %dma_wait3A_268 = arith.constant 0 : i32
      %dma_wait3A_269 = tpu.memref_slice %arg8[%add3A_267, %dma_wait3A_268] : memref<40x64xi32, #tpu.memory_space<vmem>> -> memref<1x64xi32, #tpu.memory_space<vmem>>
      %dma_wait3A_270 = tpu.memref_squeeze %dma_wait3A_269 : memref<1x64xi32, #tpu.memory_space<vmem>> -> memref<64xi32, #tpu.memory_space<vmem>>
      %dma_wait3A_271 = arith.constant 0 : i32
      %dma_wait3A_272 = arith.constant 0 : i32
      %dma_wait3A_273 = tpu.memref_slice %arg5[%dma_wait3A_271, %dma_wait3A_272] : memref<10000x128xf32, #tpu.memory_space<hbm>> -> memref<10000x128xf32, #tpu.memory_space<hbm>>
      tpu.wait_indirect_dma semaphore(%arg16 : memref<!tpu.dma_semaphore, #tpu.memory_space<semaphore_mem>>) src(%dma_wait3A_273 : memref<10000x128xf32, #tpu.memory_space<hbm>>) dst(%arg11 : memref<64x128xf32, #tpu.memory_space<vmem>>)
      %add3A_274 = arith.constant 1 : i32
      %add3A_275 = arith.addi %mul3A_249, %add3A_274 : i32
      %dma_start3A_276 = arith.constant 0 : i32
      %dma_start3A_277 = tpu.memref_slice %arg9[%add3A_275, %dma_start3A_276] : memref<40x64xi32, #tpu.memory_space<vmem>> -> memref<1x64xi32, #tpu.memory_space<vmem>>
      %dma_start3A_278 = tpu.memref_squeeze %dma_start3A_277 : memref<1x64xi32, #tpu.memory_space<vmem>> -> memref<64xi32, #tpu.memory_space<vmem>>
      %dma_start3A_279 = arith.constant 0 : i32
      %dma_start3A_280 = arith.constant 0 : i32
      %dma_start3A_281 = tpu.memref_slice %arg14[%dma_start3A_279, %dma_start3A_280] : memref<10112x128xf32, #tpu.memory_space<vmem_shared>> -> memref<10112x128xf32, #tpu.memory_space<vmem_shared>>
      tpu.enqueue_indirect_dma source(%arg11 : memref<64x128xf32, #tpu.memory_space<vmem>>) target(%dma_start3A_281 : memref<10112x128xf32, #tpu.memory_space<vmem_shared>>) offsets(%dma_start3A_278 : memref<64xi32, #tpu.memory_space<vmem>>) semaphore(%arg20 : memref<!tpu.dma_semaphore, #tpu.memory_space<semaphore_mem>>) {add = true}
      %add3A_282 = arith.constant 2 : i32
      %add3A_283 = arith.addi %mul3A_249, %add3A_282 : i32
      %dma_wait3A_284 = arith.constant 0 : i32
      %dma_wait3A_285 = tpu.memref_slice %arg8[%add3A_283, %dma_wait3A_284] : memref<40x64xi32, #tpu.memory_space<vmem>> -> memref<1x64xi32, #tpu.memory_space<vmem>>
      %dma_wait3A_286 = tpu.memref_squeeze %dma_wait3A_285 : memref<1x64xi32, #tpu.memory_space<vmem>> -> memref<64xi32, #tpu.memory_space<vmem>>
      %dma_wait3A_287 = arith.constant 0 : i32
      %dma_wait3A_288 = arith.constant 0 : i32
      %dma_wait3A_289 = tpu.memref_slice %arg5[%dma_wait3A_287, %dma_wait3A_288] : memref<10000x128xf32, #tpu.memory_space<hbm>> -> memref<10000x128xf32, #tpu.memory_space<hbm>>
      tpu.wait_indirect_dma semaphore(%arg17 : memref<!tpu.dma_semaphore, #tpu.memory_space<semaphore_mem>>) src(%dma_wait3A_289 : memref<10000x128xf32, #tpu.memory_space<hbm>>) dst(%arg12 : memref<64x128xf32, #tpu.memory_space<vmem>>)
      %add3A_290 = arith.constant 2 : i32
      %add3A_291 = arith.addi %mul3A_249, %add3A_290 : i32
      %dma_start3A_292 = arith.constant 0 : i32
      %dma_start3A_293 = tpu.memref_slice %arg9[%add3A_291, %dma_start3A_292] : memref<40x64xi32, #tpu.memory_space<vmem>> -> memref<1x64xi32, #tpu.memory_space<vmem>>
      %dma_start3A_294 = tpu.memref_squeeze %dma_start3A_293 : memref<1x64xi32, #tpu.memory_space<vmem>> -> memref<64xi32, #tpu.memory_space<vmem>>
      %dma_start3A_295 = arith.constant 0 : i32
      %dma_start3A_296 = arith.constant 0 : i32
      %dma_start3A_297 = tpu.memref_slice %arg14[%dma_start3A_295, %dma_start3A_296] : memref<10112x128xf32, #tpu.memory_space<vmem_shared>> -> memref<10112x128xf32, #tpu.memory_space<vmem_shared>>
      tpu.enqueue_indirect_dma source(%arg12 : memref<64x128xf32, #tpu.memory_space<vmem>>) target(%dma_start3A_297 : memref<10112x128xf32, #tpu.memory_space<vmem_shared>>) offsets(%dma_start3A_294 : memref<64xi32, #tpu.memory_space<vmem>>) semaphore(%arg21 : memref<!tpu.dma_semaphore, #tpu.memory_space<semaphore_mem>>) {add = true}
      %add3A_298 = arith.constant 3 : i32
      %add3A_299 = arith.addi %mul3A_249, %add3A_298 : i32
      %dma_wait3A_300 = arith.constant 0 : i32
      %dma_wait3A_301 = tpu.memref_slice %arg8[%add3A_299, %dma_wait3A_300] : memref<40x64xi32, #tpu.memory_space<vmem>> -> memref<1x64xi32, #tpu.memory_space<vmem>>
      %dma_wait3A_302 = tpu.memref_squeeze %dma_wait3A_301 : memref<1x64xi32, #tpu.memory_space<vmem>> -> memref<64xi32, #tpu.memory_space<vmem>>
      %dma_wait3A_303 = arith.constant 0 : i32
      %dma_wait3A_304 = arith.constant 0 : i32
      %dma_wait3A_305 = tpu.memref_slice %arg5[%dma_wait3A_303, %dma_wait3A_304] : memref<10000x128xf32, #tpu.memory_space<hbm>> -> memref<10000x128xf32, #tpu.memory_space<hbm>>
      tpu.wait_indirect_dma semaphore(%arg18 : memref<!tpu.dma_semaphore, #tpu.memory_space<semaphore_mem>>) src(%dma_wait3A_305 : memref<10000x128xf32, #tpu.memory_space<hbm>>) dst(%arg13 : memref<64x128xf32, #tpu.memory_space<vmem>>)
      %add3A_306 = arith.constant 3 : i32
      %add3A_307 = arith.addi %mul3A_249, %add3A_306 : i32
      %dma_start3A_308 = arith.constant 0 : i32
      %dma_start3A_309 = tpu.memref_slice %arg9[%add3A_307, %dma_start3A_308] : memref<40x64xi32, #tpu.memory_space<vmem>> -> memref<1x64xi32, #tpu.memory_space<vmem>>
      %dma_start3A_310 = tpu.memref_squeeze %dma_start3A_309 : memref<1x64xi32, #tpu.memory_space<vmem>> -> memref<64xi32, #tpu.memory_space<vmem>>
      %dma_start3A_311 = arith.constant 0 : i32
      %dma_start3A_312 = arith.constant 0 : i32
      %dma_start3A_313 = tpu.memref_slice %arg14[%dma_start3A_311, %dma_start3A_312] : memref<10112x128xf32, #tpu.memory_space<vmem_shared>> -> memref<10112x128xf32, #tpu.memory_space<vmem_shared>>
      tpu.enqueue_indirect_dma source(%arg13 : memref<64x128xf32, #tpu.memory_space<vmem>>) target(%dma_start3A_313 : memref<10112x128xf32, #tpu.memory_space<vmem_shared>>) offsets(%dma_start3A_310 : memref<64xi32, #tpu.memory_space<vmem>>) semaphore(%arg22 : memref<!tpu.dma_semaphore, #tpu.memory_space<semaphore_mem>>) {add = true}
      %add3A_314 = arith.constant 0 : i32
      %add3A_315 = arith.addi %mul3A_249, %add3A_314 : i32
      %dma_wait3A_316 = arith.constant 0 : i32
      %dma_wait3A_317 = tpu.memref_slice %arg9[%add3A_315, %dma_wait3A_316] : memref<40x64xi32, #tpu.memory_space<vmem>> -> memref<1x64xi32, #tpu.memory_space<vmem>>
      %dma_wait3A_318 = tpu.memref_squeeze %dma_wait3A_317 : memref<1x64xi32, #tpu.memory_space<vmem>> -> memref<64xi32, #tpu.memory_space<vmem>>
      %dma_wait3A_319 = arith.constant 0 : i32
      %dma_wait3A_320 = arith.constant 0 : i32
      %dma_wait3A_321 = tpu.memref_slice %arg14[%dma_wait3A_319, %dma_wait3A_320] : memref<10112x128xf32, #tpu.memory_space<vmem_shared>> -> memref<10112x128xf32, #tpu.memory_space<vmem_shared>>
      tpu.wait_indirect_dma semaphore(%arg19 : memref<!tpu.dma_semaphore, #tpu.memory_space<semaphore_mem>>) src(%arg10 : memref<64x128xf32, #tpu.memory_space<vmem>>) dst(%dma_wait3A_321 : memref<10112x128xf32, #tpu.memory_space<vmem_shared>>)
      %add3A_322 = arith.constant 4 : i32
      %add3A_323 = arith.addi %mul3A_249, %add3A_322 : i32
      %add3A_324 = arith.constant 0 : i32
      %add3A_325 = arith.addi %add3A_323, %add3A_324 : i32
      %lt3A = arith.constant 40 : i32
      %lt3A_326 = arith.cmpi slt, %add3A_325, %lt3A : i32
      %convert_element_type3A_327 = arith.extui %lt3A_326 : i1 to i32
      %cond3A_328 = arith.constant 0 : i32
      %cond3A_329 = arith.cmpi ne, %convert_element_type3A_327, %cond3A_328 : i32
      scf.if %cond3A_329 {
        %add3A_381 = arith.constant 4 : i32
        %add3A_382 = arith.addi %mul3A_249, %add3A_381 : i32
        %add3A_383 = arith.constant 0 : i32
        %add3A_384 = arith.addi %add3A_382, %add3A_383 : i32
        %dma_start3A_385 = arith.constant 0 : i32
        %dma_start3A_386 = tpu.memref_slice %arg8[%add3A_384, %dma_start3A_385] : memref<40x64xi32, #tpu.memory_space<vmem>> -> memref<1x64xi32, #tpu.memory_space<vmem>>
        %dma_start3A_387 = tpu.memref_squeeze %dma_start3A_386 : memref<1x64xi32, #tpu.memory_space<vmem>> -> memref<64xi32, #tpu.memory_space<vmem>>
        %dma_start3A_388 = arith.constant 0 : i32
        %dma_start3A_389 = arith.constant 0 : i32
        %dma_start3A_390 = tpu.memref_slice %arg5[%dma_start3A_388, %dma_start3A_389] : memref<10000x128xf32, #tpu.memory_space<hbm>> -> memref<10000x128xf32, #tpu.memory_space<hbm>>
        tpu.enqueue_indirect_dma source(%dma_start3A_390 : memref<10000x128xf32, #tpu.memory_space<hbm>>) target(%arg10 : memref<64x128xf32, #tpu.memory_space<vmem>>) offsets(%dma_start3A_387 : memref<64xi32, #tpu.memory_space<vmem>>) semaphore(%arg15 : memref<!tpu.dma_semaphore, #tpu.memory_space<semaphore_mem>>)
      } else {
      }
      %add3A_330 = arith.constant 1 : i32
      %add3A_331 = arith.addi %mul3A_249, %add3A_330 : i32
      %dma_wait3A_332 = arith.constant 0 : i32
      %dma_wait3A_333 = tpu.memref_slice %arg9[%add3A_331, %dma_wait3A_332] : memref<40x64xi32, #tpu.memory_space<vmem>> -> memref<1x64xi32, #tpu.memory_space<vmem>>
      %dma_wait3A_334 = tpu.memref_squeeze %dma_wait3A_333 : memref<1x64xi32, #tpu.memory_space<vmem>> -> memref<64xi32, #tpu.memory_space<vmem>>
      %dma_wait3A_335 = arith.constant 0 : i32
      %dma_wait3A_336 = arith.constant 0 : i32
      %dma_wait3A_337 = tpu.memref_slice %arg14[%dma_wait3A_335, %dma_wait3A_336] : memref<10112x128xf32, #tpu.memory_space<vmem_shared>> -> memref<10112x128xf32, #tpu.memory_space<vmem_shared>>
      tpu.wait_indirect_dma semaphore(%arg20 : memref<!tpu.dma_semaphore, #tpu.memory_space<semaphore_mem>>) src(%arg11 : memref<64x128xf32, #tpu.memory_space<vmem>>) dst(%dma_wait3A_337 : memref<10112x128xf32, #tpu.memory_space<vmem_shared>>)
      %add3A_338 = arith.constant 4 : i32
      %add3A_339 = arith.addi %mul3A_249, %add3A_338 : i32
      %add3A_340 = arith.constant 1 : i32
      %add3A_341 = arith.addi %add3A_339, %add3A_340 : i32
      %lt3A_342 = arith.constant 40 : i32
      %lt3A_343 = arith.cmpi slt, %add3A_341, %lt3A_342 : i32
      %convert_element_type3A_344 = arith.extui %lt3A_343 : i1 to i32
      %cond3A_345 = arith.constant 0 : i32
      %cond3A_346 = arith.cmpi ne, %convert_element_type3A_344, %cond3A_345 : i32
      scf.if %cond3A_346 {
        %add3A_381 = arith.constant 4 : i32
        %add3A_382 = arith.addi %mul3A_249, %add3A_381 : i32
        %add3A_383 = arith.constant 1 : i32
        %add3A_384 = arith.addi %add3A_382, %add3A_383 : i32
        %dma_start3A_385 = arith.constant 0 : i32
        %dma_start3A_386 = tpu.memref_slice %arg8[%add3A_384, %dma_start3A_385] : memref<40x64xi32, #tpu.memory_space<vmem>> -> memref<1x64xi32, #tpu.memory_space<vmem>>
        %dma_start3A_387 = tpu.memref_squeeze %dma_start3A_386 : memref<1x64xi32, #tpu.memory_space<vmem>> -> memref<64xi32, #tpu.memory_space<vmem>>
        %dma_start3A_388 = arith.constant 0 : i32
        %dma_start3A_389 = arith.constant 0 : i32
        %dma_start3A_390 = tpu.memref_slice %arg5[%dma_start3A_388, %dma_start3A_389] : memref<10000x128xf32, #tpu.memory_space<hbm>> -> memref<10000x128xf32, #tpu.memory_space<hbm>>
        tpu.enqueue_indirect_dma source(%dma_start3A_390 : memref<10000x128xf32, #tpu.memory_space<hbm>>) target(%arg11 : memref<64x128xf32, #tpu.memory_space<vmem>>) offsets(%dma_start3A_387 : memref<64xi32, #tpu.memory_space<vmem>>) semaphore(%arg16 : memref<!tpu.dma_semaphore, #tpu.memory_space<semaphore_mem>>)
      } else {
      }
      %add3A_347 = arith.constant 2 : i32
      %add3A_348 = arith.addi %mul3A_249, %add3A_347 : i32
      %dma_wait3A_349 = arith.constant 0 : i32
      %dma_wait3A_350 = tpu.memref_slice %arg9[%add3A_348, %dma_wait3A_349] : memref<40x64xi32, #tpu.memory_space<vmem>> -> memref<1x64xi32, #tpu.memory_space<vmem>>
      %dma_wait3A_351 = tpu.memref_squeeze %dma_wait3A_350 : memref<1x64xi32, #tpu.memory_space<vmem>> -> memref<64xi32, #tpu.memory_space<vmem>>
      %dma_wait3A_352 = arith.constant 0 : i32
      %dma_wait3A_353 = arith.constant 0 : i32
      %dma_wait3A_354 = tpu.memref_slice %arg14[%dma_wait3A_352, %dma_wait3A_353] : memref<10112x128xf32, #tpu.memory_space<vmem_shared>> -> memref<10112x128xf32, #tpu.memory_space<vmem_shared>>
      tpu.wait_indirect_dma semaphore(%arg21 : memref<!tpu.dma_semaphore, #tpu.memory_space<semaphore_mem>>) src(%arg12 : memref<64x128xf32, #tpu.memory_space<vmem>>) dst(%dma_wait3A_354 : memref<10112x128xf32, #tpu.memory_space<vmem_shared>>)
      %add3A_355 = arith.constant 4 : i32
      %add3A_356 = arith.addi %mul3A_249, %add3A_355 : i32
      %add3A_357 = arith.constant 2 : i32
      %add3A_358 = arith.addi %add3A_356, %add3A_357 : i32
      %lt3A_359 = arith.constant 40 : i32
      %lt3A_360 = arith.cmpi slt, %add3A_358, %lt3A_359 : i32
      %convert_element_type3A_361 = arith.extui %lt3A_360 : i1 to i32
      %cond3A_362 = arith.constant 0 : i32
      %cond3A_363 = arith.cmpi ne, %convert_element_type3A_361, %cond3A_362 : i32
      scf.if %cond3A_363 {
        %add3A_381 = arith.constant 4 : i32
        %add3A_382 = arith.addi %mul3A_249, %add3A_381 : i32
        %add3A_383 = arith.constant 2 : i32
        %add3A_384 = arith.addi %add3A_382, %add3A_383 : i32
        %dma_start3A_385 = arith.constant 0 : i32
        %dma_start3A_386 = tpu.memref_slice %arg8[%add3A_384, %dma_start3A_385] : memref<40x64xi32, #tpu.memory_space<vmem>> -> memref<1x64xi32, #tpu.memory_space<vmem>>
        %dma_start3A_387 = tpu.memref_squeeze %dma_start3A_386 : memref<1x64xi32, #tpu.memory_space<vmem>> -> memref<64xi32, #tpu.memory_space<vmem>>
        %dma_start3A_388 = arith.constant 0 : i32
        %dma_start3A_389 = arith.constant 0 : i32
        %dma_start3A_390 = tpu.memref_slice %arg5[%dma_start3A_388, %dma_start3A_389] : memref<10000x128xf32, #tpu.memory_space<hbm>> -> memref<10000x128xf32, #tpu.memory_space<hbm>>
        tpu.enqueue_indirect_dma source(%dma_start3A_390 : memref<10000x128xf32, #tpu.memory_space<hbm>>) target(%arg12 : memref<64x128xf32, #tpu.memory_space<vmem>>) offsets(%dma_start3A_387 : memref<64xi32, #tpu.memory_space<vmem>>) semaphore(%arg17 : memref<!tpu.dma_semaphore, #tpu.memory_space<semaphore_mem>>)
      } else {
      }
      %add3A_364 = arith.constant 3 : i32
      %add3A_365 = arith.addi %mul3A_249, %add3A_364 : i32
      %dma_wait3A_366 = arith.constant 0 : i32
      %dma_wait3A_367 = tpu.memref_slice %arg9[%add3A_365, %dma_wait3A_366] : memref<40x64xi32, #tpu.memory_space<vmem>> -> memref<1x64xi32, #tpu.memory_space<vmem>>
      %dma_wait3A_368 = tpu.memref_squeeze %dma_wait3A_367 : memref<1x64xi32, #tpu.memory_space<vmem>> -> memref<64xi32, #tpu.memory_space<vmem>>
      %dma_wait3A_369 = arith.constant 0 : i32
      %dma_wait3A_370 = arith.constant 0 : i32
      %dma_wait3A_371 = tpu.memref_slice %arg14[%dma_wait3A_369, %dma_wait3A_370] : memref<10112x128xf32, #tpu.memory_space<vmem_shared>> -> memref<10112x128xf32, #tpu.memory_space<vmem_shared>>
      tpu.wait_indirect_dma semaphore(%arg22 : memref<!tpu.dma_semaphore, #tpu.memory_space<semaphore_mem>>) src(%arg13 : memref<64x128xf32, #tpu.memory_space<vmem>>) dst(%dma_wait3A_371 : memref<10112x128xf32, #tpu.memory_space<vmem_shared>>)
      %add3A_372 = arith.constant 4 : i32
      %add3A_373 = arith.addi %mul3A_249, %add3A_372 : i32
      %add3A_374 = arith.constant 3 : i32
      %add3A_375 = arith.addi %add3A_373, %add3A_374 : i32
      %lt3A_376 = arith.constant 40 : i32
      %lt3A_377 = arith.cmpi slt, %add3A_375, %lt3A_376 : i32
      %convert_element_type3A_378 = arith.extui %lt3A_377 : i1 to i32
      %cond3A_379 = arith.constant 0 : i32
      %cond3A_380 = arith.cmpi ne, %convert_element_type3A_378, %cond3A_379 : i32
      scf.if %cond3A_380 {
        %add3A_381 = arith.constant 4 : i32
        %add3A_382 = arith.addi %mul3A_249, %add3A_381 : i32
        %add3A_383 = arith.constant 3 : i32
        %add3A_384 = arith.addi %add3A_382, %add3A_383 : i32
        %dma_start3A_385 = arith.constant 0 : i32
        %dma_start3A_386 = tpu.memref_slice %arg8[%add3A_384, %dma_start3A_385] : memref<40x64xi32, #tpu.memory_space<vmem>> -> memref<1x64xi32, #tpu.memory_space<vmem>>
        %dma_start3A_387 = tpu.memref_squeeze %dma_start3A_386 : memref<1x64xi32, #tpu.memory_space<vmem>> -> memref<64xi32, #tpu.memory_space<vmem>>
        %dma_start3A_388 = arith.constant 0 : i32
        %dma_start3A_389 = arith.constant 0 : i32
        %dma_start3A_390 = tpu.memref_slice %arg5[%dma_start3A_388, %dma_start3A_389] : memref<10000x128xf32, #tpu.memory_space<hbm>> -> memref<10000x128xf32, #tpu.memory_space<hbm>>
        tpu.enqueue_indirect_dma source(%dma_start3A_390 : memref<10000x128xf32, #tpu.memory_space<hbm>>) target(%arg13 : memref<64x128xf32, #tpu.memory_space<vmem>>) offsets(%dma_start3A_387 : memref<64xi32, #tpu.memory_space<vmem>>) semaphore(%arg18 : memref<!tpu.dma_semaphore, #tpu.memory_space<semaphore_mem>>)
      } else {
      }
    }
    %scan3A_66 = arith.constant 10 : i32
    %mul3A_67 = arith.constant 160 : i32
    %mul3A_68 = arith.muli %add3A, %mul3A_67 : i32
    %add3A_69 = arith.constant 40 : i32
    %add3A_70 = arith.addi %mul3A_68, %add3A_69 : i32
    %ge3A_71 = arith.constant 5000 : i32
    %ge3A_72 = arith.cmpi sge, %add3A_70, %ge3A_71 : i32
    %convert_element_type3A_73 = arith.extui %ge3A_72 : i1 to i32
    %cond3A_74 = arith.constant 0 : i32
    %cond3A_75 = arith.cmpi ne, %convert_element_type3A_73, %cond3A_74 : i32
    scf.if %cond3A_75 {
      %sub3A = arith.constant 5000 : i32
      %sub3A_243 = arith.subi %add3A_70, %sub3A : i32
      "tpu.region"() ({
        %run_scoped3A = tpu.sem_alloc : memref<!tpu.dma_semaphore, #tpu.memory_space<semaphore_mem>>
        %dma_start3A_244 = arith.constant 0 : i32
        %dma_start3A_245 = tpu.memref_slice %arg3[%sub3A_243, %dma_start3A_244] : memref<120x64xi32, #tpu.memory_space<hbm>> -> memref<40x64xi32, #tpu.memory_space<hbm>>
        %dma_start3A_246 = arith.constant 0 : i32
        %dma_start3A_247 = tpu.memref_slice %arg3[%sub3A_243, %dma_start3A_246] : memref<120x64xi32, #tpu.memory_space<hbm>> -> memref<40x64xi32, #tpu.memory_space<hbm>>
        tpu.enqueue_dma source(%dma_start3A_247 : memref<40x64xi32, #tpu.memory_space<hbm>>) target(%arg8 : memref<40x64xi32, #tpu.memory_space<vmem>>) target_semaphore(%run_scoped3A : memref<!tpu.dma_semaphore, #tpu.memory_space<semaphore_mem>>)
        %dma_wait3A_248 = arith.constant 0 : i32
        %dma_wait3A_249 = tpu.memref_slice %arg3[%sub3A_243, %dma_wait3A_248] : memref<120x64xi32, #tpu.memory_space<hbm>> -> memref<40x64xi32, #tpu.memory_space<hbm>>
        %dma_wait3A_250 = arith.constant 0 : i32
        %dma_wait3A_251 = tpu.memref_slice %arg3[%sub3A_243, %dma_wait3A_250] : memref<120x64xi32, #tpu.memory_space<hbm>> -> memref<40x64xi32, #tpu.memory_space<hbm>>
        tpu.wait_dma2 semaphore(%run_scoped3A : memref<!tpu.dma_semaphore, #tpu.memory_space<semaphore_mem>>) src(%dma_wait3A_251 : memref<40x64xi32, #tpu.memory_space<hbm>>) dst(%arg8 : memref<40x64xi32, #tpu.memory_space<vmem>>)
        tpu.yield
      }) : () -> ()
    } else {
    }
    %not3A_76 = arith.constant true
    %not3A_77 = arith.xori %ge3A_72, %not3A_76 : i1
    %convert_element_type3A_78 = arith.extui %not3A_77 : i1 to i32
    %cond3A_79 = arith.constant 0 : i32
    %cond3A_80 = arith.cmpi ne, %convert_element_type3A_78, %cond3A_79 : i32
    scf.if %cond3A_80 {
      %run_scoped3A = arith.constant 0 : i32
      "tpu.region"() ({
        %run_scoped3A_243 = tpu.sem_alloc : memref<!tpu.dma_semaphore, #tpu.memory_space<semaphore_mem>>
        %dma_start3A_244 = arith.constant 0 : i32
        %dma_start3A_245 = tpu.memref_slice %arg2[%run_scoped3A, %add3A_70, %dma_start3A_244] : memref<2x5000x64xi32, #tpu.memory_space<hbm>> -> memref<1x40x64xi32, #tpu.memory_space<hbm>>
        %dma_start3A_246 = tpu.memref_squeeze %dma_start3A_245 : memref<1x40x64xi32, #tpu.memory_space<hbm>> -> memref<40x64xi32, #tpu.memory_space<hbm>>
        %dma_start3A_247 = arith.constant 0 : i32
        %dma_start3A_248 = tpu.memref_slice %arg2[%run_scoped3A, %add3A_70, %dma_start3A_247] : memref<2x5000x64xi32, #tpu.memory_space<hbm>> -> memref<1x40x64xi32, #tpu.memory_space<hbm>>
        %dma_start3A_249 = tpu.memref_squeeze %dma_start3A_248 : memref<1x40x64xi32, #tpu.memory_space<hbm>> -> memref<40x64xi32, #tpu.memory_space<hbm>>
        tpu.enqueue_dma source(%dma_start3A_249 : memref<40x64xi32, #tpu.memory_space<hbm>>) target(%arg8 : memref<40x64xi32, #tpu.memory_space<vmem>>) target_semaphore(%run_scoped3A_243 : memref<!tpu.dma_semaphore, #tpu.memory_space<semaphore_mem>>)
        %dma_wait3A_250 = arith.constant 0 : i32
        %dma_wait3A_251 = tpu.memref_slice %arg2[%run_scoped3A, %add3A_70, %dma_wait3A_250] : memref<2x5000x64xi32, #tpu.memory_space<hbm>> -> memref<1x40x64xi32, #tpu.memory_space<hbm>>
        %dma_wait3A_252 = tpu.memref_squeeze %dma_wait3A_251 : memref<1x40x64xi32, #tpu.memory_space<hbm>> -> memref<40x64xi32, #tpu.memory_space<hbm>>
        %dma_wait3A_253 = arith.constant 0 : i32
        %dma_wait3A_254 = tpu.memref_slice %arg2[%run_scoped3A, %add3A_70, %dma_wait3A_253] : memref<2x5000x64xi32, #tpu.memory_space<hbm>> -> memref<1x40x64xi32, #tpu.memory_space<hbm>>
        %dma_wait3A_255 = tpu.memref_squeeze %dma_wait3A_254 : memref<1x40x64xi32, #tpu.memory_space<hbm>> -> memref<40x64xi32, #tpu.memory_space<hbm>>
        tpu.wait_dma2 semaphore(%run_scoped3A_243 : memref<!tpu.dma_semaphore, #tpu.memory_space<semaphore_mem>>) src(%dma_wait3A_255 : memref<40x64xi32, #tpu.memory_space<hbm>>) dst(%arg8 : memref<40x64xi32, #tpu.memory_space<vmem>>)
        tpu.yield
      }) : () -> ()
    } else {
    }
    %ge3A_81 = arith.constant 5000 : i32
    %ge3A_82 = arith.cmpi sge, %add3A_70, %ge3A_81 : i32
    %convert_element_type3A_83 = arith.extui %ge3A_82 : i1 to i32
    %cond3A_84 = arith.constant 0 : i32
    %cond3A_85 = arith.cmpi ne, %convert_element_type3A_83, %cond3A_84 : i32
    scf.if %cond3A_85 {
      %sub3A = arith.constant 5000 : i32
      %sub3A_243 = arith.subi %add3A_70, %sub3A : i32
      "tpu.region"() ({
        %run_scoped3A = tpu.sem_alloc : memref<!tpu.dma_semaphore, #tpu.memory_space<semaphore_mem>>
        %dma_start3A_244 = arith.constant 0 : i32
        %dma_start3A_245 = tpu.memref_slice %arg4[%sub3A_243, %dma_start3A_244] : memref<120x64xi32, #tpu.memory_space<hbm>> -> memref<40x64xi32, #tpu.memory_space<hbm>>
        %dma_start3A_246 = arith.constant 0 : i32
        %dma_start3A_247 = tpu.memref_slice %arg4[%sub3A_243, %dma_start3A_246] : memref<120x64xi32, #tpu.memory_space<hbm>> -> memref<40x64xi32, #tpu.memory_space<hbm>>
        tpu.enqueue_dma source(%dma_start3A_247 : memref<40x64xi32, #tpu.memory_space<hbm>>) target(%arg9 : memref<40x64xi32, #tpu.memory_space<vmem>>) target_semaphore(%run_scoped3A : memref<!tpu.dma_semaphore, #tpu.memory_space<semaphore_mem>>)
        %dma_wait3A_248 = arith.constant 0 : i32
        %dma_wait3A_249 = tpu.memref_slice %arg4[%sub3A_243, %dma_wait3A_248] : memref<120x64xi32, #tpu.memory_space<hbm>> -> memref<40x64xi32, #tpu.memory_space<hbm>>
        %dma_wait3A_250 = arith.constant 0 : i32
        %dma_wait3A_251 = tpu.memref_slice %arg4[%sub3A_243, %dma_wait3A_250] : memref<120x64xi32, #tpu.memory_space<hbm>> -> memref<40x64xi32, #tpu.memory_space<hbm>>
        tpu.wait_dma2 semaphore(%run_scoped3A : memref<!tpu.dma_semaphore, #tpu.memory_space<semaphore_mem>>) src(%dma_wait3A_251 : memref<40x64xi32, #tpu.memory_space<hbm>>) dst(%arg9 : memref<40x64xi32, #tpu.memory_space<vmem>>)
        tpu.yield
      }) : () -> ()
    } else {
    }
    %not3A_86 = arith.constant true
    %not3A_87 = arith.xori %ge3A_82, %not3A_86 : i1
    %convert_element_type3A_88 = arith.extui %not3A_87 : i1 to i32
    %cond3A_89 = arith.constant 0 : i32
    %cond3A_90 = arith.cmpi ne, %convert_element_type3A_88, %cond3A_89 : i32
    scf.if %cond3A_90 {
      %run_scoped3A = arith.constant 1 : i32
      "tpu.region"() ({
        %run_scoped3A_243 = tpu.sem_alloc : memref<!tpu.dma_semaphore, #tpu.memory_space<semaphore_mem>>
        %dma_start3A_244 = arith.constant 0 : i32
        %dma_start3A_245 = tpu.memref_slice %arg2[%run_scoped3A, %add3A_70, %dma_start3A_244] : memref<2x5000x64xi32, #tpu.memory_space<hbm>> -> memref<1x40x64xi32, #tpu.memory_space<hbm>>
        %dma_start3A_246 = tpu.memref_squeeze %dma_start3A_245 : memref<1x40x64xi32, #tpu.memory_space<hbm>> -> memref<40x64xi32, #tpu.memory_space<hbm>>
        %dma_start3A_247 = arith.constant 0 : i32
        %dma_start3A_248 = tpu.memref_slice %arg2[%run_scoped3A, %add3A_70, %dma_start3A_247] : memref<2x5000x64xi32, #tpu.memory_space<hbm>> -> memref<1x40x64xi32, #tpu.memory_space<hbm>>
        %dma_start3A_249 = tpu.memref_squeeze %dma_start3A_248 : memref<1x40x64xi32, #tpu.memory_space<hbm>> -> memref<40x64xi32, #tpu.memory_space<hbm>>
        tpu.enqueue_dma source(%dma_start3A_249 : memref<40x64xi32, #tpu.memory_space<hbm>>) target(%arg9 : memref<40x64xi32, #tpu.memory_space<vmem>>) target_semaphore(%run_scoped3A_243 : memref<!tpu.dma_semaphore, #tpu.memory_space<semaphore_mem>>)
        %dma_wait3A_250 = arith.constant 0 : i32
        %dma_wait3A_251 = tpu.memref_slice %arg2[%run_scoped3A, %add3A_70, %dma_wait3A_250] : memref<2x5000x64xi32, #tpu.memory_space<hbm>> -> memref<1x40x64xi32, #tpu.memory_space<hbm>>
        %dma_wait3A_252 = tpu.memref_squeeze %dma_wait3A_251 : memref<1x40x64xi32, #tpu.memory_space<hbm>> -> memref<40x64xi32, #tpu.memory_space<hbm>>
        %dma_wait3A_253 = arith.constant 0 : i32
        %dma_wait3A_254 = tpu.memref_slice %arg2[%run_scoped3A, %add3A_70, %dma_wait3A_253] : memref<2x5000x64xi32, #tpu.memory_space<hbm>> -> memref<1x40x64xi32, #tpu.memory_space<hbm>>
        %dma_wait3A_255 = tpu.memref_squeeze %dma_wait3A_254 : memref<1x40x64xi32, #tpu.memory_space<hbm>> -> memref<40x64xi32, #tpu.memory_space<hbm>>
        tpu.wait_dma2 semaphore(%run_scoped3A_243 : memref<!tpu.dma_semaphore, #tpu.memory_space<semaphore_mem>>) src(%dma_wait3A_255 : memref<40x64xi32, #tpu.memory_space<hbm>>) dst(%arg9 : memref<40x64xi32, #tpu.memory_space<vmem>>)
        tpu.yield
      }) : () -> ()
    } else {
    }
    %dma_start3A_91 = arith.constant 0 : i32
    %dma_start3A_92 = arith.constant 0 : i32
    %dma_start3A_93 = tpu.memref_slice %arg8[%dma_start3A_91, %dma_start3A_92] : memref<40x64xi32, #tpu.memory_space<vmem>> -> memref<1x64xi32, #tpu.memory_space<vmem>>
    %dma_start3A_94 = tpu.memref_squeeze %dma_start3A_93 : memref<1x64xi32, #tpu.memory_space<vmem>> -> memref<64xi32, #tpu.memory_space<vmem>>
    %dma_start3A_95 = arith.constant 0 : i32
    %dma_start3A_96 = arith.constant 0 : i32
    %dma_start3A_97 = tpu.memref_slice %arg5[%dma_start3A_95, %dma_start3A_96] : memref<10000x128xf32, #tpu.memory_space<hbm>> -> memref<10000x128xf32, #tpu.memory_space<hbm>>
    tpu.enqueue_indirect_dma source(%dma_start3A_97 : memref<10000x128xf32, #tpu.memory_space<hbm>>) target(%arg10 : memref<64x128xf32, #tpu.memory_space<vmem>>) offsets(%dma_start3A_94 : memref<64xi32, #tpu.memory_space<vmem>>) semaphore(%arg15 : memref<!tpu.dma_semaphore, #tpu.memory_space<semaphore_mem>>)
    %dma_start3A_98 = arith.constant 1 : i32
    %dma_start3A_99 = arith.constant 0 : i32
    %dma_start3A_100 = tpu.memref_slice %arg8[%dma_start3A_98, %dma_start3A_99] : memref<40x64xi32, #tpu.memory_space<vmem>> -> memref<1x64xi32, #tpu.memory_space<vmem>>
    %dma_start3A_101 = tpu.memref_squeeze %dma_start3A_100 : memref<1x64xi32, #tpu.memory_space<vmem>> -> memref<64xi32, #tpu.memory_space<vmem>>
    %dma_start3A_102 = arith.constant 0 : i32
    %dma_start3A_103 = arith.constant 0 : i32
    %dma_start3A_104 = tpu.memref_slice %arg5[%dma_start3A_102, %dma_start3A_103] : memref<10000x128xf32, #tpu.memory_space<hbm>> -> memref<10000x128xf32, #tpu.memory_space<hbm>>
    tpu.enqueue_indirect_dma source(%dma_start3A_104 : memref<10000x128xf32, #tpu.memory_space<hbm>>) target(%arg11 : memref<64x128xf32, #tpu.memory_space<vmem>>) offsets(%dma_start3A_101 : memref<64xi32, #tpu.memory_space<vmem>>) semaphore(%arg16 : memref<!tpu.dma_semaphore, #tpu.memory_space<semaphore_mem>>)
    %dma_start3A_105 = arith.constant 2 : i32
    %dma_start3A_106 = arith.constant 0 : i32
    %dma_start3A_107 = tpu.memref_slice %arg8[%dma_start3A_105, %dma_start3A_106] : memref<40x64xi32, #tpu.memory_space<vmem>> -> memref<1x64xi32, #tpu.memory_space<vmem>>
    %dma_start3A_108 = tpu.memref_squeeze %dma_start3A_107 : memref<1x64xi32, #tpu.memory_space<vmem>> -> memref<64xi32, #tpu.memory_space<vmem>>
    %dma_start3A_109 = arith.constant 0 : i32
    %dma_start3A_110 = arith.constant 0 : i32
    %dma_start3A_111 = tpu.memref_slice %arg5[%dma_start3A_109, %dma_start3A_110] : memref<10000x128xf32, #tpu.memory_space<hbm>> -> memref<10000x128xf32, #tpu.memory_space<hbm>>
    tpu.enqueue_indirect_dma source(%dma_start3A_111 : memref<10000x128xf32, #tpu.memory_space<hbm>>) target(%arg12 : memref<64x128xf32, #tpu.memory_space<vmem>>) offsets(%dma_start3A_108 : memref<64xi32, #tpu.memory_space<vmem>>) semaphore(%arg17 : memref<!tpu.dma_semaphore, #tpu.memory_space<semaphore_mem>>)
    %dma_start3A_112 = arith.constant 3 : i32
    %dma_start3A_113 = arith.constant 0 : i32
    %dma_start3A_114 = tpu.memref_slice %arg8[%dma_start3A_112, %dma_start3A_113] : memref<40x64xi32, #tpu.memory_space<vmem>> -> memref<1x64xi32, #tpu.memory_space<vmem>>
    %dma_start3A_115 = tpu.memref_squeeze %dma_start3A_114 : memref<1x64xi32, #tpu.memory_space<vmem>> -> memref<64xi32, #tpu.memory_space<vmem>>
    %dma_start3A_116 = arith.constant 0 : i32
    %dma_start3A_117 = arith.constant 0 : i32
    %dma_start3A_118 = tpu.memref_slice %arg5[%dma_start3A_116, %dma_start3A_117] : memref<10000x128xf32, #tpu.memory_space<hbm>> -> memref<10000x128xf32, #tpu.memory_space<hbm>>
    tpu.enqueue_indirect_dma source(%dma_start3A_118 : memref<10000x128xf32, #tpu.memory_space<hbm>>) target(%arg13 : memref<64x128xf32, #tpu.memory_space<vmem>>) offsets(%dma_start3A_115 : memref<64xi32, #tpu.memory_space<vmem>>) semaphore(%arg18 : memref<!tpu.dma_semaphore, #tpu.memory_space<semaphore_mem>>)
    %scan3A_119 = arith.constant 0 : i32
    %scan3A_120 = arith.constant 10 : i32
    %scan3A_121 = arith.addi %scan3A_119, %scan3A_120 : i32
    %scan3A_122 = arith.constant 1 : i32
    scf.for %scan3A_243 = %scan3A_119 to %scan3A_121 step %scan3A_122  : i32 {
      %mul3A_244 = arith.constant 1 : i32
      %mul3A_245 = arith.muli %scan3A_243, %mul3A_244 : i32
      %add3A_246 = arith.constant 0 : i32
      %add3A_247 = arith.addi %add3A_246, %mul3A_245 : i32
      %mul3A_248 = arith.constant 4 : i32
      %mul3A_249 = arith.muli %add3A_247, %mul3A_248 : i32
      %add3A_250 = arith.constant 0 : i32
      %add3A_251 = arith.addi %mul3A_249, %add3A_250 : i32
      %dma_wait3A_252 = arith.constant 0 : i32
      %dma_wait3A_253 = tpu.memref_slice %arg8[%add3A_251, %dma_wait3A_252] : memref<40x64xi32, #tpu.memory_space<vmem>> -> memref<1x64xi32, #tpu.memory_space<vmem>>
      %dma_wait3A_254 = tpu.memref_squeeze %dma_wait3A_253 : memref<1x64xi32, #tpu.memory_space<vmem>> -> memref<64xi32, #tpu.memory_space<vmem>>
      %dma_wait3A_255 = arith.constant 0 : i32
      %dma_wait3A_256 = arith.constant 0 : i32
      %dma_wait3A_257 = tpu.memref_slice %arg5[%dma_wait3A_255, %dma_wait3A_256] : memref<10000x128xf32, #tpu.memory_space<hbm>> -> memref<10000x128xf32, #tpu.memory_space<hbm>>
      tpu.wait_indirect_dma semaphore(%arg15 : memref<!tpu.dma_semaphore, #tpu.memory_space<semaphore_mem>>) src(%dma_wait3A_257 : memref<10000x128xf32, #tpu.memory_space<hbm>>) dst(%arg10 : memref<64x128xf32, #tpu.memory_space<vmem>>)
      %add3A_258 = arith.constant 0 : i32
      %add3A_259 = arith.addi %mul3A_249, %add3A_258 : i32
      %dma_start3A_260 = arith.constant 0 : i32
      %dma_start3A_261 = tpu.memref_slice %arg9[%add3A_259, %dma_start3A_260] : memref<40x64xi32, #tpu.memory_space<vmem>> -> memref<1x64xi32, #tpu.memory_space<vmem>>
      %dma_start3A_262 = tpu.memref_squeeze %dma_start3A_261 : memref<1x64xi32, #tpu.memory_space<vmem>> -> memref<64xi32, #tpu.memory_space<vmem>>
      %dma_start3A_263 = arith.constant 0 : i32
      %dma_start3A_264 = arith.constant 0 : i32
      %dma_start3A_265 = tpu.memref_slice %arg14[%dma_start3A_263, %dma_start3A_264] : memref<10112x128xf32, #tpu.memory_space<vmem_shared>> -> memref<10112x128xf32, #tpu.memory_space<vmem_shared>>
      tpu.enqueue_indirect_dma source(%arg10 : memref<64x128xf32, #tpu.memory_space<vmem>>) target(%dma_start3A_265 : memref<10112x128xf32, #tpu.memory_space<vmem_shared>>) offsets(%dma_start3A_262 : memref<64xi32, #tpu.memory_space<vmem>>) semaphore(%arg19 : memref<!tpu.dma_semaphore, #tpu.memory_space<semaphore_mem>>) {add = true}
      %add3A_266 = arith.constant 1 : i32
      %add3A_267 = arith.addi %mul3A_249, %add3A_266 : i32
      %dma_wait3A_268 = arith.constant 0 : i32
      %dma_wait3A_269 = tpu.memref_slice %arg8[%add3A_267, %dma_wait3A_268] : memref<40x64xi32, #tpu.memory_space<vmem>> -> memref<1x64xi32, #tpu.memory_space<vmem>>
      %dma_wait3A_270 = tpu.memref_squeeze %dma_wait3A_269 : memref<1x64xi32, #tpu.memory_space<vmem>> -> memref<64xi32, #tpu.memory_space<vmem>>
      %dma_wait3A_271 = arith.constant 0 : i32
      %dma_wait3A_272 = arith.constant 0 : i32
      %dma_wait3A_273 = tpu.memref_slice %arg5[%dma_wait3A_271, %dma_wait3A_272] : memref<10000x128xf32, #tpu.memory_space<hbm>> -> memref<10000x128xf32, #tpu.memory_space<hbm>>
      tpu.wait_indirect_dma semaphore(%arg16 : memref<!tpu.dma_semaphore, #tpu.memory_space<semaphore_mem>>) src(%dma_wait3A_273 : memref<10000x128xf32, #tpu.memory_space<hbm>>) dst(%arg11 : memref<64x128xf32, #tpu.memory_space<vmem>>)
      %add3A_274 = arith.constant 1 : i32
      %add3A_275 = arith.addi %mul3A_249, %add3A_274 : i32
      %dma_start3A_276 = arith.constant 0 : i32
      %dma_start3A_277 = tpu.memref_slice %arg9[%add3A_275, %dma_start3A_276] : memref<40x64xi32, #tpu.memory_space<vmem>> -> memref<1x64xi32, #tpu.memory_space<vmem>>
      %dma_start3A_278 = tpu.memref_squeeze %dma_start3A_277 : memref<1x64xi32, #tpu.memory_space<vmem>> -> memref<64xi32, #tpu.memory_space<vmem>>
      %dma_start3A_279 = arith.constant 0 : i32
      %dma_start3A_280 = arith.constant 0 : i32
      %dma_start3A_281 = tpu.memref_slice %arg14[%dma_start3A_279, %dma_start3A_280] : memref<10112x128xf32, #tpu.memory_space<vmem_shared>> -> memref<10112x128xf32, #tpu.memory_space<vmem_shared>>
      tpu.enqueue_indirect_dma source(%arg11 : memref<64x128xf32, #tpu.memory_space<vmem>>) target(%dma_start3A_281 : memref<10112x128xf32, #tpu.memory_space<vmem_shared>>) offsets(%dma_start3A_278 : memref<64xi32, #tpu.memory_space<vmem>>) semaphore(%arg20 : memref<!tpu.dma_semaphore, #tpu.memory_space<semaphore_mem>>) {add = true}
      %add3A_282 = arith.constant 2 : i32
      %add3A_283 = arith.addi %mul3A_249, %add3A_282 : i32
      %dma_wait3A_284 = arith.constant 0 : i32
      %dma_wait3A_285 = tpu.memref_slice %arg8[%add3A_283, %dma_wait3A_284] : memref<40x64xi32, #tpu.memory_space<vmem>> -> memref<1x64xi32, #tpu.memory_space<vmem>>
      %dma_wait3A_286 = tpu.memref_squeeze %dma_wait3A_285 : memref<1x64xi32, #tpu.memory_space<vmem>> -> memref<64xi32, #tpu.memory_space<vmem>>
      %dma_wait3A_287 = arith.constant 0 : i32
      %dma_wait3A_288 = arith.constant 0 : i32
      %dma_wait3A_289 = tpu.memref_slice %arg5[%dma_wait3A_287, %dma_wait3A_288] : memref<10000x128xf32, #tpu.memory_space<hbm>> -> memref<10000x128xf32, #tpu.memory_space<hbm>>
      tpu.wait_indirect_dma semaphore(%arg17 : memref<!tpu.dma_semaphore, #tpu.memory_space<semaphore_mem>>) src(%dma_wait3A_289 : memref<10000x128xf32, #tpu.memory_space<hbm>>) dst(%arg12 : memref<64x128xf32, #tpu.memory_space<vmem>>)
      %add3A_290 = arith.constant 2 : i32
      %add3A_291 = arith.addi %mul3A_249, %add3A_290 : i32
      %dma_start3A_292 = arith.constant 0 : i32
      %dma_start3A_293 = tpu.memref_slice %arg9[%add3A_291, %dma_start3A_292] : memref<40x64xi32, #tpu.memory_space<vmem>> -> memref<1x64xi32, #tpu.memory_space<vmem>>
      %dma_start3A_294 = tpu.memref_squeeze %dma_start3A_293 : memref<1x64xi32, #tpu.memory_space<vmem>> -> memref<64xi32, #tpu.memory_space<vmem>>
      %dma_start3A_295 = arith.constant 0 : i32
      %dma_start3A_296 = arith.constant 0 : i32
      %dma_start3A_297 = tpu.memref_slice %arg14[%dma_start3A_295, %dma_start3A_296] : memref<10112x128xf32, #tpu.memory_space<vmem_shared>> -> memref<10112x128xf32, #tpu.memory_space<vmem_shared>>
      tpu.enqueue_indirect_dma source(%arg12 : memref<64x128xf32, #tpu.memory_space<vmem>>) target(%dma_start3A_297 : memref<10112x128xf32, #tpu.memory_space<vmem_shared>>) offsets(%dma_start3A_294 : memref<64xi32, #tpu.memory_space<vmem>>) semaphore(%arg21 : memref<!tpu.dma_semaphore, #tpu.memory_space<semaphore_mem>>) {add = true}
      %add3A_298 = arith.constant 3 : i32
      %add3A_299 = arith.addi %mul3A_249, %add3A_298 : i32
      %dma_wait3A_300 = arith.constant 0 : i32
      %dma_wait3A_301 = tpu.memref_slice %arg8[%add3A_299, %dma_wait3A_300] : memref<40x64xi32, #tpu.memory_space<vmem>> -> memref<1x64xi32, #tpu.memory_space<vmem>>
      %dma_wait3A_302 = tpu.memref_squeeze %dma_wait3A_301 : memref<1x64xi32, #tpu.memory_space<vmem>> -> memref<64xi32, #tpu.memory_space<vmem>>
      %dma_wait3A_303 = arith.constant 0 : i32
      %dma_wait3A_304 = arith.constant 0 : i32
      %dma_wait3A_305 = tpu.memref_slice %arg5[%dma_wait3A_303, %dma_wait3A_304] : memref<10000x128xf32, #tpu.memory_space<hbm>> -> memref<10000x128xf32, #tpu.memory_space<hbm>>
      tpu.wait_indirect_dma semaphore(%arg18 : memref<!tpu.dma_semaphore, #tpu.memory_space<semaphore_mem>>) src(%dma_wait3A_305 : memref<10000x128xf32, #tpu.memory_space<hbm>>) dst(%arg13 : memref<64x128xf32, #tpu.memory_space<vmem>>)
      %add3A_306 = arith.constant 3 : i32
      %add3A_307 = arith.addi %mul3A_249, %add3A_306 : i32
      %dma_start3A_308 = arith.constant 0 : i32
      %dma_start3A_309 = tpu.memref_slice %arg9[%add3A_307, %dma_start3A_308] : memref<40x64xi32, #tpu.memory_space<vmem>> -> memref<1x64xi32, #tpu.memory_space<vmem>>
      %dma_start3A_310 = tpu.memref_squeeze %dma_start3A_309 : memref<1x64xi32, #tpu.memory_space<vmem>> -> memref<64xi32, #tpu.memory_space<vmem>>
      %dma_start3A_311 = arith.constant 0 : i32
      %dma_start3A_312 = arith.constant 0 : i32
      %dma_start3A_313 = tpu.memref_slice %arg14[%dma_start3A_311, %dma_start3A_312] : memref<10112x128xf32, #tpu.memory_space<vmem_shared>> -> memref<10112x128xf32, #tpu.memory_space<vmem_shared>>
      tpu.enqueue_indirect_dma source(%arg13 : memref<64x128xf32, #tpu.memory_space<vmem>>) target(%dma_start3A_313 : memref<10112x128xf32, #tpu.memory_space<vmem_shared>>) offsets(%dma_start3A_310 : memref<64xi32, #tpu.memory_space<vmem>>) semaphore(%arg22 : memref<!tpu.dma_semaphore, #tpu.memory_space<semaphore_mem>>) {add = true}
      %add3A_314 = arith.constant 0 : i32
      %add3A_315 = arith.addi %mul3A_249, %add3A_314 : i32
      %dma_wait3A_316 = arith.constant 0 : i32
      %dma_wait3A_317 = tpu.memref_slice %arg9[%add3A_315, %dma_wait3A_316] : memref<40x64xi32, #tpu.memory_space<vmem>> -> memref<1x64xi32, #tpu.memory_space<vmem>>
      %dma_wait3A_318 = tpu.memref_squeeze %dma_wait3A_317 : memref<1x64xi32, #tpu.memory_space<vmem>> -> memref<64xi32, #tpu.memory_space<vmem>>
      %dma_wait3A_319 = arith.constant 0 : i32
      %dma_wait3A_320 = arith.constant 0 : i32
      %dma_wait3A_321 = tpu.memref_slice %arg14[%dma_wait3A_319, %dma_wait3A_320] : memref<10112x128xf32, #tpu.memory_space<vmem_shared>> -> memref<10112x128xf32, #tpu.memory_space<vmem_shared>>
      tpu.wait_indirect_dma semaphore(%arg19 : memref<!tpu.dma_semaphore, #tpu.memory_space<semaphore_mem>>) src(%arg10 : memref<64x128xf32, #tpu.memory_space<vmem>>) dst(%dma_wait3A_321 : memref<10112x128xf32, #tpu.memory_space<vmem_shared>>)
      %add3A_322 = arith.constant 4 : i32
      %add3A_323 = arith.addi %mul3A_249, %add3A_322 : i32
      %add3A_324 = arith.constant 0 : i32
      %add3A_325 = arith.addi %add3A_323, %add3A_324 : i32
      %lt3A = arith.constant 40 : i32
      %lt3A_326 = arith.cmpi slt, %add3A_325, %lt3A : i32
      %convert_element_type3A_327 = arith.extui %lt3A_326 : i1 to i32
      %cond3A_328 = arith.constant 0 : i32
      %cond3A_329 = arith.cmpi ne, %convert_element_type3A_327, %cond3A_328 : i32
      scf.if %cond3A_329 {
        %add3A_381 = arith.constant 4 : i32
        %add3A_382 = arith.addi %mul3A_249, %add3A_381 : i32
        %add3A_383 = arith.constant 0 : i32
        %add3A_384 = arith.addi %add3A_382, %add3A_383 : i32
        %dma_start3A_385 = arith.constant 0 : i32
        %dma_start3A_386 = tpu.memref_slice %arg8[%add3A_384, %dma_start3A_385] : memref<40x64xi32, #tpu.memory_space<vmem>> -> memref<1x64xi32, #tpu.memory_space<vmem>>
        %dma_start3A_387 = tpu.memref_squeeze %dma_start3A_386 : memref<1x64xi32, #tpu.memory_space<vmem>> -> memref<64xi32, #tpu.memory_space<vmem>>
        %dma_start3A_388 = arith.constant 0 : i32
        %dma_start3A_389 = arith.constant 0 : i32
        %dma_start3A_390 = tpu.memref_slice %arg5[%dma_start3A_388, %dma_start3A_389] : memref<10000x128xf32, #tpu.memory_space<hbm>> -> memref<10000x128xf32, #tpu.memory_space<hbm>>
        tpu.enqueue_indirect_dma source(%dma_start3A_390 : memref<10000x128xf32, #tpu.memory_space<hbm>>) target(%arg10 : memref<64x128xf32, #tpu.memory_space<vmem>>) offsets(%dma_start3A_387 : memref<64xi32, #tpu.memory_space<vmem>>) semaphore(%arg15 : memref<!tpu.dma_semaphore, #tpu.memory_space<semaphore_mem>>)
      } else {
      }
      %add3A_330 = arith.constant 1 : i32
      %add3A_331 = arith.addi %mul3A_249, %add3A_330 : i32
      %dma_wait3A_332 = arith.constant 0 : i32
      %dma_wait3A_333 = tpu.memref_slice %arg9[%add3A_331, %dma_wait3A_332] : memref<40x64xi32, #tpu.memory_space<vmem>> -> memref<1x64xi32, #tpu.memory_space<vmem>>
      %dma_wait3A_334 = tpu.memref_squeeze %dma_wait3A_333 : memref<1x64xi32, #tpu.memory_space<vmem>> -> memref<64xi32, #tpu.memory_space<vmem>>
      %dma_wait3A_335 = arith.constant 0 : i32
      %dma_wait3A_336 = arith.constant 0 : i32
      %dma_wait3A_337 = tpu.memref_slice %arg14[%dma_wait3A_335, %dma_wait3A_336] : memref<10112x128xf32, #tpu.memory_space<vmem_shared>> -> memref<10112x128xf32, #tpu.memory_space<vmem_shared>>
      tpu.wait_indirect_dma semaphore(%arg20 : memref<!tpu.dma_semaphore, #tpu.memory_space<semaphore_mem>>) src(%arg11 : memref<64x128xf32, #tpu.memory_space<vmem>>) dst(%dma_wait3A_337 : memref<10112x128xf32, #tpu.memory_space<vmem_shared>>)
      %add3A_338 = arith.constant 4 : i32
      %add3A_339 = arith.addi %mul3A_249, %add3A_338 : i32
      %add3A_340 = arith.constant 1 : i32
      %add3A_341 = arith.addi %add3A_339, %add3A_340 : i32
      %lt3A_342 = arith.constant 40 : i32
      %lt3A_343 = arith.cmpi slt, %add3A_341, %lt3A_342 : i32
      %convert_element_type3A_344 = arith.extui %lt3A_343 : i1 to i32
      %cond3A_345 = arith.constant 0 : i32
      %cond3A_346 = arith.cmpi ne, %convert_element_type3A_344, %cond3A_345 : i32
      scf.if %cond3A_346 {
        %add3A_381 = arith.constant 4 : i32
        %add3A_382 = arith.addi %mul3A_249, %add3A_381 : i32
        %add3A_383 = arith.constant 1 : i32
        %add3A_384 = arith.addi %add3A_382, %add3A_383 : i32
        %dma_start3A_385 = arith.constant 0 : i32
        %dma_start3A_386 = tpu.memref_slice %arg8[%add3A_384, %dma_start3A_385] : memref<40x64xi32, #tpu.memory_space<vmem>> -> memref<1x64xi32, #tpu.memory_space<vmem>>
        %dma_start3A_387 = tpu.memref_squeeze %dma_start3A_386 : memref<1x64xi32, #tpu.memory_space<vmem>> -> memref<64xi32, #tpu.memory_space<vmem>>
        %dma_start3A_388 = arith.constant 0 : i32
        %dma_start3A_389 = arith.constant 0 : i32
        %dma_start3A_390 = tpu.memref_slice %arg5[%dma_start3A_388, %dma_start3A_389] : memref<10000x128xf32, #tpu.memory_space<hbm>> -> memref<10000x128xf32, #tpu.memory_space<hbm>>
        tpu.enqueue_indirect_dma source(%dma_start3A_390 : memref<10000x128xf32, #tpu.memory_space<hbm>>) target(%arg11 : memref<64x128xf32, #tpu.memory_space<vmem>>) offsets(%dma_start3A_387 : memref<64xi32, #tpu.memory_space<vmem>>) semaphore(%arg16 : memref<!tpu.dma_semaphore, #tpu.memory_space<semaphore_mem>>)
      } else {
      }
      %add3A_347 = arith.constant 2 : i32
      %add3A_348 = arith.addi %mul3A_249, %add3A_347 : i32
      %dma_wait3A_349 = arith.constant 0 : i32
      %dma_wait3A_350 = tpu.memref_slice %arg9[%add3A_348, %dma_wait3A_349] : memref<40x64xi32, #tpu.memory_space<vmem>> -> memref<1x64xi32, #tpu.memory_space<vmem>>
      %dma_wait3A_351 = tpu.memref_squeeze %dma_wait3A_350 : memref<1x64xi32, #tpu.memory_space<vmem>> -> memref<64xi32, #tpu.memory_space<vmem>>
      %dma_wait3A_352 = arith.constant 0 : i32
      %dma_wait3A_353 = arith.constant 0 : i32
      %dma_wait3A_354 = tpu.memref_slice %arg14[%dma_wait3A_352, %dma_wait3A_353] : memref<10112x128xf32, #tpu.memory_space<vmem_shared>> -> memref<10112x128xf32, #tpu.memory_space<vmem_shared>>
      tpu.wait_indirect_dma semaphore(%arg21 : memref<!tpu.dma_semaphore, #tpu.memory_space<semaphore_mem>>) src(%arg12 : memref<64x128xf32, #tpu.memory_space<vmem>>) dst(%dma_wait3A_354 : memref<10112x128xf32, #tpu.memory_space<vmem_shared>>)
      %add3A_355 = arith.constant 4 : i32
      %add3A_356 = arith.addi %mul3A_249, %add3A_355 : i32
      %add3A_357 = arith.constant 2 : i32
      %add3A_358 = arith.addi %add3A_356, %add3A_357 : i32
      %lt3A_359 = arith.constant 40 : i32
      %lt3A_360 = arith.cmpi slt, %add3A_358, %lt3A_359 : i32
      %convert_element_type3A_361 = arith.extui %lt3A_360 : i1 to i32
      %cond3A_362 = arith.constant 0 : i32
      %cond3A_363 = arith.cmpi ne, %convert_element_type3A_361, %cond3A_362 : i32
      scf.if %cond3A_363 {
        %add3A_381 = arith.constant 4 : i32
        %add3A_382 = arith.addi %mul3A_249, %add3A_381 : i32
        %add3A_383 = arith.constant 2 : i32
        %add3A_384 = arith.addi %add3A_382, %add3A_383 : i32
        %dma_start3A_385 = arith.constant 0 : i32
        %dma_start3A_386 = tpu.memref_slice %arg8[%add3A_384, %dma_start3A_385] : memref<40x64xi32, #tpu.memory_space<vmem>> -> memref<1x64xi32, #tpu.memory_space<vmem>>
        %dma_start3A_387 = tpu.memref_squeeze %dma_start3A_386 : memref<1x64xi32, #tpu.memory_space<vmem>> -> memref<64xi32, #tpu.memory_space<vmem>>
        %dma_start3A_388 = arith.constant 0 : i32
        %dma_start3A_389 = arith.constant 0 : i32
        %dma_start3A_390 = tpu.memref_slice %arg5[%dma_start3A_388, %dma_start3A_389] : memref<10000x128xf32, #tpu.memory_space<hbm>> -> memref<10000x128xf32, #tpu.memory_space<hbm>>
        tpu.enqueue_indirect_dma source(%dma_start3A_390 : memref<10000x128xf32, #tpu.memory_space<hbm>>) target(%arg12 : memref<64x128xf32, #tpu.memory_space<vmem>>) offsets(%dma_start3A_387 : memref<64xi32, #tpu.memory_space<vmem>>) semaphore(%arg17 : memref<!tpu.dma_semaphore, #tpu.memory_space<semaphore_mem>>)
      } else {
      }
      %add3A_364 = arith.constant 3 : i32
      %add3A_365 = arith.addi %mul3A_249, %add3A_364 : i32
      %dma_wait3A_366 = arith.constant 0 : i32
      %dma_wait3A_367 = tpu.memref_slice %arg9[%add3A_365, %dma_wait3A_366] : memref<40x64xi32, #tpu.memory_space<vmem>> -> memref<1x64xi32, #tpu.memory_space<vmem>>
      %dma_wait3A_368 = tpu.memref_squeeze %dma_wait3A_367 : memref<1x64xi32, #tpu.memory_space<vmem>> -> memref<64xi32, #tpu.memory_space<vmem>>
      %dma_wait3A_369 = arith.constant 0 : i32
      %dma_wait3A_370 = arith.constant 0 : i32
      %dma_wait3A_371 = tpu.memref_slice %arg14[%dma_wait3A_369, %dma_wait3A_370] : memref<10112x128xf32, #tpu.memory_space<vmem_shared>> -> memref<10112x128xf32, #tpu.memory_space<vmem_shared>>
      tpu.wait_indirect_dma semaphore(%arg22 : memref<!tpu.dma_semaphore, #tpu.memory_space<semaphore_mem>>) src(%arg13 : memref<64x128xf32, #tpu.memory_space<vmem>>) dst(%dma_wait3A_371 : memref<10112x128xf32, #tpu.memory_space<vmem_shared>>)
      %add3A_372 = arith.constant 4 : i32
      %add3A_373 = arith.addi %mul3A_249, %add3A_372 : i32
      %add3A_374 = arith.constant 3 : i32
      %add3A_375 = arith.addi %add3A_373, %add3A_374 : i32
      %lt3A_376 = arith.constant 40 : i32
      %lt3A_377 = arith.cmpi slt, %add3A_375, %lt3A_376 : i32
      %convert_element_type3A_378 = arith.extui %lt3A_377 : i1 to i32
      %cond3A_379 = arith.constant 0 : i32
      %cond3A_380 = arith.cmpi ne, %convert_element_type3A_378, %cond3A_379 : i32
      scf.if %cond3A_380 {
        %add3A_381 = arith.constant 4 : i32
        %add3A_382 = arith.addi %mul3A_249, %add3A_381 : i32
        %add3A_383 = arith.constant 3 : i32
        %add3A_384 = arith.addi %add3A_382, %add3A_383 : i32
        %dma_start3A_385 = arith.constant 0 : i32
        %dma_start3A_386 = tpu.memref_slice %arg8[%add3A_384, %dma_start3A_385] : memref<40x64xi32, #tpu.memory_space<vmem>> -> memref<1x64xi32, #tpu.memory_space<vmem>>
        %dma_start3A_387 = tpu.memref_squeeze %dma_start3A_386 : memref<1x64xi32, #tpu.memory_space<vmem>> -> memref<64xi32, #tpu.memory_space<vmem>>
        %dma_start3A_388 = arith.constant 0 : i32
        %dma_start3A_389 = arith.constant 0 : i32
        %dma_start3A_390 = tpu.memref_slice %arg5[%dma_start3A_388, %dma_start3A_389] : memref<10000x128xf32, #tpu.memory_space<hbm>> -> memref<10000x128xf32, #tpu.memory_space<hbm>>
        tpu.enqueue_indirect_dma source(%dma_start3A_390 : memref<10000x128xf32, #tpu.memory_space<hbm>>) target(%arg13 : memref<64x128xf32, #tpu.memory_space<vmem>>) offsets(%dma_start3A_387 : memref<64xi32, #tpu.memory_space<vmem>>) semaphore(%arg18 : memref<!tpu.dma_semaphore, #tpu.memory_space<semaphore_mem>>)
      } else {
      }
    }
    %scan3A_123 = arith.constant 10 : i32
    %mul3A_124 = arith.constant 160 : i32
    %mul3A_125 = arith.muli %add3A, %mul3A_124 : i32
    %add3A_126 = arith.constant 80 : i32
    %add3A_127 = arith.addi %mul3A_125, %add3A_126 : i32
    %ge3A_128 = arith.constant 5000 : i32
    %ge3A_129 = arith.cmpi sge, %add3A_127, %ge3A_128 : i32
    %convert_element_type3A_130 = arith.extui %ge3A_129 : i1 to i32
    %cond3A_131 = arith.constant 0 : i32
    %cond3A_132 = arith.cmpi ne, %convert_element_type3A_130, %cond3A_131 : i32
    scf.if %cond3A_132 {
      %sub3A = arith.constant 5000 : i32
      %sub3A_243 = arith.subi %add3A_127, %sub3A : i32
      "tpu.region"() ({
        %run_scoped3A = tpu.sem_alloc : memref<!tpu.dma_semaphore, #tpu.memory_space<semaphore_mem>>
        %dma_start3A_244 = arith.constant 0 : i32
        %dma_start3A_245 = tpu.memref_slice %arg3[%sub3A_243, %dma_start3A_244] : memref<120x64xi32, #tpu.memory_space<hbm>> -> memref<40x64xi32, #tpu.memory_space<hbm>>
        %dma_start3A_246 = arith.constant 0 : i32
        %dma_start3A_247 = tpu.memref_slice %arg3[%sub3A_243, %dma_start3A_246] : memref<120x64xi32, #tpu.memory_space<hbm>> -> memref<40x64xi32, #tpu.memory_space<hbm>>
        tpu.enqueue_dma source(%dma_start3A_247 : memref<40x64xi32, #tpu.memory_space<hbm>>) target(%arg8 : memref<40x64xi32, #tpu.memory_space<vmem>>) target_semaphore(%run_scoped3A : memref<!tpu.dma_semaphore, #tpu.memory_space<semaphore_mem>>)
        %dma_wait3A_248 = arith.constant 0 : i32
        %dma_wait3A_249 = tpu.memref_slice %arg3[%sub3A_243, %dma_wait3A_248] : memref<120x64xi32, #tpu.memory_space<hbm>> -> memref<40x64xi32, #tpu.memory_space<hbm>>
        %dma_wait3A_250 = arith.constant 0 : i32
        %dma_wait3A_251 = tpu.memref_slice %arg3[%sub3A_243, %dma_wait3A_250] : memref<120x64xi32, #tpu.memory_space<hbm>> -> memref<40x64xi32, #tpu.memory_space<hbm>>
        tpu.wait_dma2 semaphore(%run_scoped3A : memref<!tpu.dma_semaphore, #tpu.memory_space<semaphore_mem>>) src(%dma_wait3A_251 : memref<40x64xi32, #tpu.memory_space<hbm>>) dst(%arg8 : memref<40x64xi32, #tpu.memory_space<vmem>>)
        tpu.yield
      }) : () -> ()
    } else {
    }
    %not3A_133 = arith.constant true
    %not3A_134 = arith.xori %ge3A_129, %not3A_133 : i1
    %convert_element_type3A_135 = arith.extui %not3A_134 : i1 to i32
    %cond3A_136 = arith.constant 0 : i32
    %cond3A_137 = arith.cmpi ne, %convert_element_type3A_135, %cond3A_136 : i32
    scf.if %cond3A_137 {
      %run_scoped3A = arith.constant 0 : i32
      "tpu.region"() ({
        %run_scoped3A_243 = tpu.sem_alloc : memref<!tpu.dma_semaphore, #tpu.memory_space<semaphore_mem>>
        %dma_start3A_244 = arith.constant 0 : i32
        %dma_start3A_245 = tpu.memref_slice %arg2[%run_scoped3A, %add3A_127, %dma_start3A_244] : memref<2x5000x64xi32, #tpu.memory_space<hbm>> -> memref<1x40x64xi32, #tpu.memory_space<hbm>>
        %dma_start3A_246 = tpu.memref_squeeze %dma_start3A_245 : memref<1x40x64xi32, #tpu.memory_space<hbm>> -> memref<40x64xi32, #tpu.memory_space<hbm>>
        %dma_start3A_247 = arith.constant 0 : i32
        %dma_start3A_248 = tpu.memref_slice %arg2[%run_scoped3A, %add3A_127, %dma_start3A_247] : memref<2x5000x64xi32, #tpu.memory_space<hbm>> -> memref<1x40x64xi32, #tpu.memory_space<hbm>>
        %dma_start3A_249 = tpu.memref_squeeze %dma_start3A_248 : memref<1x40x64xi32, #tpu.memory_space<hbm>> -> memref<40x64xi32, #tpu.memory_space<hbm>>
        tpu.enqueue_dma source(%dma_start3A_249 : memref<40x64xi32, #tpu.memory_space<hbm>>) target(%arg8 : memref<40x64xi32, #tpu.memory_space<vmem>>) target_semaphore(%run_scoped3A_243 : memref<!tpu.dma_semaphore, #tpu.memory_space<semaphore_mem>>)
        %dma_wait3A_250 = arith.constant 0 : i32
        %dma_wait3A_251 = tpu.memref_slice %arg2[%run_scoped3A, %add3A_127, %dma_wait3A_250] : memref<2x5000x64xi32, #tpu.memory_space<hbm>> -> memref<1x40x64xi32, #tpu.memory_space<hbm>>
        %dma_wait3A_252 = tpu.memref_squeeze %dma_wait3A_251 : memref<1x40x64xi32, #tpu.memory_space<hbm>> -> memref<40x64xi32, #tpu.memory_space<hbm>>
        %dma_wait3A_253 = arith.constant 0 : i32
        %dma_wait3A_254 = tpu.memref_slice %arg2[%run_scoped3A, %add3A_127, %dma_wait3A_253] : memref<2x5000x64xi32, #tpu.memory_space<hbm>> -> memref<1x40x64xi32, #tpu.memory_space<hbm>>
        %dma_wait3A_255 = tpu.memref_squeeze %dma_wait3A_254 : memref<1x40x64xi32, #tpu.memory_space<hbm>> -> memref<40x64xi32, #tpu.memory_space<hbm>>
        tpu.wait_dma2 semaphore(%run_scoped3A_243 : memref<!tpu.dma_semaphore, #tpu.memory_space<semaphore_mem>>) src(%dma_wait3A_255 : memref<40x64xi32, #tpu.memory_space<hbm>>) dst(%arg8 : memref<40x64xi32, #tpu.memory_space<vmem>>)
        tpu.yield
      }) : () -> ()
    } else {
    }
    %ge3A_138 = arith.constant 5000 : i32
    %ge3A_139 = arith.cmpi sge, %add3A_127, %ge3A_138 : i32
    %convert_element_type3A_140 = arith.extui %ge3A_139 : i1 to i32
    %cond3A_141 = arith.constant 0 : i32
    %cond3A_142 = arith.cmpi ne, %convert_element_type3A_140, %cond3A_141 : i32
    scf.if %cond3A_142 {
      %sub3A = arith.constant 5000 : i32
      %sub3A_243 = arith.subi %add3A_127, %sub3A : i32
      "tpu.region"() ({
        %run_scoped3A = tpu.sem_alloc : memref<!tpu.dma_semaphore, #tpu.memory_space<semaphore_mem>>
        %dma_start3A_244 = arith.constant 0 : i32
        %dma_start3A_245 = tpu.memref_slice %arg4[%sub3A_243, %dma_start3A_244] : memref<120x64xi32, #tpu.memory_space<hbm>> -> memref<40x64xi32, #tpu.memory_space<hbm>>
        %dma_start3A_246 = arith.constant 0 : i32
        %dma_start3A_247 = tpu.memref_slice %arg4[%sub3A_243, %dma_start3A_246] : memref<120x64xi32, #tpu.memory_space<hbm>> -> memref<40x64xi32, #tpu.memory_space<hbm>>
        tpu.enqueue_dma source(%dma_start3A_247 : memref<40x64xi32, #tpu.memory_space<hbm>>) target(%arg9 : memref<40x64xi32, #tpu.memory_space<vmem>>) target_semaphore(%run_scoped3A : memref<!tpu.dma_semaphore, #tpu.memory_space<semaphore_mem>>)
        %dma_wait3A_248 = arith.constant 0 : i32
        %dma_wait3A_249 = tpu.memref_slice %arg4[%sub3A_243, %dma_wait3A_248] : memref<120x64xi32, #tpu.memory_space<hbm>> -> memref<40x64xi32, #tpu.memory_space<hbm>>
        %dma_wait3A_250 = arith.constant 0 : i32
        %dma_wait3A_251 = tpu.memref_slice %arg4[%sub3A_243, %dma_wait3A_250] : memref<120x64xi32, #tpu.memory_space<hbm>> -> memref<40x64xi32, #tpu.memory_space<hbm>>
        tpu.wait_dma2 semaphore(%run_scoped3A : memref<!tpu.dma_semaphore, #tpu.memory_space<semaphore_mem>>) src(%dma_wait3A_251 : memref<40x64xi32, #tpu.memory_space<hbm>>) dst(%arg9 : memref<40x64xi32, #tpu.memory_space<vmem>>)
        tpu.yield
      }) : () -> ()
    } else {
    }
    %not3A_143 = arith.constant true
    %not3A_144 = arith.xori %ge3A_139, %not3A_143 : i1
    %convert_element_type3A_145 = arith.extui %not3A_144 : i1 to i32
    %cond3A_146 = arith.constant 0 : i32
    %cond3A_147 = arith.cmpi ne, %convert_element_type3A_145, %cond3A_146 : i32
    scf.if %cond3A_147 {
      %run_scoped3A = arith.constant 1 : i32
      "tpu.region"() ({
        %run_scoped3A_243 = tpu.sem_alloc : memref<!tpu.dma_semaphore, #tpu.memory_space<semaphore_mem>>
        %dma_start3A_244 = arith.constant 0 : i32
        %dma_start3A_245 = tpu.memref_slice %arg2[%run_scoped3A, %add3A_127, %dma_start3A_244] : memref<2x5000x64xi32, #tpu.memory_space<hbm>> -> memref<1x40x64xi32, #tpu.memory_space<hbm>>
        %dma_start3A_246 = tpu.memref_squeeze %dma_start3A_245 : memref<1x40x64xi32, #tpu.memory_space<hbm>> -> memref<40x64xi32, #tpu.memory_space<hbm>>
        %dma_start3A_247 = arith.constant 0 : i32
        %dma_start3A_248 = tpu.memref_slice %arg2[%run_scoped3A, %add3A_127, %dma_start3A_247] : memref<2x5000x64xi32, #tpu.memory_space<hbm>> -> memref<1x40x64xi32, #tpu.memory_space<hbm>>
        %dma_start3A_249 = tpu.memref_squeeze %dma_start3A_248 : memref<1x40x64xi32, #tpu.memory_space<hbm>> -> memref<40x64xi32, #tpu.memory_space<hbm>>
        tpu.enqueue_dma source(%dma_start3A_249 : memref<40x64xi32, #tpu.memory_space<hbm>>) target(%arg9 : memref<40x64xi32, #tpu.memory_space<vmem>>) target_semaphore(%run_scoped3A_243 : memref<!tpu.dma_semaphore, #tpu.memory_space<semaphore_mem>>)
        %dma_wait3A_250 = arith.constant 0 : i32
        %dma_wait3A_251 = tpu.memref_slice %arg2[%run_scoped3A, %add3A_127, %dma_wait3A_250] : memref<2x5000x64xi32, #tpu.memory_space<hbm>> -> memref<1x40x64xi32, #tpu.memory_space<hbm>>
        %dma_wait3A_252 = tpu.memref_squeeze %dma_wait3A_251 : memref<1x40x64xi32, #tpu.memory_space<hbm>> -> memref<40x64xi32, #tpu.memory_space<hbm>>
        %dma_wait3A_253 = arith.constant 0 : i32
        %dma_wait3A_254 = tpu.memref_slice %arg2[%run_scoped3A, %add3A_127, %dma_wait3A_253] : memref<2x5000x64xi32, #tpu.memory_space<hbm>> -> memref<1x40x64xi32, #tpu.memory_space<hbm>>
        %dma_wait3A_255 = tpu.memref_squeeze %dma_wait3A_254 : memref<1x40x64xi32, #tpu.memory_space<hbm>> -> memref<40x64xi32, #tpu.memory_space<hbm>>
        tpu.wait_dma2 semaphore(%run_scoped3A_243 : memref<!tpu.dma_semaphore, #tpu.memory_space<semaphore_mem>>) src(%dma_wait3A_255 : memref<40x64xi32, #tpu.memory_space<hbm>>) dst(%arg9 : memref<40x64xi32, #tpu.memory_space<vmem>>)
        tpu.yield
      }) : () -> ()
    } else {
    }
    %dma_start3A_148 = arith.constant 0 : i32
    %dma_start3A_149 = arith.constant 0 : i32
    %dma_start3A_150 = tpu.memref_slice %arg8[%dma_start3A_148, %dma_start3A_149] : memref<40x64xi32, #tpu.memory_space<vmem>> -> memref<1x64xi32, #tpu.memory_space<vmem>>
    %dma_start3A_151 = tpu.memref_squeeze %dma_start3A_150 : memref<1x64xi32, #tpu.memory_space<vmem>> -> memref<64xi32, #tpu.memory_space<vmem>>
    %dma_start3A_152 = arith.constant 0 : i32
    %dma_start3A_153 = arith.constant 0 : i32
    %dma_start3A_154 = tpu.memref_slice %arg5[%dma_start3A_152, %dma_start3A_153] : memref<10000x128xf32, #tpu.memory_space<hbm>> -> memref<10000x128xf32, #tpu.memory_space<hbm>>
    tpu.enqueue_indirect_dma source(%dma_start3A_154 : memref<10000x128xf32, #tpu.memory_space<hbm>>) target(%arg10 : memref<64x128xf32, #tpu.memory_space<vmem>>) offsets(%dma_start3A_151 : memref<64xi32, #tpu.memory_space<vmem>>) semaphore(%arg15 : memref<!tpu.dma_semaphore, #tpu.memory_space<semaphore_mem>>)
    %dma_start3A_155 = arith.constant 1 : i32
    %dma_start3A_156 = arith.constant 0 : i32
    %dma_start3A_157 = tpu.memref_slice %arg8[%dma_start3A_155, %dma_start3A_156] : memref<40x64xi32, #tpu.memory_space<vmem>> -> memref<1x64xi32, #tpu.memory_space<vmem>>
    %dma_start3A_158 = tpu.memref_squeeze %dma_start3A_157 : memref<1x64xi32, #tpu.memory_space<vmem>> -> memref<64xi32, #tpu.memory_space<vmem>>
    %dma_start3A_159 = arith.constant 0 : i32
    %dma_start3A_160 = arith.constant 0 : i32
    %dma_start3A_161 = tpu.memref_slice %arg5[%dma_start3A_159, %dma_start3A_160] : memref<10000x128xf32, #tpu.memory_space<hbm>> -> memref<10000x128xf32, #tpu.memory_space<hbm>>
    tpu.enqueue_indirect_dma source(%dma_start3A_161 : memref<10000x128xf32, #tpu.memory_space<hbm>>) target(%arg11 : memref<64x128xf32, #tpu.memory_space<vmem>>) offsets(%dma_start3A_158 : memref<64xi32, #tpu.memory_space<vmem>>) semaphore(%arg16 : memref<!tpu.dma_semaphore, #tpu.memory_space<semaphore_mem>>)
    %dma_start3A_162 = arith.constant 2 : i32
    %dma_start3A_163 = arith.constant 0 : i32
    %dma_start3A_164 = tpu.memref_slice %arg8[%dma_start3A_162, %dma_start3A_163] : memref<40x64xi32, #tpu.memory_space<vmem>> -> memref<1x64xi32, #tpu.memory_space<vmem>>
    %dma_start3A_165 = tpu.memref_squeeze %dma_start3A_164 : memref<1x64xi32, #tpu.memory_space<vmem>> -> memref<64xi32, #tpu.memory_space<vmem>>
    %dma_start3A_166 = arith.constant 0 : i32
    %dma_start3A_167 = arith.constant 0 : i32
    %dma_start3A_168 = tpu.memref_slice %arg5[%dma_start3A_166, %dma_start3A_167] : memref<10000x128xf32, #tpu.memory_space<hbm>> -> memref<10000x128xf32, #tpu.memory_space<hbm>>
    tpu.enqueue_indirect_dma source(%dma_start3A_168 : memref<10000x128xf32, #tpu.memory_space<hbm>>) target(%arg12 : memref<64x128xf32, #tpu.memory_space<vmem>>) offsets(%dma_start3A_165 : memref<64xi32, #tpu.memory_space<vmem>>) semaphore(%arg17 : memref<!tpu.dma_semaphore, #tpu.memory_space<semaphore_mem>>)
    %dma_start3A_169 = arith.constant 3 : i32
    %dma_start3A_170 = arith.constant 0 : i32
    %dma_start3A_171 = tpu.memref_slice %arg8[%dma_start3A_169, %dma_start3A_170] : memref<40x64xi32, #tpu.memory_space<vmem>> -> memref<1x64xi32, #tpu.memory_space<vmem>>
    %dma_start3A_172 = tpu.memref_squeeze %dma_start3A_171 : memref<1x64xi32, #tpu.memory_space<vmem>> -> memref<64xi32, #tpu.memory_space<vmem>>
    %dma_start3A_173 = arith.constant 0 : i32
    %dma_start3A_174 = arith.constant 0 : i32
    %dma_start3A_175 = tpu.memref_slice %arg5[%dma_start3A_173, %dma_start3A_174] : memref<10000x128xf32, #tpu.memory_space<hbm>> -> memref<10000x128xf32, #tpu.memory_space<hbm>>
    tpu.enqueue_indirect_dma source(%dma_start3A_175 : memref<10000x128xf32, #tpu.memory_space<hbm>>) target(%arg13 : memref<64x128xf32, #tpu.memory_space<vmem>>) offsets(%dma_start3A_172 : memref<64xi32, #tpu.memory_space<vmem>>) semaphore(%arg18 : memref<!tpu.dma_semaphore, #tpu.memory_space<semaphore_mem>>)
    %scan3A_176 = arith.constant 0 : i32
    %scan3A_177 = arith.constant 10 : i32
    %scan3A_178 = arith.addi %scan3A_176, %scan3A_177 : i32
    %scan3A_179 = arith.constant 1 : i32
    scf.for %scan3A_243 = %scan3A_176 to %scan3A_178 step %scan3A_179  : i32 {
      %mul3A_244 = arith.constant 1 : i32
      %mul3A_245 = arith.muli %scan3A_243, %mul3A_244 : i32
      %add3A_246 = arith.constant 0 : i32
      %add3A_247 = arith.addi %add3A_246, %mul3A_245 : i32
      %mul3A_248 = arith.constant 4 : i32
      %mul3A_249 = arith.muli %add3A_247, %mul3A_248 : i32
      %add3A_250 = arith.constant 0 : i32
      %add3A_251 = arith.addi %mul3A_249, %add3A_250 : i32
      %dma_wait3A_252 = arith.constant 0 : i32
      %dma_wait3A_253 = tpu.memref_slice %arg8[%add3A_251, %dma_wait3A_252] : memref<40x64xi32, #tpu.memory_space<vmem>> -> memref<1x64xi32, #tpu.memory_space<vmem>>
      %dma_wait3A_254 = tpu.memref_squeeze %dma_wait3A_253 : memref<1x64xi32, #tpu.memory_space<vmem>> -> memref<64xi32, #tpu.memory_space<vmem>>
      %dma_wait3A_255 = arith.constant 0 : i32
      %dma_wait3A_256 = arith.constant 0 : i32
      %dma_wait3A_257 = tpu.memref_slice %arg5[%dma_wait3A_255, %dma_wait3A_256] : memref<10000x128xf32, #tpu.memory_space<hbm>> -> memref<10000x128xf32, #tpu.memory_space<hbm>>
      tpu.wait_indirect_dma semaphore(%arg15 : memref<!tpu.dma_semaphore, #tpu.memory_space<semaphore_mem>>) src(%dma_wait3A_257 : memref<10000x128xf32, #tpu.memory_space<hbm>>) dst(%arg10 : memref<64x128xf32, #tpu.memory_space<vmem>>)
      %add3A_258 = arith.constant 0 : i32
      %add3A_259 = arith.addi %mul3A_249, %add3A_258 : i32
      %dma_start3A_260 = arith.constant 0 : i32
      %dma_start3A_261 = tpu.memref_slice %arg9[%add3A_259, %dma_start3A_260] : memref<40x64xi32, #tpu.memory_space<vmem>> -> memref<1x64xi32, #tpu.memory_space<vmem>>
      %dma_start3A_262 = tpu.memref_squeeze %dma_start3A_261 : memref<1x64xi32, #tpu.memory_space<vmem>> -> memref<64xi32, #tpu.memory_space<vmem>>
      %dma_start3A_263 = arith.constant 0 : i32
      %dma_start3A_264 = arith.constant 0 : i32
      %dma_start3A_265 = tpu.memref_slice %arg14[%dma_start3A_263, %dma_start3A_264] : memref<10112x128xf32, #tpu.memory_space<vmem_shared>> -> memref<10112x128xf32, #tpu.memory_space<vmem_shared>>
      tpu.enqueue_indirect_dma source(%arg10 : memref<64x128xf32, #tpu.memory_space<vmem>>) target(%dma_start3A_265 : memref<10112x128xf32, #tpu.memory_space<vmem_shared>>) offsets(%dma_start3A_262 : memref<64xi32, #tpu.memory_space<vmem>>) semaphore(%arg19 : memref<!tpu.dma_semaphore, #tpu.memory_space<semaphore_mem>>) {add = true}
      %add3A_266 = arith.constant 1 : i32
      %add3A_267 = arith.addi %mul3A_249, %add3A_266 : i32
      %dma_wait3A_268 = arith.constant 0 : i32
      %dma_wait3A_269 = tpu.memref_slice %arg8[%add3A_267, %dma_wait3A_268] : memref<40x64xi32, #tpu.memory_space<vmem>> -> memref<1x64xi32, #tpu.memory_space<vmem>>
      %dma_wait3A_270 = tpu.memref_squeeze %dma_wait3A_269 : memref<1x64xi32, #tpu.memory_space<vmem>> -> memref<64xi32, #tpu.memory_space<vmem>>
      %dma_wait3A_271 = arith.constant 0 : i32
      %dma_wait3A_272 = arith.constant 0 : i32
      %dma_wait3A_273 = tpu.memref_slice %arg5[%dma_wait3A_271, %dma_wait3A_272] : memref<10000x128xf32, #tpu.memory_space<hbm>> -> memref<10000x128xf32, #tpu.memory_space<hbm>>
      tpu.wait_indirect_dma semaphore(%arg16 : memref<!tpu.dma_semaphore, #tpu.memory_space<semaphore_mem>>) src(%dma_wait3A_273 : memref<10000x128xf32, #tpu.memory_space<hbm>>) dst(%arg11 : memref<64x128xf32, #tpu.memory_space<vmem>>)
      %add3A_274 = arith.constant 1 : i32
      %add3A_275 = arith.addi %mul3A_249, %add3A_274 : i32
      %dma_start3A_276 = arith.constant 0 : i32
      %dma_start3A_277 = tpu.memref_slice %arg9[%add3A_275, %dma_start3A_276] : memref<40x64xi32, #tpu.memory_space<vmem>> -> memref<1x64xi32, #tpu.memory_space<vmem>>
      %dma_start3A_278 = tpu.memref_squeeze %dma_start3A_277 : memref<1x64xi32, #tpu.memory_space<vmem>> -> memref<64xi32, #tpu.memory_space<vmem>>
      %dma_start3A_279 = arith.constant 0 : i32
      %dma_start3A_280 = arith.constant 0 : i32
      %dma_start3A_281 = tpu.memref_slice %arg14[%dma_start3A_279, %dma_start3A_280] : memref<10112x128xf32, #tpu.memory_space<vmem_shared>> -> memref<10112x128xf32, #tpu.memory_space<vmem_shared>>
      tpu.enqueue_indirect_dma source(%arg11 : memref<64x128xf32, #tpu.memory_space<vmem>>) target(%dma_start3A_281 : memref<10112x128xf32, #tpu.memory_space<vmem_shared>>) offsets(%dma_start3A_278 : memref<64xi32, #tpu.memory_space<vmem>>) semaphore(%arg20 : memref<!tpu.dma_semaphore, #tpu.memory_space<semaphore_mem>>) {add = true}
      %add3A_282 = arith.constant 2 : i32
      %add3A_283 = arith.addi %mul3A_249, %add3A_282 : i32
      %dma_wait3A_284 = arith.constant 0 : i32
      %dma_wait3A_285 = tpu.memref_slice %arg8[%add3A_283, %dma_wait3A_284] : memref<40x64xi32, #tpu.memory_space<vmem>> -> memref<1x64xi32, #tpu.memory_space<vmem>>
      %dma_wait3A_286 = tpu.memref_squeeze %dma_wait3A_285 : memref<1x64xi32, #tpu.memory_space<vmem>> -> memref<64xi32, #tpu.memory_space<vmem>>
      %dma_wait3A_287 = arith.constant 0 : i32
      %dma_wait3A_288 = arith.constant 0 : i32
      %dma_wait3A_289 = tpu.memref_slice %arg5[%dma_wait3A_287, %dma_wait3A_288] : memref<10000x128xf32, #tpu.memory_space<hbm>> -> memref<10000x128xf32, #tpu.memory_space<hbm>>
      tpu.wait_indirect_dma semaphore(%arg17 : memref<!tpu.dma_semaphore, #tpu.memory_space<semaphore_mem>>) src(%dma_wait3A_289 : memref<10000x128xf32, #tpu.memory_space<hbm>>) dst(%arg12 : memref<64x128xf32, #tpu.memory_space<vmem>>)
      %add3A_290 = arith.constant 2 : i32
      %add3A_291 = arith.addi %mul3A_249, %add3A_290 : i32
      %dma_start3A_292 = arith.constant 0 : i32
      %dma_start3A_293 = tpu.memref_slice %arg9[%add3A_291, %dma_start3A_292] : memref<40x64xi32, #tpu.memory_space<vmem>> -> memref<1x64xi32, #tpu.memory_space<vmem>>
      %dma_start3A_294 = tpu.memref_squeeze %dma_start3A_293 : memref<1x64xi32, #tpu.memory_space<vmem>> -> memref<64xi32, #tpu.memory_space<vmem>>
      %dma_start3A_295 = arith.constant 0 : i32
      %dma_start3A_296 = arith.constant 0 : i32
      %dma_start3A_297 = tpu.memref_slice %arg14[%dma_start3A_295, %dma_start3A_296] : memref<10112x128xf32, #tpu.memory_space<vmem_shared>> -> memref<10112x128xf32, #tpu.memory_space<vmem_shared>>
      tpu.enqueue_indirect_dma source(%arg12 : memref<64x128xf32, #tpu.memory_space<vmem>>) target(%dma_start3A_297 : memref<10112x128xf32, #tpu.memory_space<vmem_shared>>) offsets(%dma_start3A_294 : memref<64xi32, #tpu.memory_space<vmem>>) semaphore(%arg21 : memref<!tpu.dma_semaphore, #tpu.memory_space<semaphore_mem>>) {add = true}
      %add3A_298 = arith.constant 3 : i32
      %add3A_299 = arith.addi %mul3A_249, %add3A_298 : i32
      %dma_wait3A_300 = arith.constant 0 : i32
      %dma_wait3A_301 = tpu.memref_slice %arg8[%add3A_299, %dma_wait3A_300] : memref<40x64xi32, #tpu.memory_space<vmem>> -> memref<1x64xi32, #tpu.memory_space<vmem>>
      %dma_wait3A_302 = tpu.memref_squeeze %dma_wait3A_301 : memref<1x64xi32, #tpu.memory_space<vmem>> -> memref<64xi32, #tpu.memory_space<vmem>>
      %dma_wait3A_303 = arith.constant 0 : i32
      %dma_wait3A_304 = arith.constant 0 : i32
      %dma_wait3A_305 = tpu.memref_slice %arg5[%dma_wait3A_303, %dma_wait3A_304] : memref<10000x128xf32, #tpu.memory_space<hbm>> -> memref<10000x128xf32, #tpu.memory_space<hbm>>
      tpu.wait_indirect_dma semaphore(%arg18 : memref<!tpu.dma_semaphore, #tpu.memory_space<semaphore_mem>>) src(%dma_wait3A_305 : memref<10000x128xf32, #tpu.memory_space<hbm>>) dst(%arg13 : memref<64x128xf32, #tpu.memory_space<vmem>>)
      %add3A_306 = arith.constant 3 : i32
      %add3A_307 = arith.addi %mul3A_249, %add3A_306 : i32
      %dma_start3A_308 = arith.constant 0 : i32
      %dma_start3A_309 = tpu.memref_slice %arg9[%add3A_307, %dma_start3A_308] : memref<40x64xi32, #tpu.memory_space<vmem>> -> memref<1x64xi32, #tpu.memory_space<vmem>>
      %dma_start3A_310 = tpu.memref_squeeze %dma_start3A_309 : memref<1x64xi32, #tpu.memory_space<vmem>> -> memref<64xi32, #tpu.memory_space<vmem>>
      %dma_start3A_311 = arith.constant 0 : i32
      %dma_start3A_312 = arith.constant 0 : i32
      %dma_start3A_313 = tpu.memref_slice %arg14[%dma_start3A_311, %dma_start3A_312] : memref<10112x128xf32, #tpu.memory_space<vmem_shared>> -> memref<10112x128xf32, #tpu.memory_space<vmem_shared>>
      tpu.enqueue_indirect_dma source(%arg13 : memref<64x128xf32, #tpu.memory_space<vmem>>) target(%dma_start3A_313 : memref<10112x128xf32, #tpu.memory_space<vmem_shared>>) offsets(%dma_start3A_310 : memref<64xi32, #tpu.memory_space<vmem>>) semaphore(%arg22 : memref<!tpu.dma_semaphore, #tpu.memory_space<semaphore_mem>>) {add = true}
      %add3A_314 = arith.constant 0 : i32
      %add3A_315 = arith.addi %mul3A_249, %add3A_314 : i32
      %dma_wait3A_316 = arith.constant 0 : i32
      %dma_wait3A_317 = tpu.memref_slice %arg9[%add3A_315, %dma_wait3A_316] : memref<40x64xi32, #tpu.memory_space<vmem>> -> memref<1x64xi32, #tpu.memory_space<vmem>>
      %dma_wait3A_318 = tpu.memref_squeeze %dma_wait3A_317 : memref<1x64xi32, #tpu.memory_space<vmem>> -> memref<64xi32, #tpu.memory_space<vmem>>
      %dma_wait3A_319 = arith.constant 0 : i32
      %dma_wait3A_320 = arith.constant 0 : i32
      %dma_wait3A_321 = tpu.memref_slice %arg14[%dma_wait3A_319, %dma_wait3A_320] : memref<10112x128xf32, #tpu.memory_space<vmem_shared>> -> memref<10112x128xf32, #tpu.memory_space<vmem_shared>>
      tpu.wait_indirect_dma semaphore(%arg19 : memref<!tpu.dma_semaphore, #tpu.memory_space<semaphore_mem>>) src(%arg10 : memref<64x128xf32, #tpu.memory_space<vmem>>) dst(%dma_wait3A_321 : memref<10112x128xf32, #tpu.memory_space<vmem_shared>>)
      %add3A_322 = arith.constant 4 : i32
      %add3A_323 = arith.addi %mul3A_249, %add3A_322 : i32
      %add3A_324 = arith.constant 0 : i32
      %add3A_325 = arith.addi %add3A_323, %add3A_324 : i32
      %lt3A = arith.constant 40 : i32
      %lt3A_326 = arith.cmpi slt, %add3A_325, %lt3A : i32
      %convert_element_type3A_327 = arith.extui %lt3A_326 : i1 to i32
      %cond3A_328 = arith.constant 0 : i32
      %cond3A_329 = arith.cmpi ne, %convert_element_type3A_327, %cond3A_328 : i32
      scf.if %cond3A_329 {
        %add3A_381 = arith.constant 4 : i32
        %add3A_382 = arith.addi %mul3A_249, %add3A_381 : i32
        %add3A_383 = arith.constant 0 : i32
        %add3A_384 = arith.addi %add3A_382, %add3A_383 : i32
        %dma_start3A_385 = arith.constant 0 : i32
        %dma_start3A_386 = tpu.memref_slice %arg8[%add3A_384, %dma_start3A_385] : memref<40x64xi32, #tpu.memory_space<vmem>> -> memref<1x64xi32, #tpu.memory_space<vmem>>
        %dma_start3A_387 = tpu.memref_squeeze %dma_start3A_386 : memref<1x64xi32, #tpu.memory_space<vmem>> -> memref<64xi32, #tpu.memory_space<vmem>>
        %dma_start3A_388 = arith.constant 0 : i32
        %dma_start3A_389 = arith.constant 0 : i32
        %dma_start3A_390 = tpu.memref_slice %arg5[%dma_start3A_388, %dma_start3A_389] : memref<10000x128xf32, #tpu.memory_space<hbm>> -> memref<10000x128xf32, #tpu.memory_space<hbm>>
        tpu.enqueue_indirect_dma source(%dma_start3A_390 : memref<10000x128xf32, #tpu.memory_space<hbm>>) target(%arg10 : memref<64x128xf32, #tpu.memory_space<vmem>>) offsets(%dma_start3A_387 : memref<64xi32, #tpu.memory_space<vmem>>) semaphore(%arg15 : memref<!tpu.dma_semaphore, #tpu.memory_space<semaphore_mem>>)
      } else {
      }
      %add3A_330 = arith.constant 1 : i32
      %add3A_331 = arith.addi %mul3A_249, %add3A_330 : i32
      %dma_wait3A_332 = arith.constant 0 : i32
      %dma_wait3A_333 = tpu.memref_slice %arg9[%add3A_331, %dma_wait3A_332] : memref<40x64xi32, #tpu.memory_space<vmem>> -> memref<1x64xi32, #tpu.memory_space<vmem>>
      %dma_wait3A_334 = tpu.memref_squeeze %dma_wait3A_333 : memref<1x64xi32, #tpu.memory_space<vmem>> -> memref<64xi32, #tpu.memory_space<vmem>>
      %dma_wait3A_335 = arith.constant 0 : i32
      %dma_wait3A_336 = arith.constant 0 : i32
      %dma_wait3A_337 = tpu.memref_slice %arg14[%dma_wait3A_335, %dma_wait3A_336] : memref<10112x128xf32, #tpu.memory_space<vmem_shared>> -> memref<10112x128xf32, #tpu.memory_space<vmem_shared>>
      tpu.wait_indirect_dma semaphore(%arg20 : memref<!tpu.dma_semaphore, #tpu.memory_space<semaphore_mem>>) src(%arg11 : memref<64x128xf32, #tpu.memory_space<vmem>>) dst(%dma_wait3A_337 : memref<10112x128xf32, #tpu.memory_space<vmem_shared>>)
      %add3A_338 = arith.constant 4 : i32
      %add3A_339 = arith.addi %mul3A_249, %add3A_338 : i32
      %add3A_340 = arith.constant 1 : i32
      %add3A_341 = arith.addi %add3A_339, %add3A_340 : i32
      %lt3A_342 = arith.constant 40 : i32
      %lt3A_343 = arith.cmpi slt, %add3A_341, %lt3A_342 : i32
      %convert_element_type3A_344 = arith.extui %lt3A_343 : i1 to i32
      %cond3A_345 = arith.constant 0 : i32
      %cond3A_346 = arith.cmpi ne, %convert_element_type3A_344, %cond3A_345 : i32
      scf.if %cond3A_346 {
        %add3A_381 = arith.constant 4 : i32
        %add3A_382 = arith.addi %mul3A_249, %add3A_381 : i32
        %add3A_383 = arith.constant 1 : i32
        %add3A_384 = arith.addi %add3A_382, %add3A_383 : i32
        %dma_start3A_385 = arith.constant 0 : i32
        %dma_start3A_386 = tpu.memref_slice %arg8[%add3A_384, %dma_start3A_385] : memref<40x64xi32, #tpu.memory_space<vmem>> -> memref<1x64xi32, #tpu.memory_space<vmem>>
        %dma_start3A_387 = tpu.memref_squeeze %dma_start3A_386 : memref<1x64xi32, #tpu.memory_space<vmem>> -> memref<64xi32, #tpu.memory_space<vmem>>
        %dma_start3A_388 = arith.constant 0 : i32
        %dma_start3A_389 = arith.constant 0 : i32
        %dma_start3A_390 = tpu.memref_slice %arg5[%dma_start3A_388, %dma_start3A_389] : memref<10000x128xf32, #tpu.memory_space<hbm>> -> memref<10000x128xf32, #tpu.memory_space<hbm>>
        tpu.enqueue_indirect_dma source(%dma_start3A_390 : memref<10000x128xf32, #tpu.memory_space<hbm>>) target(%arg11 : memref<64x128xf32, #tpu.memory_space<vmem>>) offsets(%dma_start3A_387 : memref<64xi32, #tpu.memory_space<vmem>>) semaphore(%arg16 : memref<!tpu.dma_semaphore, #tpu.memory_space<semaphore_mem>>)
      } else {
      }
      %add3A_347 = arith.constant 2 : i32
      %add3A_348 = arith.addi %mul3A_249, %add3A_347 : i32
      %dma_wait3A_349 = arith.constant 0 : i32
      %dma_wait3A_350 = tpu.memref_slice %arg9[%add3A_348, %dma_wait3A_349] : memref<40x64xi32, #tpu.memory_space<vmem>> -> memref<1x64xi32, #tpu.memory_space<vmem>>
      %dma_wait3A_351 = tpu.memref_squeeze %dma_wait3A_350 : memref<1x64xi32, #tpu.memory_space<vmem>> -> memref<64xi32, #tpu.memory_space<vmem>>
      %dma_wait3A_352 = arith.constant 0 : i32
      %dma_wait3A_353 = arith.constant 0 : i32
      %dma_wait3A_354 = tpu.memref_slice %arg14[%dma_wait3A_352, %dma_wait3A_353] : memref<10112x128xf32, #tpu.memory_space<vmem_shared>> -> memref<10112x128xf32, #tpu.memory_space<vmem_shared>>
      tpu.wait_indirect_dma semaphore(%arg21 : memref<!tpu.dma_semaphore, #tpu.memory_space<semaphore_mem>>) src(%arg12 : memref<64x128xf32, #tpu.memory_space<vmem>>) dst(%dma_wait3A_354 : memref<10112x128xf32, #tpu.memory_space<vmem_shared>>)
      %add3A_355 = arith.constant 4 : i32
      %add3A_356 = arith.addi %mul3A_249, %add3A_355 : i32
      %add3A_357 = arith.constant 2 : i32
      %add3A_358 = arith.addi %add3A_356, %add3A_357 : i32
      %lt3A_359 = arith.constant 40 : i32
      %lt3A_360 = arith.cmpi slt, %add3A_358, %lt3A_359 : i32
      %convert_element_type3A_361 = arith.extui %lt3A_360 : i1 to i32
      %cond3A_362 = arith.constant 0 : i32
      %cond3A_363 = arith.cmpi ne, %convert_element_type3A_361, %cond3A_362 : i32
      scf.if %cond3A_363 {
        %add3A_381 = arith.constant 4 : i32
        %add3A_382 = arith.addi %mul3A_249, %add3A_381 : i32
        %add3A_383 = arith.constant 2 : i32
        %add3A_384 = arith.addi %add3A_382, %add3A_383 : i32
        %dma_start3A_385 = arith.constant 0 : i32
        %dma_start3A_386 = tpu.memref_slice %arg8[%add3A_384, %dma_start3A_385] : memref<40x64xi32, #tpu.memory_space<vmem>> -> memref<1x64xi32, #tpu.memory_space<vmem>>
        %dma_start3A_387 = tpu.memref_squeeze %dma_start3A_386 : memref<1x64xi32, #tpu.memory_space<vmem>> -> memref<64xi32, #tpu.memory_space<vmem>>
        %dma_start3A_388 = arith.constant 0 : i32
        %dma_start3A_389 = arith.constant 0 : i32
        %dma_start3A_390 = tpu.memref_slice %arg5[%dma_start3A_388, %dma_start3A_389] : memref<10000x128xf32, #tpu.memory_space<hbm>> -> memref<10000x128xf32, #tpu.memory_space<hbm>>
        tpu.enqueue_indirect_dma source(%dma_start3A_390 : memref<10000x128xf32, #tpu.memory_space<hbm>>) target(%arg12 : memref<64x128xf32, #tpu.memory_space<vmem>>) offsets(%dma_start3A_387 : memref<64xi32, #tpu.memory_space<vmem>>) semaphore(%arg17 : memref<!tpu.dma_semaphore, #tpu.memory_space<semaphore_mem>>)
      } else {
      }
      %add3A_364 = arith.constant 3 : i32
      %add3A_365 = arith.addi %mul3A_249, %add3A_364 : i32
      %dma_wait3A_366 = arith.constant 0 : i32
      %dma_wait3A_367 = tpu.memref_slice %arg9[%add3A_365, %dma_wait3A_366] : memref<40x64xi32, #tpu.memory_space<vmem>> -> memref<1x64xi32, #tpu.memory_space<vmem>>
      %dma_wait3A_368 = tpu.memref_squeeze %dma_wait3A_367 : memref<1x64xi32, #tpu.memory_space<vmem>> -> memref<64xi32, #tpu.memory_space<vmem>>
      %dma_wait3A_369 = arith.constant 0 : i32
      %dma_wait3A_370 = arith.constant 0 : i32
      %dma_wait3A_371 = tpu.memref_slice %arg14[%dma_wait3A_369, %dma_wait3A_370] : memref<10112x128xf32, #tpu.memory_space<vmem_shared>> -> memref<10112x128xf32, #tpu.memory_space<vmem_shared>>
      tpu.wait_indirect_dma semaphore(%arg22 : memref<!tpu.dma_semaphore, #tpu.memory_space<semaphore_mem>>) src(%arg13 : memref<64x128xf32, #tpu.memory_space<vmem>>) dst(%dma_wait3A_371 : memref<10112x128xf32, #tpu.memory_space<vmem_shared>>)
      %add3A_372 = arith.constant 4 : i32
      %add3A_373 = arith.addi %mul3A_249, %add3A_372 : i32
      %add3A_374 = arith.constant 3 : i32
      %add3A_375 = arith.addi %add3A_373, %add3A_374 : i32
      %lt3A_376 = arith.constant 40 : i32
      %lt3A_377 = arith.cmpi slt, %add3A_375, %lt3A_376 : i32
      %convert_element_type3A_378 = arith.extui %lt3A_377 : i1 to i32
      %cond3A_379 = arith.constant 0 : i32
      %cond3A_380 = arith.cmpi ne, %convert_element_type3A_378, %cond3A_379 : i32
      scf.if %cond3A_380 {
        %add3A_381 = arith.constant 4 : i32
        %add3A_382 = arith.addi %mul3A_249, %add3A_381 : i32
        %add3A_383 = arith.constant 3 : i32
        %add3A_384 = arith.addi %add3A_382, %add3A_383 : i32
        %dma_start3A_385 = arith.constant 0 : i32
        %dma_start3A_386 = tpu.memref_slice %arg8[%add3A_384, %dma_start3A_385] : memref<40x64xi32, #tpu.memory_space<vmem>> -> memref<1x64xi32, #tpu.memory_space<vmem>>
        %dma_start3A_387 = tpu.memref_squeeze %dma_start3A_386 : memref<1x64xi32, #tpu.memory_space<vmem>> -> memref<64xi32, #tpu.memory_space<vmem>>
        %dma_start3A_388 = arith.constant 0 : i32
        %dma_start3A_389 = arith.constant 0 : i32
        %dma_start3A_390 = tpu.memref_slice %arg5[%dma_start3A_388, %dma_start3A_389] : memref<10000x128xf32, #tpu.memory_space<hbm>> -> memref<10000x128xf32, #tpu.memory_space<hbm>>
        tpu.enqueue_indirect_dma source(%dma_start3A_390 : memref<10000x128xf32, #tpu.memory_space<hbm>>) target(%arg13 : memref<64x128xf32, #tpu.memory_space<vmem>>) offsets(%dma_start3A_387 : memref<64xi32, #tpu.memory_space<vmem>>) semaphore(%arg18 : memref<!tpu.dma_semaphore, #tpu.memory_space<semaphore_mem>>)
      } else {
      }
    }
    %scan3A_180 = arith.constant 10 : i32
    %mul3A_181 = arith.constant 160 : i32
    %mul3A_182 = arith.muli %add3A, %mul3A_181 : i32
    %add3A_183 = arith.constant 120 : i32
    %add3A_184 = arith.addi %mul3A_182, %add3A_183 : i32
    %ge3A_185 = arith.constant 5000 : i32
    %ge3A_186 = arith.cmpi sge, %add3A_184, %ge3A_185 : i32
    %convert_element_type3A_187 = arith.extui %ge3A_186 : i1 to i32
    %cond3A_188 = arith.constant 0 : i32
    %cond3A_189 = arith.cmpi ne, %convert_element_type3A_187, %cond3A_188 : i32
    scf.if %cond3A_189 {
      %sub3A = arith.constant 5000 : i32
      %sub3A_243 = arith.subi %add3A_184, %sub3A : i32
      "tpu.region"() ({
        %run_scoped3A = tpu.sem_alloc : memref<!tpu.dma_semaphore, #tpu.memory_space<semaphore_mem>>
        %dma_start3A_244 = arith.constant 0 : i32
        %dma_start3A_245 = tpu.memref_slice %arg3[%sub3A_243, %dma_start3A_244] : memref<120x64xi32, #tpu.memory_space<hbm>> -> memref<40x64xi32, #tpu.memory_space<hbm>>
        %dma_start3A_246 = arith.constant 0 : i32
        %dma_start3A_247 = tpu.memref_slice %arg3[%sub3A_243, %dma_start3A_246] : memref<120x64xi32, #tpu.memory_space<hbm>> -> memref<40x64xi32, #tpu.memory_space<hbm>>
        tpu.enqueue_dma source(%dma_start3A_247 : memref<40x64xi32, #tpu.memory_space<hbm>>) target(%arg8 : memref<40x64xi32, #tpu.memory_space<vmem>>) target_semaphore(%run_scoped3A : memref<!tpu.dma_semaphore, #tpu.memory_space<semaphore_mem>>)
        %dma_wait3A_248 = arith.constant 0 : i32
        %dma_wait3A_249 = tpu.memref_slice %arg3[%sub3A_243, %dma_wait3A_248] : memref<120x64xi32, #tpu.memory_space<hbm>> -> memref<40x64xi32, #tpu.memory_space<hbm>>
        %dma_wait3A_250 = arith.constant 0 : i32
        %dma_wait3A_251 = tpu.memref_slice %arg3[%sub3A_243, %dma_wait3A_250] : memref<120x64xi32, #tpu.memory_space<hbm>> -> memref<40x64xi32, #tpu.memory_space<hbm>>
        tpu.wait_dma2 semaphore(%run_scoped3A : memref<!tpu.dma_semaphore, #tpu.memory_space<semaphore_mem>>) src(%dma_wait3A_251 : memref<40x64xi32, #tpu.memory_space<hbm>>) dst(%arg8 : memref<40x64xi32, #tpu.memory_space<vmem>>)
        tpu.yield
      }) : () -> ()
    } else {
    }
    %not3A_190 = arith.constant true
    %not3A_191 = arith.xori %ge3A_186, %not3A_190 : i1
    %convert_element_type3A_192 = arith.extui %not3A_191 : i1 to i32
    %cond3A_193 = arith.constant 0 : i32
    %cond3A_194 = arith.cmpi ne, %convert_element_type3A_192, %cond3A_193 : i32
    scf.if %cond3A_194 {
      %run_scoped3A = arith.constant 0 : i32
      "tpu.region"() ({
        %run_scoped3A_243 = tpu.sem_alloc : memref<!tpu.dma_semaphore, #tpu.memory_space<semaphore_mem>>
        %dma_start3A_244 = arith.constant 0 : i32
        %dma_start3A_245 = tpu.memref_slice %arg2[%run_scoped3A, %add3A_184, %dma_start3A_244] : memref<2x5000x64xi32, #tpu.memory_space<hbm>> -> memref<1x40x64xi32, #tpu.memory_space<hbm>>
        %dma_start3A_246 = tpu.memref_squeeze %dma_start3A_245 : memref<1x40x64xi32, #tpu.memory_space<hbm>> -> memref<40x64xi32, #tpu.memory_space<hbm>>
        %dma_start3A_247 = arith.constant 0 : i32
        %dma_start3A_248 = tpu.memref_slice %arg2[%run_scoped3A, %add3A_184, %dma_start3A_247] : memref<2x5000x64xi32, #tpu.memory_space<hbm>> -> memref<1x40x64xi32, #tpu.memory_space<hbm>>
        %dma_start3A_249 = tpu.memref_squeeze %dma_start3A_248 : memref<1x40x64xi32, #tpu.memory_space<hbm>> -> memref<40x64xi32, #tpu.memory_space<hbm>>
        tpu.enqueue_dma source(%dma_start3A_249 : memref<40x64xi32, #tpu.memory_space<hbm>>) target(%arg8 : memref<40x64xi32, #tpu.memory_space<vmem>>) target_semaphore(%run_scoped3A_243 : memref<!tpu.dma_semaphore, #tpu.memory_space<semaphore_mem>>)
        %dma_wait3A_250 = arith.constant 0 : i32
        %dma_wait3A_251 = tpu.memref_slice %arg2[%run_scoped3A, %add3A_184, %dma_wait3A_250] : memref<2x5000x64xi32, #tpu.memory_space<hbm>> -> memref<1x40x64xi32, #tpu.memory_space<hbm>>
        %dma_wait3A_252 = tpu.memref_squeeze %dma_wait3A_251 : memref<1x40x64xi32, #tpu.memory_space<hbm>> -> memref<40x64xi32, #tpu.memory_space<hbm>>
        %dma_wait3A_253 = arith.constant 0 : i32
        %dma_wait3A_254 = tpu.memref_slice %arg2[%run_scoped3A, %add3A_184, %dma_wait3A_253] : memref<2x5000x64xi32, #tpu.memory_space<hbm>> -> memref<1x40x64xi32, #tpu.memory_space<hbm>>
        %dma_wait3A_255 = tpu.memref_squeeze %dma_wait3A_254 : memref<1x40x64xi32, #tpu.memory_space<hbm>> -> memref<40x64xi32, #tpu.memory_space<hbm>>
        tpu.wait_dma2 semaphore(%run_scoped3A_243 : memref<!tpu.dma_semaphore, #tpu.memory_space<semaphore_mem>>) src(%dma_wait3A_255 : memref<40x64xi32, #tpu.memory_space<hbm>>) dst(%arg8 : memref<40x64xi32, #tpu.memory_space<vmem>>)
        tpu.yield
      }) : () -> ()
    } else {
    }
    %ge3A_195 = arith.constant 5000 : i32
    %ge3A_196 = arith.cmpi sge, %add3A_184, %ge3A_195 : i32
    %convert_element_type3A_197 = arith.extui %ge3A_196 : i1 to i32
    %cond3A_198 = arith.constant 0 : i32
    %cond3A_199 = arith.cmpi ne, %convert_element_type3A_197, %cond3A_198 : i32
    scf.if %cond3A_199 {
      %sub3A = arith.constant 5000 : i32
      %sub3A_243 = arith.subi %add3A_184, %sub3A : i32
      "tpu.region"() ({
        %run_scoped3A = tpu.sem_alloc : memref<!tpu.dma_semaphore, #tpu.memory_space<semaphore_mem>>
        %dma_start3A_244 = arith.constant 0 : i32
        %dma_start3A_245 = tpu.memref_slice %arg4[%sub3A_243, %dma_start3A_244] : memref<120x64xi32, #tpu.memory_space<hbm>> -> memref<40x64xi32, #tpu.memory_space<hbm>>
        %dma_start3A_246 = arith.constant 0 : i32
        %dma_start3A_247 = tpu.memref_slice %arg4[%sub3A_243, %dma_start3A_246] : memref<120x64xi32, #tpu.memory_space<hbm>> -> memref<40x64xi32, #tpu.memory_space<hbm>>
        tpu.enqueue_dma source(%dma_start3A_247 : memref<40x64xi32, #tpu.memory_space<hbm>>) target(%arg9 : memref<40x64xi32, #tpu.memory_space<vmem>>) target_semaphore(%run_scoped3A : memref<!tpu.dma_semaphore, #tpu.memory_space<semaphore_mem>>)
        %dma_wait3A_248 = arith.constant 0 : i32
        %dma_wait3A_249 = tpu.memref_slice %arg4[%sub3A_243, %dma_wait3A_248] : memref<120x64xi32, #tpu.memory_space<hbm>> -> memref<40x64xi32, #tpu.memory_space<hbm>>
        %dma_wait3A_250 = arith.constant 0 : i32
        %dma_wait3A_251 = tpu.memref_slice %arg4[%sub3A_243, %dma_wait3A_250] : memref<120x64xi32, #tpu.memory_space<hbm>> -> memref<40x64xi32, #tpu.memory_space<hbm>>
        tpu.wait_dma2 semaphore(%run_scoped3A : memref<!tpu.dma_semaphore, #tpu.memory_space<semaphore_mem>>) src(%dma_wait3A_251 : memref<40x64xi32, #tpu.memory_space<hbm>>) dst(%arg9 : memref<40x64xi32, #tpu.memory_space<vmem>>)
        tpu.yield
      }) : () -> ()
    } else {
    }
    %not3A_200 = arith.constant true
    %not3A_201 = arith.xori %ge3A_196, %not3A_200 : i1
    %convert_element_type3A_202 = arith.extui %not3A_201 : i1 to i32
    %cond3A_203 = arith.constant 0 : i32
    %cond3A_204 = arith.cmpi ne, %convert_element_type3A_202, %cond3A_203 : i32
    scf.if %cond3A_204 {
      %run_scoped3A = arith.constant 1 : i32
      "tpu.region"() ({
        %run_scoped3A_243 = tpu.sem_alloc : memref<!tpu.dma_semaphore, #tpu.memory_space<semaphore_mem>>
        %dma_start3A_244 = arith.constant 0 : i32
        %dma_start3A_245 = tpu.memref_slice %arg2[%run_scoped3A, %add3A_184, %dma_start3A_244] : memref<2x5000x64xi32, #tpu.memory_space<hbm>> -> memref<1x40x64xi32, #tpu.memory_space<hbm>>
        %dma_start3A_246 = tpu.memref_squeeze %dma_start3A_245 : memref<1x40x64xi32, #tpu.memory_space<hbm>> -> memref<40x64xi32, #tpu.memory_space<hbm>>
        %dma_start3A_247 = arith.constant 0 : i32
        %dma_start3A_248 = tpu.memref_slice %arg2[%run_scoped3A, %add3A_184, %dma_start3A_247] : memref<2x5000x64xi32, #tpu.memory_space<hbm>> -> memref<1x40x64xi32, #tpu.memory_space<hbm>>
        %dma_start3A_249 = tpu.memref_squeeze %dma_start3A_248 : memref<1x40x64xi32, #tpu.memory_space<hbm>> -> memref<40x64xi32, #tpu.memory_space<hbm>>
        tpu.enqueue_dma source(%dma_start3A_249 : memref<40x64xi32, #tpu.memory_space<hbm>>) target(%arg9 : memref<40x64xi32, #tpu.memory_space<vmem>>) target_semaphore(%run_scoped3A_243 : memref<!tpu.dma_semaphore, #tpu.memory_space<semaphore_mem>>)
        %dma_wait3A_250 = arith.constant 0 : i32
        %dma_wait3A_251 = tpu.memref_slice %arg2[%run_scoped3A, %add3A_184, %dma_wait3A_250] : memref<2x5000x64xi32, #tpu.memory_space<hbm>> -> memref<1x40x64xi32, #tpu.memory_space<hbm>>
        %dma_wait3A_252 = tpu.memref_squeeze %dma_wait3A_251 : memref<1x40x64xi32, #tpu.memory_space<hbm>> -> memref<40x64xi32, #tpu.memory_space<hbm>>
        %dma_wait3A_253 = arith.constant 0 : i32
        %dma_wait3A_254 = tpu.memref_slice %arg2[%run_scoped3A, %add3A_184, %dma_wait3A_253] : memref<2x5000x64xi32, #tpu.memory_space<hbm>> -> memref<1x40x64xi32, #tpu.memory_space<hbm>>
        %dma_wait3A_255 = tpu.memref_squeeze %dma_wait3A_254 : memref<1x40x64xi32, #tpu.memory_space<hbm>> -> memref<40x64xi32, #tpu.memory_space<hbm>>
        tpu.wait_dma2 semaphore(%run_scoped3A_243 : memref<!tpu.dma_semaphore, #tpu.memory_space<semaphore_mem>>) src(%dma_wait3A_255 : memref<40x64xi32, #tpu.memory_space<hbm>>) dst(%arg9 : memref<40x64xi32, #tpu.memory_space<vmem>>)
        tpu.yield
      }) : () -> ()
    } else {
    }
    %dma_start3A_205 = arith.constant 0 : i32
    %dma_start3A_206 = arith.constant 0 : i32
    %dma_start3A_207 = tpu.memref_slice %arg8[%dma_start3A_205, %dma_start3A_206] : memref<40x64xi32, #tpu.memory_space<vmem>> -> memref<1x64xi32, #tpu.memory_space<vmem>>
    %dma_start3A_208 = tpu.memref_squeeze %dma_start3A_207 : memref<1x64xi32, #tpu.memory_space<vmem>> -> memref<64xi32, #tpu.memory_space<vmem>>
    %dma_start3A_209 = arith.constant 0 : i32
    %dma_start3A_210 = arith.constant 0 : i32
    %dma_start3A_211 = tpu.memref_slice %arg5[%dma_start3A_209, %dma_start3A_210] : memref<10000x128xf32, #tpu.memory_space<hbm>> -> memref<10000x128xf32, #tpu.memory_space<hbm>>
    tpu.enqueue_indirect_dma source(%dma_start3A_211 : memref<10000x128xf32, #tpu.memory_space<hbm>>) target(%arg10 : memref<64x128xf32, #tpu.memory_space<vmem>>) offsets(%dma_start3A_208 : memref<64xi32, #tpu.memory_space<vmem>>) semaphore(%arg15 : memref<!tpu.dma_semaphore, #tpu.memory_space<semaphore_mem>>)
    %dma_start3A_212 = arith.constant 1 : i32
    %dma_start3A_213 = arith.constant 0 : i32
    %dma_start3A_214 = tpu.memref_slice %arg8[%dma_start3A_212, %dma_start3A_213] : memref<40x64xi32, #tpu.memory_space<vmem>> -> memref<1x64xi32, #tpu.memory_space<vmem>>
    %dma_start3A_215 = tpu.memref_squeeze %dma_start3A_214 : memref<1x64xi32, #tpu.memory_space<vmem>> -> memref<64xi32, #tpu.memory_space<vmem>>
    %dma_start3A_216 = arith.constant 0 : i32
    %dma_start3A_217 = arith.constant 0 : i32
    %dma_start3A_218 = tpu.memref_slice %arg5[%dma_start3A_216, %dma_start3A_217] : memref<10000x128xf32, #tpu.memory_space<hbm>> -> memref<10000x128xf32, #tpu.memory_space<hbm>>
    tpu.enqueue_indirect_dma source(%dma_start3A_218 : memref<10000x128xf32, #tpu.memory_space<hbm>>) target(%arg11 : memref<64x128xf32, #tpu.memory_space<vmem>>) offsets(%dma_start3A_215 : memref<64xi32, #tpu.memory_space<vmem>>) semaphore(%arg16 : memref<!tpu.dma_semaphore, #tpu.memory_space<semaphore_mem>>)
    %dma_start3A_219 = arith.constant 2 : i32
    %dma_start3A_220 = arith.constant 0 : i32
    %dma_start3A_221 = tpu.memref_slice %arg8[%dma_start3A_219, %dma_start3A_220] : memref<40x64xi32, #tpu.memory_space<vmem>> -> memref<1x64xi32, #tpu.memory_space<vmem>>
    %dma_start3A_222 = tpu.memref_squeeze %dma_start3A_221 : memref<1x64xi32, #tpu.memory_space<vmem>> -> memref<64xi32, #tpu.memory_space<vmem>>
    %dma_start3A_223 = arith.constant 0 : i32
    %dma_start3A_224 = arith.constant 0 : i32
    %dma_start3A_225 = tpu.memref_slice %arg5[%dma_start3A_223, %dma_start3A_224] : memref<10000x128xf32, #tpu.memory_space<hbm>> -> memref<10000x128xf32, #tpu.memory_space<hbm>>
    tpu.enqueue_indirect_dma source(%dma_start3A_225 : memref<10000x128xf32, #tpu.memory_space<hbm>>) target(%arg12 : memref<64x128xf32, #tpu.memory_space<vmem>>) offsets(%dma_start3A_222 : memref<64xi32, #tpu.memory_space<vmem>>) semaphore(%arg17 : memref<!tpu.dma_semaphore, #tpu.memory_space<semaphore_mem>>)
    %dma_start3A_226 = arith.constant 3 : i32
    %dma_start3A_227 = arith.constant 0 : i32
    %dma_start3A_228 = tpu.memref_slice %arg8[%dma_start3A_226, %dma_start3A_227] : memref<40x64xi32, #tpu.memory_space<vmem>> -> memref<1x64xi32, #tpu.memory_space<vmem>>
    %dma_start3A_229 = tpu.memref_squeeze %dma_start3A_228 : memref<1x64xi32, #tpu.memory_space<vmem>> -> memref<64xi32, #tpu.memory_space<vmem>>
    %dma_start3A_230 = arith.constant 0 : i32
    %dma_start3A_231 = arith.constant 0 : i32
    %dma_start3A_232 = tpu.memref_slice %arg5[%dma_start3A_230, %dma_start3A_231] : memref<10000x128xf32, #tpu.memory_space<hbm>> -> memref<10000x128xf32, #tpu.memory_space<hbm>>
    tpu.enqueue_indirect_dma source(%dma_start3A_232 : memref<10000x128xf32, #tpu.memory_space<hbm>>) target(%arg13 : memref<64x128xf32, #tpu.memory_space<vmem>>) offsets(%dma_start3A_229 : memref<64xi32, #tpu.memory_space<vmem>>) semaphore(%arg18 : memref<!tpu.dma_semaphore, #tpu.memory_space<semaphore_mem>>)
    %scan3A_233 = arith.constant 0 : i32
    %scan3A_234 = arith.constant 10 : i32
    %scan3A_235 = arith.addi %scan3A_233, %scan3A_234 : i32
    %scan3A_236 = arith.constant 1 : i32
    scf.for %scan3A_243 = %scan3A_233 to %scan3A_235 step %scan3A_236  : i32 {
      %mul3A_244 = arith.constant 1 : i32
      %mul3A_245 = arith.muli %scan3A_243, %mul3A_244 : i32
      %add3A_246 = arith.constant 0 : i32
      %add3A_247 = arith.addi %add3A_246, %mul3A_245 : i32
      %mul3A_248 = arith.constant 4 : i32
      %mul3A_249 = arith.muli %add3A_247, %mul3A_248 : i32
      %add3A_250 = arith.constant 0 : i32
      %add3A_251 = arith.addi %mul3A_249, %add3A_250 : i32
      %dma_wait3A_252 = arith.constant 0 : i32
      %dma_wait3A_253 = tpu.memref_slice %arg8[%add3A_251, %dma_wait3A_252] : memref<40x64xi32, #tpu.memory_space<vmem>> -> memref<1x64xi32, #tpu.memory_space<vmem>>
      %dma_wait3A_254 = tpu.memref_squeeze %dma_wait3A_253 : memref<1x64xi32, #tpu.memory_space<vmem>> -> memref<64xi32, #tpu.memory_space<vmem>>
      %dma_wait3A_255 = arith.constant 0 : i32
      %dma_wait3A_256 = arith.constant 0 : i32
      %dma_wait3A_257 = tpu.memref_slice %arg5[%dma_wait3A_255, %dma_wait3A_256] : memref<10000x128xf32, #tpu.memory_space<hbm>> -> memref<10000x128xf32, #tpu.memory_space<hbm>>
      tpu.wait_indirect_dma semaphore(%arg15 : memref<!tpu.dma_semaphore, #tpu.memory_space<semaphore_mem>>) src(%dma_wait3A_257 : memref<10000x128xf32, #tpu.memory_space<hbm>>) dst(%arg10 : memref<64x128xf32, #tpu.memory_space<vmem>>)
      %add3A_258 = arith.constant 0 : i32
      %add3A_259 = arith.addi %mul3A_249, %add3A_258 : i32
      %dma_start3A_260 = arith.constant 0 : i32
      %dma_start3A_261 = tpu.memref_slice %arg9[%add3A_259, %dma_start3A_260] : memref<40x64xi32, #tpu.memory_space<vmem>> -> memref<1x64xi32, #tpu.memory_space<vmem>>
      %dma_start3A_262 = tpu.memref_squeeze %dma_start3A_261 : memref<1x64xi32, #tpu.memory_space<vmem>> -> memref<64xi32, #tpu.memory_space<vmem>>
      %dma_start3A_263 = arith.constant 0 : i32
      %dma_start3A_264 = arith.constant 0 : i32
      %dma_start3A_265 = tpu.memref_slice %arg14[%dma_start3A_263, %dma_start3A_264] : memref<10112x128xf32, #tpu.memory_space<vmem_shared>> -> memref<10112x128xf32, #tpu.memory_space<vmem_shared>>
      tpu.enqueue_indirect_dma source(%arg10 : memref<64x128xf32, #tpu.memory_space<vmem>>) target(%dma_start3A_265 : memref<10112x128xf32, #tpu.memory_space<vmem_shared>>) offsets(%dma_start3A_262 : memref<64xi32, #tpu.memory_space<vmem>>) semaphore(%arg19 : memref<!tpu.dma_semaphore, #tpu.memory_space<semaphore_mem>>) {add = true}
      %add3A_266 = arith.constant 1 : i32
      %add3A_267 = arith.addi %mul3A_249, %add3A_266 : i32
      %dma_wait3A_268 = arith.constant 0 : i32
      %dma_wait3A_269 = tpu.memref_slice %arg8[%add3A_267, %dma_wait3A_268] : memref<40x64xi32, #tpu.memory_space<vmem>> -> memref<1x64xi32, #tpu.memory_space<vmem>>
      %dma_wait3A_270 = tpu.memref_squeeze %dma_wait3A_269 : memref<1x64xi32, #tpu.memory_space<vmem>> -> memref<64xi32, #tpu.memory_space<vmem>>
      %dma_wait3A_271 = arith.constant 0 : i32
      %dma_wait3A_272 = arith.constant 0 : i32
      %dma_wait3A_273 = tpu.memref_slice %arg5[%dma_wait3A_271, %dma_wait3A_272] : memref<10000x128xf32, #tpu.memory_space<hbm>> -> memref<10000x128xf32, #tpu.memory_space<hbm>>
      tpu.wait_indirect_dma semaphore(%arg16 : memref<!tpu.dma_semaphore, #tpu.memory_space<semaphore_mem>>) src(%dma_wait3A_273 : memref<10000x128xf32, #tpu.memory_space<hbm>>) dst(%arg11 : memref<64x128xf32, #tpu.memory_space<vmem>>)
      %add3A_274 = arith.constant 1 : i32
      %add3A_275 = arith.addi %mul3A_249, %add3A_274 : i32
      %dma_start3A_276 = arith.constant 0 : i32
      %dma_start3A_277 = tpu.memref_slice %arg9[%add3A_275, %dma_start3A_276] : memref<40x64xi32, #tpu.memory_space<vmem>> -> memref<1x64xi32, #tpu.memory_space<vmem>>
      %dma_start3A_278 = tpu.memref_squeeze %dma_start3A_277 : memref<1x64xi32, #tpu.memory_space<vmem>> -> memref<64xi32, #tpu.memory_space<vmem>>
      %dma_start3A_279 = arith.constant 0 : i32
      %dma_start3A_280 = arith.constant 0 : i32
      %dma_start3A_281 = tpu.memref_slice %arg14[%dma_start3A_279, %dma_start3A_280] : memref<10112x128xf32, #tpu.memory_space<vmem_shared>> -> memref<10112x128xf32, #tpu.memory_space<vmem_shared>>
      tpu.enqueue_indirect_dma source(%arg11 : memref<64x128xf32, #tpu.memory_space<vmem>>) target(%dma_start3A_281 : memref<10112x128xf32, #tpu.memory_space<vmem_shared>>) offsets(%dma_start3A_278 : memref<64xi32, #tpu.memory_space<vmem>>) semaphore(%arg20 : memref<!tpu.dma_semaphore, #tpu.memory_space<semaphore_mem>>) {add = true}
      %add3A_282 = arith.constant 2 : i32
      %add3A_283 = arith.addi %mul3A_249, %add3A_282 : i32
      %dma_wait3A_284 = arith.constant 0 : i32
      %dma_wait3A_285 = tpu.memref_slice %arg8[%add3A_283, %dma_wait3A_284] : memref<40x64xi32, #tpu.memory_space<vmem>> -> memref<1x64xi32, #tpu.memory_space<vmem>>
      %dma_wait3A_286 = tpu.memref_squeeze %dma_wait3A_285 : memref<1x64xi32, #tpu.memory_space<vmem>> -> memref<64xi32, #tpu.memory_space<vmem>>
      %dma_wait3A_287 = arith.constant 0 : i32
      %dma_wait3A_288 = arith.constant 0 : i32
      %dma_wait3A_289 = tpu.memref_slice %arg5[%dma_wait3A_287, %dma_wait3A_288] : memref<10000x128xf32, #tpu.memory_space<hbm>> -> memref<10000x128xf32, #tpu.memory_space<hbm>>
      tpu.wait_indirect_dma semaphore(%arg17 : memref<!tpu.dma_semaphore, #tpu.memory_space<semaphore_mem>>) src(%dma_wait3A_289 : memref<10000x128xf32, #tpu.memory_space<hbm>>) dst(%arg12 : memref<64x128xf32, #tpu.memory_space<vmem>>)
      %add3A_290 = arith.constant 2 : i32
      %add3A_291 = arith.addi %mul3A_249, %add3A_290 : i32
      %dma_start3A_292 = arith.constant 0 : i32
      %dma_start3A_293 = tpu.memref_slice %arg9[%add3A_291, %dma_start3A_292] : memref<40x64xi32, #tpu.memory_space<vmem>> -> memref<1x64xi32, #tpu.memory_space<vmem>>
      %dma_start3A_294 = tpu.memref_squeeze %dma_start3A_293 : memref<1x64xi32, #tpu.memory_space<vmem>> -> memref<64xi32, #tpu.memory_space<vmem>>
      %dma_start3A_295 = arith.constant 0 : i32
      %dma_start3A_296 = arith.constant 0 : i32
      %dma_start3A_297 = tpu.memref_slice %arg14[%dma_start3A_295, %dma_start3A_296] : memref<10112x128xf32, #tpu.memory_space<vmem_shared>> -> memref<10112x128xf32, #tpu.memory_space<vmem_shared>>
      tpu.enqueue_indirect_dma source(%arg12 : memref<64x128xf32, #tpu.memory_space<vmem>>) target(%dma_start3A_297 : memref<10112x128xf32, #tpu.memory_space<vmem_shared>>) offsets(%dma_start3A_294 : memref<64xi32, #tpu.memory_space<vmem>>) semaphore(%arg21 : memref<!tpu.dma_semaphore, #tpu.memory_space<semaphore_mem>>) {add = true}
      %add3A_298 = arith.constant 3 : i32
      %add3A_299 = arith.addi %mul3A_249, %add3A_298 : i32
      %dma_wait3A_300 = arith.constant 0 : i32
      %dma_wait3A_301 = tpu.memref_slice %arg8[%add3A_299, %dma_wait3A_300] : memref<40x64xi32, #tpu.memory_space<vmem>> -> memref<1x64xi32, #tpu.memory_space<vmem>>
      %dma_wait3A_302 = tpu.memref_squeeze %dma_wait3A_301 : memref<1x64xi32, #tpu.memory_space<vmem>> -> memref<64xi32, #tpu.memory_space<vmem>>
      %dma_wait3A_303 = arith.constant 0 : i32
      %dma_wait3A_304 = arith.constant 0 : i32
      %dma_wait3A_305 = tpu.memref_slice %arg5[%dma_wait3A_303, %dma_wait3A_304] : memref<10000x128xf32, #tpu.memory_space<hbm>> -> memref<10000x128xf32, #tpu.memory_space<hbm>>
      tpu.wait_indirect_dma semaphore(%arg18 : memref<!tpu.dma_semaphore, #tpu.memory_space<semaphore_mem>>) src(%dma_wait3A_305 : memref<10000x128xf32, #tpu.memory_space<hbm>>) dst(%arg13 : memref<64x128xf32, #tpu.memory_space<vmem>>)
      %add3A_306 = arith.constant 3 : i32
      %add3A_307 = arith.addi %mul3A_249, %add3A_306 : i32
      %dma_start3A_308 = arith.constant 0 : i32
      %dma_start3A_309 = tpu.memref_slice %arg9[%add3A_307, %dma_start3A_308] : memref<40x64xi32, #tpu.memory_space<vmem>> -> memref<1x64xi32, #tpu.memory_space<vmem>>
      %dma_start3A_310 = tpu.memref_squeeze %dma_start3A_309 : memref<1x64xi32, #tpu.memory_space<vmem>> -> memref<64xi32, #tpu.memory_space<vmem>>
      %dma_start3A_311 = arith.constant 0 : i32
      %dma_start3A_312 = arith.constant 0 : i32
      %dma_start3A_313 = tpu.memref_slice %arg14[%dma_start3A_311, %dma_start3A_312] : memref<10112x128xf32, #tpu.memory_space<vmem_shared>> -> memref<10112x128xf32, #tpu.memory_space<vmem_shared>>
      tpu.enqueue_indirect_dma source(%arg13 : memref<64x128xf32, #tpu.memory_space<vmem>>) target(%dma_start3A_313 : memref<10112x128xf32, #tpu.memory_space<vmem_shared>>) offsets(%dma_start3A_310 : memref<64xi32, #tpu.memory_space<vmem>>) semaphore(%arg22 : memref<!tpu.dma_semaphore, #tpu.memory_space<semaphore_mem>>) {add = true}
      %add3A_314 = arith.constant 0 : i32
      %add3A_315 = arith.addi %mul3A_249, %add3A_314 : i32
      %dma_wait3A_316 = arith.constant 0 : i32
      %dma_wait3A_317 = tpu.memref_slice %arg9[%add3A_315, %dma_wait3A_316] : memref<40x64xi32, #tpu.memory_space<vmem>> -> memref<1x64xi32, #tpu.memory_space<vmem>>
      %dma_wait3A_318 = tpu.memref_squeeze %dma_wait3A_317 : memref<1x64xi32, #tpu.memory_space<vmem>> -> memref<64xi32, #tpu.memory_space<vmem>>
      %dma_wait3A_319 = arith.constant 0 : i32
      %dma_wait3A_320 = arith.constant 0 : i32
      %dma_wait3A_321 = tpu.memref_slice %arg14[%dma_wait3A_319, %dma_wait3A_320] : memref<10112x128xf32, #tpu.memory_space<vmem_shared>> -> memref<10112x128xf32, #tpu.memory_space<vmem_shared>>
      tpu.wait_indirect_dma semaphore(%arg19 : memref<!tpu.dma_semaphore, #tpu.memory_space<semaphore_mem>>) src(%arg10 : memref<64x128xf32, #tpu.memory_space<vmem>>) dst(%dma_wait3A_321 : memref<10112x128xf32, #tpu.memory_space<vmem_shared>>)
      %add3A_322 = arith.constant 4 : i32
      %add3A_323 = arith.addi %mul3A_249, %add3A_322 : i32
      %add3A_324 = arith.constant 0 : i32
      %add3A_325 = arith.addi %add3A_323, %add3A_324 : i32
      %lt3A = arith.constant 40 : i32
      %lt3A_326 = arith.cmpi slt, %add3A_325, %lt3A : i32
      %convert_element_type3A_327 = arith.extui %lt3A_326 : i1 to i32
      %cond3A_328 = arith.constant 0 : i32
      %cond3A_329 = arith.cmpi ne, %convert_element_type3A_327, %cond3A_328 : i32
      scf.if %cond3A_329 {
        %add3A_381 = arith.constant 4 : i32
        %add3A_382 = arith.addi %mul3A_249, %add3A_381 : i32
        %add3A_383 = arith.constant 0 : i32
        %add3A_384 = arith.addi %add3A_382, %add3A_383 : i32
        %dma_start3A_385 = arith.constant 0 : i32
        %dma_start3A_386 = tpu.memref_slice %arg8[%add3A_384, %dma_start3A_385] : memref<40x64xi32, #tpu.memory_space<vmem>> -> memref<1x64xi32, #tpu.memory_space<vmem>>
        %dma_start3A_387 = tpu.memref_squeeze %dma_start3A_386 : memref<1x64xi32, #tpu.memory_space<vmem>> -> memref<64xi32, #tpu.memory_space<vmem>>
        %dma_start3A_388 = arith.constant 0 : i32
        %dma_start3A_389 = arith.constant 0 : i32
        %dma_start3A_390 = tpu.memref_slice %arg5[%dma_start3A_388, %dma_start3A_389] : memref<10000x128xf32, #tpu.memory_space<hbm>> -> memref<10000x128xf32, #tpu.memory_space<hbm>>
        tpu.enqueue_indirect_dma source(%dma_start3A_390 : memref<10000x128xf32, #tpu.memory_space<hbm>>) target(%arg10 : memref<64x128xf32, #tpu.memory_space<vmem>>) offsets(%dma_start3A_387 : memref<64xi32, #tpu.memory_space<vmem>>) semaphore(%arg15 : memref<!tpu.dma_semaphore, #tpu.memory_space<semaphore_mem>>)
      } else {
      }
      %add3A_330 = arith.constant 1 : i32
      %add3A_331 = arith.addi %mul3A_249, %add3A_330 : i32
      %dma_wait3A_332 = arith.constant 0 : i32
      %dma_wait3A_333 = tpu.memref_slice %arg9[%add3A_331, %dma_wait3A_332] : memref<40x64xi32, #tpu.memory_space<vmem>> -> memref<1x64xi32, #tpu.memory_space<vmem>>
      %dma_wait3A_334 = tpu.memref_squeeze %dma_wait3A_333 : memref<1x64xi32, #tpu.memory_space<vmem>> -> memref<64xi32, #tpu.memory_space<vmem>>
      %dma_wait3A_335 = arith.constant 0 : i32
      %dma_wait3A_336 = arith.constant 0 : i32
      %dma_wait3A_337 = tpu.memref_slice %arg14[%dma_wait3A_335, %dma_wait3A_336] : memref<10112x128xf32, #tpu.memory_space<vmem_shared>> -> memref<10112x128xf32, #tpu.memory_space<vmem_shared>>
      tpu.wait_indirect_dma semaphore(%arg20 : memref<!tpu.dma_semaphore, #tpu.memory_space<semaphore_mem>>) src(%arg11 : memref<64x128xf32, #tpu.memory_space<vmem>>) dst(%dma_wait3A_337 : memref<10112x128xf32, #tpu.memory_space<vmem_shared>>)
      %add3A_338 = arith.constant 4 : i32
      %add3A_339 = arith.addi %mul3A_249, %add3A_338 : i32
      %add3A_340 = arith.constant 1 : i32
      %add3A_341 = arith.addi %add3A_339, %add3A_340 : i32
      %lt3A_342 = arith.constant 40 : i32
      %lt3A_343 = arith.cmpi slt, %add3A_341, %lt3A_342 : i32
      %convert_element_type3A_344 = arith.extui %lt3A_343 : i1 to i32
      %cond3A_345 = arith.constant 0 : i32
      %cond3A_346 = arith.cmpi ne, %convert_element_type3A_344, %cond3A_345 : i32
      scf.if %cond3A_346 {
        %add3A_381 = arith.constant 4 : i32
        %add3A_382 = arith.addi %mul3A_249, %add3A_381 : i32
        %add3A_383 = arith.constant 1 : i32
        %add3A_384 = arith.addi %add3A_382, %add3A_383 : i32
        %dma_start3A_385 = arith.constant 0 : i32
        %dma_start3A_386 = tpu.memref_slice %arg8[%add3A_384, %dma_start3A_385] : memref<40x64xi32, #tpu.memory_space<vmem>> -> memref<1x64xi32, #tpu.memory_space<vmem>>
        %dma_start3A_387 = tpu.memref_squeeze %dma_start3A_386 : memref<1x64xi32, #tpu.memory_space<vmem>> -> memref<64xi32, #tpu.memory_space<vmem>>
        %dma_start3A_388 = arith.constant 0 : i32
        %dma_start3A_389 = arith.constant 0 : i32
        %dma_start3A_390 = tpu.memref_slice %arg5[%dma_start3A_388, %dma_start3A_389] : memref<10000x128xf32, #tpu.memory_space<hbm>> -> memref<10000x128xf32, #tpu.memory_space<hbm>>
        tpu.enqueue_indirect_dma source(%dma_start3A_390 : memref<10000x128xf32, #tpu.memory_space<hbm>>) target(%arg11 : memref<64x128xf32, #tpu.memory_space<vmem>>) offsets(%dma_start3A_387 : memref<64xi32, #tpu.memory_space<vmem>>) semaphore(%arg16 : memref<!tpu.dma_semaphore, #tpu.memory_space<semaphore_mem>>)
      } else {
      }
      %add3A_347 = arith.constant 2 : i32
      %add3A_348 = arith.addi %mul3A_249, %add3A_347 : i32
      %dma_wait3A_349 = arith.constant 0 : i32
      %dma_wait3A_350 = tpu.memref_slice %arg9[%add3A_348, %dma_wait3A_349] : memref<40x64xi32, #tpu.memory_space<vmem>> -> memref<1x64xi32, #tpu.memory_space<vmem>>
      %dma_wait3A_351 = tpu.memref_squeeze %dma_wait3A_350 : memref<1x64xi32, #tpu.memory_space<vmem>> -> memref<64xi32, #tpu.memory_space<vmem>>
      %dma_wait3A_352 = arith.constant 0 : i32
      %dma_wait3A_353 = arith.constant 0 : i32
      %dma_wait3A_354 = tpu.memref_slice %arg14[%dma_wait3A_352, %dma_wait3A_353] : memref<10112x128xf32, #tpu.memory_space<vmem_shared>> -> memref<10112x128xf32, #tpu.memory_space<vmem_shared>>
      tpu.wait_indirect_dma semaphore(%arg21 : memref<!tpu.dma_semaphore, #tpu.memory_space<semaphore_mem>>) src(%arg12 : memref<64x128xf32, #tpu.memory_space<vmem>>) dst(%dma_wait3A_354 : memref<10112x128xf32, #tpu.memory_space<vmem_shared>>)
      %add3A_355 = arith.constant 4 : i32
      %add3A_356 = arith.addi %mul3A_249, %add3A_355 : i32
      %add3A_357 = arith.constant 2 : i32
      %add3A_358 = arith.addi %add3A_356, %add3A_357 : i32
      %lt3A_359 = arith.constant 40 : i32
      %lt3A_360 = arith.cmpi slt, %add3A_358, %lt3A_359 : i32
      %convert_element_type3A_361 = arith.extui %lt3A_360 : i1 to i32
      %cond3A_362 = arith.constant 0 : i32
      %cond3A_363 = arith.cmpi ne, %convert_element_type3A_361, %cond3A_362 : i32
      scf.if %cond3A_363 {
        %add3A_381 = arith.constant 4 : i32
        %add3A_382 = arith.addi %mul3A_249, %add3A_381 : i32
        %add3A_383 = arith.constant 2 : i32
        %add3A_384 = arith.addi %add3A_382, %add3A_383 : i32
        %dma_start3A_385 = arith.constant 0 : i32
        %dma_start3A_386 = tpu.memref_slice %arg8[%add3A_384, %dma_start3A_385] : memref<40x64xi32, #tpu.memory_space<vmem>> -> memref<1x64xi32, #tpu.memory_space<vmem>>
        %dma_start3A_387 = tpu.memref_squeeze %dma_start3A_386 : memref<1x64xi32, #tpu.memory_space<vmem>> -> memref<64xi32, #tpu.memory_space<vmem>>
        %dma_start3A_388 = arith.constant 0 : i32
        %dma_start3A_389 = arith.constant 0 : i32
        %dma_start3A_390 = tpu.memref_slice %arg5[%dma_start3A_388, %dma_start3A_389] : memref<10000x128xf32, #tpu.memory_space<hbm>> -> memref<10000x128xf32, #tpu.memory_space<hbm>>
        tpu.enqueue_indirect_dma source(%dma_start3A_390 : memref<10000x128xf32, #tpu.memory_space<hbm>>) target(%arg12 : memref<64x128xf32, #tpu.memory_space<vmem>>) offsets(%dma_start3A_387 : memref<64xi32, #tpu.memory_space<vmem>>) semaphore(%arg17 : memref<!tpu.dma_semaphore, #tpu.memory_space<semaphore_mem>>)
      } else {
      }
      %add3A_364 = arith.constant 3 : i32
      %add3A_365 = arith.addi %mul3A_249, %add3A_364 : i32
      %dma_wait3A_366 = arith.constant 0 : i32
      %dma_wait3A_367 = tpu.memref_slice %arg9[%add3A_365, %dma_wait3A_366] : memref<40x64xi32, #tpu.memory_space<vmem>> -> memref<1x64xi32, #tpu.memory_space<vmem>>
      %dma_wait3A_368 = tpu.memref_squeeze %dma_wait3A_367 : memref<1x64xi32, #tpu.memory_space<vmem>> -> memref<64xi32, #tpu.memory_space<vmem>>
      %dma_wait3A_369 = arith.constant 0 : i32
      %dma_wait3A_370 = arith.constant 0 : i32
      %dma_wait3A_371 = tpu.memref_slice %arg14[%dma_wait3A_369, %dma_wait3A_370] : memref<10112x128xf32, #tpu.memory_space<vmem_shared>> -> memref<10112x128xf32, #tpu.memory_space<vmem_shared>>
      tpu.wait_indirect_dma semaphore(%arg22 : memref<!tpu.dma_semaphore, #tpu.memory_space<semaphore_mem>>) src(%arg13 : memref<64x128xf32, #tpu.memory_space<vmem>>) dst(%dma_wait3A_371 : memref<10112x128xf32, #tpu.memory_space<vmem_shared>>)
      %add3A_372 = arith.constant 4 : i32
      %add3A_373 = arith.addi %mul3A_249, %add3A_372 : i32
      %add3A_374 = arith.constant 3 : i32
      %add3A_375 = arith.addi %add3A_373, %add3A_374 : i32
      %lt3A_376 = arith.constant 40 : i32
      %lt3A_377 = arith.cmpi slt, %add3A_375, %lt3A_376 : i32
      %convert_element_type3A_378 = arith.extui %lt3A_377 : i1 to i32
      %cond3A_379 = arith.constant 0 : i32
      %cond3A_380 = arith.cmpi ne, %convert_element_type3A_378, %cond3A_379 : i32
      scf.if %cond3A_380 {
        %add3A_381 = arith.constant 4 : i32
        %add3A_382 = arith.addi %mul3A_249, %add3A_381 : i32
        %add3A_383 = arith.constant 3 : i32
        %add3A_384 = arith.addi %add3A_382, %add3A_383 : i32
        %dma_start3A_385 = arith.constant 0 : i32
        %dma_start3A_386 = tpu.memref_slice %arg8[%add3A_384, %dma_start3A_385] : memref<40x64xi32, #tpu.memory_space<vmem>> -> memref<1x64xi32, #tpu.memory_space<vmem>>
        %dma_start3A_387 = tpu.memref_squeeze %dma_start3A_386 : memref<1x64xi32, #tpu.memory_space<vmem>> -> memref<64xi32, #tpu.memory_space<vmem>>
        %dma_start3A_388 = arith.constant 0 : i32
        %dma_start3A_389 = arith.constant 0 : i32
        %dma_start3A_390 = tpu.memref_slice %arg5[%dma_start3A_388, %dma_start3A_389] : memref<10000x128xf32, #tpu.memory_space<hbm>> -> memref<10000x128xf32, #tpu.memory_space<hbm>>
        tpu.enqueue_indirect_dma source(%dma_start3A_390 : memref<10000x128xf32, #tpu.memory_space<hbm>>) target(%arg13 : memref<64x128xf32, #tpu.memory_space<vmem>>) offsets(%dma_start3A_387 : memref<64xi32, #tpu.memory_space<vmem>>) semaphore(%arg18 : memref<!tpu.dma_semaphore, #tpu.memory_space<semaphore_mem>>)
      } else {
      }
    }
    %scan3A_237 = arith.constant 10 : i32
    %barrier3A_238 = arith.constant 0 : index
    tpu.barrier barrier_id(%barrier3A_238)
    %mul3A_239 = arith.constant 632 : i32
    %mul3A_240 = arith.muli %arg1, %mul3A_239 : i32
    %mul3A_241 = arith.constant 632 : i32
    %mul3A_242 = arith.muli %arg1, %mul3A_241 : i32
    "tpu.region"() ({
      %run_scoped3A = tpu.sem_alloc : memref<!tpu.dma_semaphore, #tpu.memory_space<semaphore_mem>>
      %dma_start3A_243 = arith.constant 0 : i32
      %dma_start3A_244 = tpu.memref_slice %arg7[%arg0, %mul3A_242, %dma_start3A_243] : memref<2x10112x128xf32, #tpu.memory_space<hbm>> -> memref<1x632x128xf32, #tpu.memory_space<hbm>>
      %dma_start3A_245 = tpu.memref_squeeze %dma_start3A_244 : memref<1x632x128xf32, #tpu.memory_space<hbm>> -> memref<632x128xf32, #tpu.memory_space<hbm>>
      %dma_start3A_246 = arith.constant 0 : i32
      %dma_start3A_247 = tpu.memref_slice %arg14[%mul3A_240, %dma_start3A_246] : memref<10112x128xf32, #tpu.memory_space<vmem_shared>> -> memref<632x128xf32, #tpu.memory_space<vmem_shared>>
      tpu.enqueue_dma source(%dma_start3A_247 : memref<632x128xf32, #tpu.memory_space<vmem_shared>>) target(%dma_start3A_245 : memref<632x128xf32, #tpu.memory_space<hbm>>) target_semaphore(%run_scoped3A : memref<!tpu.dma_semaphore, #tpu.memory_space<semaphore_mem>>)
      %dma_wait3A_248 = arith.constant 0 : i32
      %dma_wait3A_249 = tpu.memref_slice %arg7[%arg0, %mul3A_242, %dma_wait3A_248] : memref<2x10112x128xf32, #tpu.memory_space<hbm>> -> memref<1x632x128xf32, #tpu.memory_space<hbm>>
      %dma_wait3A_250 = tpu.memref_squeeze %dma_wait3A_249 : memref<1x632x128xf32, #tpu.memory_space<hbm>> -> memref<632x128xf32, #tpu.memory_space<hbm>>
      %dma_wait3A_251 = arith.constant 0 : i32
      %dma_wait3A_252 = tpu.memref_slice %arg14[%mul3A_240, %dma_wait3A_251] : memref<10112x128xf32, #tpu.memory_space<vmem_shared>> -> memref<632x128xf32, #tpu.memory_space<vmem_shared>>
      tpu.wait_dma2 semaphore(%run_scoped3A : memref<!tpu.dma_semaphore, #tpu.memory_space<semaphore_mem>>) src(%dma_wait3A_252 : memref<632x128xf32, #tpu.memory_space<vmem_shared>>) dst(%dma_wait3A_250 : memref<632x128xf32, #tpu.memory_space<hbm>>)
      tpu.yield
    }) : () -> ()
    return
  }
}

module attributes {stable_mosaic.version = 14 : i64} {
  func.func @_mm_body(%arg0: i32, %arg1: memref<2000x128xf32, #tpu.memory_space<vmem>>, %arg2: memref<128x128xf32, #tpu.memory_space<vmem>>, %arg3: memref<2000x128xf32, #tpu.memory_space<vmem>>) attributes {dimension_semantics = [#tpu.dimension_semantics<arbitrary>], iteration_bounds = array<i64: 5>, scalar_prefetch = 0 : i64, scratch_operands = 0 : i64, tpu.core_type = #tpu.core_type<tc>, window_params = [{transform_indices = @transform_0, window_bounds = array<i64: 2000, 128>}, {pipeline_mode = #tpu.pipeline_mode<synchronous>, transform_indices = @transform_1, window_bounds = array<i64: 128, 128>}, {transform_indices = @transform_2, window_bounds = array<i64: 2000, 128>}]} {
    %get3A = arith.constant 0 : index
    %get3A_0 = arith.constant 0 : index
    %get3A_1 = vector.load %arg1[%get3A, %get3A_0] : memref<2000x128xf32, #tpu.memory_space<vmem>>, vector<2000x128xf32>
    %get3A_2 = arith.constant 0 : index
    %get3A_3 = arith.constant 0 : index
    %get3A_4 = vector.load %arg2[%get3A_2, %get3A_3] : memref<128x128xf32, #tpu.memory_space<vmem>>, vector<128x128xf32>
    %dot_general3A = arith.constant dense<0.000000e+00> : vector<2000x128xf32>
    %dot_general3A_5 = tpu.matmul %get3A_1, %get3A_4, %dot_general3A {dimension_numbers = #tpu.dot_dimension_numbers<[1], [0], [0], [1], [0, 0, 1, 1], [], []>, transpose_lhs_hint = false} : vector<2000x128xf32>, vector<128x128xf32>, vector<2000x128xf32> -> vector<2000x128xf32>
    %swap3A = arith.constant 0 : index
    %swap3A_6 = arith.constant 0 : index
    %swap3A_7 = vector.load %arg3[%swap3A, %swap3A_6] : memref<2000x128xf32, #tpu.memory_space<vmem>>, vector<2000x128xf32>
    tpu.vector_store %arg3[%swap3A, %swap3A_6], %dot_general3A_5 {strides = array<i32>} : memref<2000x128xf32, #tpu.memory_space<vmem>>, vector<2000x128xf32>,
    return
  }
  func.func @transform_0(%arg0: i32) -> (i32, i32) {
    %c0_i32 = arith.constant 0 : i32
    %c0_i32_0 = arith.constant 0 : i32
    return %arg0, %c0_i32 : i32, i32
  }
  func.func @transform_1(%arg0: i32) -> (i32, i32) {
    %c0_i32 = arith.constant 0 : i32
    %c0_i32_0 = arith.constant 0 : i32
    %c0_i32_1 = arith.constant 0 : i32
    return %c0_i32, %c0_i32_0 : i32, i32
  }
  func.func @transform_2(%arg0: i32) -> (i32, i32) {
    %c0_i32 = arith.constant 0 : i32
    %c0_i32_0 = arith.constant 0 : i32
    return %arg0, %c0_i32 : i32, i32
  }
}

module attributes {stable_mosaic.version = 14 : i64} {
  func.func @_scale_body(%arg0: i32, %arg1: memref<1x2000x16xf32, #tpu.memory_space<vmem>>, %arg2: memref<1x2000x16xf32, #tpu.memory_space<vmem>>, %arg3: memref<2000x128xf32, #tpu.memory_space<vmem>>, %arg4: memref<2000x128xf32, #tpu.memory_space<vmem>>) attributes {dimension_semantics = [#tpu.dimension_semantics<arbitrary>], iteration_bounds = array<i64: 5>, scalar_prefetch = 0 : i64, scratch_operands = 0 : i64, tpu.core_type = #tpu.core_type<tc>, window_params = [{transform_indices = @transform_0, window_bounds = array<i64: 1, 2000, 16>}, {transform_indices = @transform_1, window_bounds = array<i64: 1, 2000, 16>}, {transform_indices = @transform_2, window_bounds = array<i64: 2000, 128>}, {transform_indices = @transform_3, window_bounds = array<i64: 2000, 128>}]} {
    %get3A = arith.constant 0 : index
    %get3A_0 = arith.constant 0 : index
    %get3A_1 = arith.constant 0 : index
    %get3A_2 = vector.load %arg1[%get3A, %get3A_0, %get3A_1] : memref<1x2000x16xf32, #tpu.memory_space<vmem>>, vector<1x2000x16xf32>
    %get3A_3 = vector.shape_cast %get3A_2 : vector<1x2000x16xf32> to vector<2000x16xf32>
    %slice3A = vector.extract_strided_slice %get3A_3 {offsets = [0, 0], sizes = [2000, 1], strides = [1, 1]} : vector<2000x16xf32> to vector<2000x1xf32>
    %get3A_4 = arith.constant 0 : index
    %get3A_5 = arith.constant 0 : index
    %get3A_6 = arith.constant 0 : index
    %get3A_7 = vector.load %arg2[%get3A_4, %get3A_5, %get3A_6] : memref<1x2000x16xf32, #tpu.memory_space<vmem>>, vector<1x2000x16xf32>
    %get3A_8 = vector.shape_cast %get3A_7 : vector<1x2000x16xf32> to vector<2000x16xf32>
    %slice3A_9 = vector.extract_strided_slice %get3A_8 {offsets = [0, 0], sizes = [2000, 1], strides = [1, 1]} : vector<2000x16xf32> to vector<2000x1xf32>
    %add3A = arith.addf %slice3A, %slice3A_9 : vector<2000x1xf32>
    %add3A_10 = arith.constant 1.000000e+00 : f32
    %add3A_11 = vector.broadcast %add3A_10 : f32 to vector<2000x1xf32>
    %add3A_12 = arith.addf %add3A, %add3A_11 : vector<2000x1xf32>
    %get3A_13 = arith.constant 0 : index
    %get3A_14 = arith.constant 0 : index
    %get3A_15 = vector.load %arg3[%get3A_13, %get3A_14] : memref<2000x128xf32, #tpu.memory_space<vmem>>, vector<2000x128xf32>
    %rsqrt3A = math.rsqrt %add3A_12 : vector<2000x1xf32>
    %mul3A = vector.broadcast %rsqrt3A : vector<2000x1xf32> to vector<2000x128xf32>
    %mul3A_16 = arith.mulf %get3A_15, %mul3A : vector<2000x128xf32>
    %swap3A = arith.constant 0 : index
    %swap3A_17 = arith.constant 0 : index
    %swap3A_18 = vector.load %arg4[%swap3A, %swap3A_17] : memref<2000x128xf32, #tpu.memory_space<vmem>>, vector<2000x128xf32>
    tpu.vector_store %arg4[%swap3A, %swap3A_17], %mul3A_16 {strides = array<i32>} : memref<2000x128xf32, #tpu.memory_space<vmem>>, vector<2000x128xf32>,
    return
  }
  func.func @transform_0(%arg0: i32) -> (i32, i32, i32) {
    %c0_i32 = arith.constant 0 : i32
    %c0_i32_0 = arith.constant 0 : i32
    %c0_i32_1 = arith.constant 0 : i32
    return %c0_i32, %arg0, %c0_i32_0 : i32, i32, i32
  }
  func.func @transform_1(%arg0: i32) -> (i32, i32, i32) {
    %c1_i32 = arith.constant 1 : i32
    %c0_i32 = arith.constant 0 : i32
    %c0_i32_0 = arith.constant 0 : i32
    return %c1_i32, %arg0, %c0_i32 : i32, i32, i32
  }
  func.func @transform_2(%arg0: i32) -> (i32, i32) {
    %c0_i32 = arith.constant 0 : i32
    %c0_i32_0 = arith.constant 0 : i32
    return %arg0, %c0_i32 : i32, i32
  }
  func.func @transform_3(%arg0: i32) -> (i32, i32) {
    %c0_i32 = arith.constant 0 : i32
    %c0_i32_0 = arith.constant 0 : i32
    return %arg0, %c0_i32 : i32, i32
  }
}

module attributes {stable_mosaic.version = 14 : i64} {
  func.func @_final_body(%arg0: i32, %arg1: memref<1x2000x128xf32, #tpu.memory_space<vmem>>, %arg2: memref<1x2000x128xf32, #tpu.memory_space<vmem>>, %arg3: memref<2000x128xf32, #tpu.memory_space<vmem>>, %arg4: memref<1x2000x16xf32, #tpu.memory_space<vmem>>, %arg5: memref<1x2000x16xf32, #tpu.memory_space<vmem>>, %arg6: memref<1x128xf32, #tpu.memory_space<vmem>>, %arg7: memref<128x64xf32, #tpu.memory_space<vmem>>, %arg8: memref<1x64xf32, #tpu.memory_space<vmem>>, %arg9: memref<2000x64xf32, #tpu.memory_space<vmem>>) attributes {dimension_semantics = [#tpu.dimension_semantics<arbitrary>], iteration_bounds = array<i64: 5>, scalar_prefetch = 0 : i64, scratch_operands = 0 : i64, tpu.core_type = #tpu.core_type<tc>, window_params = [{transform_indices = @transform_0, window_bounds = array<i64: 1, 2000, 128>}, {transform_indices = @transform_1, window_bounds = array<i64: 1, 2000, 128>}, {transform_indices = @transform_2, window_bounds = array<i64: 2000, 128>}, {transform_indices = @transform_3, window_bounds = array<i64: 1, 2000, 16>}, {transform_indices = @transform_4, window_bounds = array<i64: 1, 2000, 16>}, {pipeline_mode = #tpu.pipeline_mode<synchronous>, transform_indices = @transform_5, window_bounds = array<i64: 1, 128>}, {pipeline_mode = #tpu.pipeline_mode<synchronous>, transform_indices = @transform_6, window_bounds = array<i64: 128, 64>}, {pipeline_mode = #tpu.pipeline_mode<synchronous>, transform_indices = @transform_7, window_bounds = array<i64: 1, 64>}, {transform_indices = @transform_8, window_bounds = array<i64: 2000, 64>}]} {
    %get3A = arith.constant 0 : index
    %get3A_0 = arith.constant 0 : index
    %get3A_1 = arith.constant 0 : index
    %get3A_2 = vector.load %arg4[%get3A, %get3A_0, %get3A_1] : memref<1x2000x16xf32, #tpu.memory_space<vmem>>, vector<1x2000x16xf32>
    %get3A_3 = vector.shape_cast %get3A_2 : vector<1x2000x16xf32> to vector<2000x16xf32>
    %slice3A = vector.extract_strided_slice %get3A_3 {offsets = [0, 0], sizes = [2000, 1], strides = [1, 1]} : vector<2000x16xf32> to vector<2000x1xf32>
    %get3A_4 = arith.constant 0 : index
    %get3A_5 = arith.constant 0 : index
    %get3A_6 = arith.constant 0 : index
    %get3A_7 = vector.load %arg5[%get3A_4, %get3A_5, %get3A_6] : memref<1x2000x16xf32, #tpu.memory_space<vmem>>, vector<1x2000x16xf32>
    %get3A_8 = vector.shape_cast %get3A_7 : vector<1x2000x16xf32> to vector<2000x16xf32>
    %slice3A_9 = vector.extract_strided_slice %get3A_8 {offsets = [0, 0], sizes = [2000, 1], strides = [1, 1]} : vector<2000x16xf32> to vector<2000x1xf32>
    %add3A = arith.addf %slice3A, %slice3A_9 : vector<2000x1xf32>
    %add3A_10 = arith.constant 1.000000e+00 : f32
    %add3A_11 = vector.broadcast %add3A_10 : f32 to vector<2000x1xf32>
    %add3A_12 = arith.addf %add3A, %add3A_11 : vector<2000x1xf32>
    %rsqrt3A = math.rsqrt %add3A_12 : vector<2000x1xf32>
    %get3A_13 = arith.constant 0 : index
    %get3A_14 = arith.constant 0 : index
    %get3A_15 = arith.constant 0 : index
    %get3A_16 = vector.load %arg1[%get3A_13, %get3A_14, %get3A_15] : memref<1x2000x128xf32, #tpu.memory_space<vmem>>, vector<1x2000x128xf32>
    %get3A_17 = vector.shape_cast %get3A_16 : vector<1x2000x128xf32> to vector<2000x128xf32>
    %get3A_18 = arith.constant 0 : index
    %get3A_19 = arith.constant 0 : index
    %get3A_20 = arith.constant 0 : index
    %get3A_21 = vector.load %arg2[%get3A_18, %get3A_19, %get3A_20] : memref<1x2000x128xf32, #tpu.memory_space<vmem>>, vector<1x2000x128xf32>
    %get3A_22 = vector.shape_cast %get3A_21 : vector<1x2000x128xf32> to vector<2000x128xf32>
    %add3A_23 = arith.addf %get3A_17, %get3A_22 : vector<2000x128xf32>
    %get3A_24 = arith.constant 0 : index
    %get3A_25 = arith.constant 0 : index
    %get3A_26 = vector.load %arg3[%get3A_24, %get3A_25] : memref<2000x128xf32, #tpu.memory_space<vmem>>, vector<2000x128xf32>
    %add3A_27 = arith.addf %add3A_23, %get3A_26 : vector<2000x128xf32>
    %mul3A = vector.broadcast %rsqrt3A : vector<2000x1xf32> to vector<2000x128xf32>
    %mul3A_28 = arith.mulf %add3A_27, %mul3A : vector<2000x128xf32>
    %get3A_29 = arith.constant 0 : index
    %get3A_30 = arith.constant 0 : index
    %get3A_31 = vector.load %arg6[%get3A_29, %get3A_30] : memref<1x128xf32, #tpu.memory_space<vmem>>, vector<1x128xf32>
    %add3A_32 = vector.broadcast %get3A_31 : vector<1x128xf32> to vector<2000x128xf32>
    %add3A_33 = arith.addf %mul3A_28, %add3A_32 : vector<2000x128xf32>
    %max3A = arith.constant 0.000000e+00 : f32
    %max3A_34 = vector.broadcast %max3A : f32 to vector<2000x128xf32>
    %max3A_35 = arith.maximumf %add3A_33, %max3A_34 : vector<2000x128xf32>
    %get3A_36 = arith.constant 0 : index
    %get3A_37 = arith.constant 0 : index
    %get3A_38 = vector.load %arg7[%get3A_36, %get3A_37] : memref<128x64xf32, #tpu.memory_space<vmem>>, vector<128x64xf32>
    %dot_general3A = arith.constant dense<0.000000e+00> : vector<2000x64xf32>
    %dot_general3A_39 = tpu.matmul %max3A_35, %get3A_38, %dot_general3A {dimension_numbers = #tpu.dot_dimension_numbers<[1], [0], [0], [1], [0, 0, 1, 1], [], []>, transpose_lhs_hint = false} : vector<2000x128xf32>, vector<128x64xf32>, vector<2000x64xf32> -> vector<2000x64xf32>
    %get3A_40 = arith.constant 0 : index
    %get3A_41 = arith.constant 0 : index
    %get3A_42 = vector.load %arg8[%get3A_40, %get3A_41] : memref<1x64xf32, #tpu.memory_space<vmem>>, vector<1x64xf32>
    %add3A_43 = vector.broadcast %get3A_42 : vector<1x64xf32> to vector<2000x64xf32>
    %add3A_44 = arith.addf %dot_general3A_39, %add3A_43 : vector<2000x64xf32>
    %reduce_max3A = arith.constant dense<0xFF800000> : vector<2000xf32>
    %reduce_max3A_45 = vector.multi_reduction <maximumf>, %add3A_44, %reduce_max3A [1] : vector<2000x64xf32> to vector<2000xf32>
    %broadcast_in_dim3A = vector.shape_cast %reduce_max3A_45 : vector<2000xf32> to vector<2000x1xf32>
    %sub3A = vector.broadcast %broadcast_in_dim3A : vector<2000x1xf32> to vector<2000x64xf32>
    %sub3A_46 = arith.subf %add3A_44, %sub3A : vector<2000x64xf32>
    %exp3A = math.exp %sub3A_46 : vector<2000x64xf32>
    %reduce_sum3A = arith.constant dense<0.000000e+00> : vector<2000xf32>
    %reduce_sum3A_47 = vector.multi_reduction <add>, %exp3A, %reduce_sum3A [1] : vector<2000x64xf32> to vector<2000xf32>
    %broadcast_in_dim3A_48 = vector.shape_cast %reduce_sum3A_47 : vector<2000xf32> to vector<2000x1xf32>
    %log3A = math.log %broadcast_in_dim3A_48 : vector<2000x1xf32>
    %sub3A_49 = vector.broadcast %log3A : vector<2000x1xf32> to vector<2000x64xf32>
    %sub3A_50 = arith.subf %sub3A_46, %sub3A_49 : vector<2000x64xf32>
    %swap3A = arith.constant 0 : index
    %swap3A_51 = arith.constant 0 : index
    %swap3A_52 = vector.load %arg9[%swap3A, %swap3A_51] : memref<2000x64xf32, #tpu.memory_space<vmem>>, vector<2000x64xf32>
    tpu.vector_store %arg9[%swap3A, %swap3A_51], %sub3A_50 {strides = array<i32>} : memref<2000x64xf32, #tpu.memory_space<vmem>>, vector<2000x64xf32>,
    return
  }
  func.func @transform_0(%arg0: i32) -> (i32, i32, i32) {
    %c0_i32 = arith.constant 0 : i32
    %c0_i32_0 = arith.constant 0 : i32
    %c0_i32_1 = arith.constant 0 : i32
    return %c0_i32, %arg0, %c0_i32_0 : i32, i32, i32
  }
  func.func @transform_1(%arg0: i32) -> (i32, i32, i32) {
    %c1_i32 = arith.constant 1 : i32
    %c0_i32 = arith.constant 0 : i32
    %c0_i32_0 = arith.constant 0 : i32
    return %c1_i32, %arg0, %c0_i32 : i32, i32, i32
  }
  func.func @transform_2(%arg0: i32) -> (i32, i32) {
    %c0_i32 = arith.constant 0 : i32
    %c0_i32_0 = arith.constant 0 : i32
    return %arg0, %c0_i32 : i32, i32
  }
  func.func @transform_3(%arg0: i32) -> (i32, i32, i32) {
    %c0_i32 = arith.constant 0 : i32
    %c0_i32_0 = arith.constant 0 : i32
    %c0_i32_1 = arith.constant 0 : i32
    return %c0_i32, %arg0, %c0_i32_0 : i32, i32, i32
  }
  func.func @transform_4(%arg0: i32) -> (i32, i32, i32) {
    %c1_i32 = arith.constant 1 : i32
    %c0_i32 = arith.constant 0 : i32
    %c0_i32_0 = arith.constant 0 : i32
    return %c1_i32, %arg0, %c0_i32 : i32, i32, i32
  }
  func.func @transform_5(%arg0: i32) -> (i32, i32) {
    %c0_i32 = arith.constant 0 : i32
    %c0_i32_0 = arith.constant 0 : i32
    %c0_i32_1 = arith.constant 0 : i32
    return %c0_i32, %c0_i32_0 : i32, i32
  }
  func.func @transform_6(%arg0: i32) -> (i32, i32) {
    %c0_i32 = arith.constant 0 : i32
    %c0_i32_0 = arith.constant 0 : i32
    %c0_i32_1 = arith.constant 0 : i32
    return %c0_i32, %c0_i32_0 : i32, i32
  }
  func.func @transform_7(%arg0: i32) -> (i32, i32) {
    %c0_i32 = arith.constant 0 : i32
    %c0_i32_0 = arith.constant 0 : i32
    %c0_i32_1 = arith.constant 0 : i32
    return %c0_i32, %c0_i32_0 : i32, i32
  }
  func.func @transform_8(%arg0: i32) -> (i32, i32) {
    %c0_i32 = arith.constant 0 : i32
    %c0_i32_0 = arith.constant 0 : i32
    return %arg0, %c0_i32 : i32, i32
  }
}

</mosaic_0001>

<sc_bundles>
// kernel: kernel.10.cloned.1.call-start
scs
__scs_entry_jumppad:
0x0: {  	(pc) =	sbr.rel $0x88, $3  }
0x1: {  	(tag) =	ssettag $0x0;
	lr =	simm.s32 $0x1  }
0x2: {  	[smem:$0x3F9B] =	sst lr;
	_ =	strace $0xD0000000  }
0x3: {  	_ = 	snop  }
0x4: {  	_ = 	snop  }
0x5: {  	_ = 	snop  }
0x6: {  	_ = 	snop  }
0x7: {  	_ = 	snop  }
__scs_overlays_trampoline_lowered:
0x8: {  	[smem:$0x3FAA] =	sst s0  }
0x9: {  	[smem:$0x3FAB] =	sst s1  }
0xa: {  	[smem:$0x3FAC] =	sst s2  }
0xb: {  	[smem:$0x3FAD] =	sst s3  }
0xc: {  	[smem:$0x3FAE] =	sst s4  }
0xd: {  	[smem:$0x3FAF] =	sst s5  }
0xe: {  	[smem:$0x3FB0] =	sst s6  }
0xf: {  	[smem:$0x3FB1] =	sst s7  }
0x10: {  	[smem:$0x3FB2] =	sst s8  }
0x11: {  	[smem:$0x3FB3] =	sst s9;
	s0 =	simm.s32 @!p0 $0x0  }
0x12: {  	s1 =	sld [smem:$0x3F99];
	s0 =	simm.s32 @p0 $0x1  }
0x13: {  	[smem:$0x3FB4] =	sst s0;
	s0 =	simm.s32 @!p1 $0x0  }
0x14: {  	s2 =	sld [smem:$0x3F98];
	s0 =	simm.s32 @p1 $0x1  }
0x15: {  	[smem:$0x3FB5] =	sst s0;
	s0 =	simm.s32 @!p2 $0x0  }
0x16: {  	s3 =	sld [smem:$0x3FDB];
	s0 =	simm.s32 @p2 $0x1  }
0x17: {  	s4 =	simm.s32 $0x1BF5;
	[smem:$0x3FB7] =	sst s0  }
0x18: {  	s0 =	sld [smem:$0x3F9A];
	_ =	swait.ge [sflag:s4], $0x0  }
0x19: {  	s7 =	sld [smem:$0x3F9B]  }
0x1a: {  	s8 =	sadd.s32 $0xFFFFE003, lr  }
0x1b: {  	s9 =	sadd.s32 $0xFFFFFEF7, lr;
	s5 =	simm.s32 $0xFFFFFFFF;
	p2 =	slt.u32 s8, $0xFFFFF086  }
0x1c: {  	p1 =	slt.u32 s9, $0xF7A;
	s5 =	simm.s32 @!p2 $0x0  }
0x1d: {  	s5 =	simm.s32 @p1 $0x1;
	p0 =	seq.s32 s7, s2  }
0x1e: {  	s7 =	smul.u32 @!p0 $0xF7A, s2;
	p2 =	seq.s32 @!p0 s5, $0x0  }
0x1f: {  	s9 =	smul.u32 $0xF7A, s1;
	s8 =	simm.s32 @!p0 $0x1BF5;
	p2 =	por !p2, p0  }
0x20: {  	[sflag:s8] =	ssyncset.s32 @!p0 $0xFFFFF086;
	s6 =	sadd.s32 @!p0 s3, s7;
	s7 =	simm.s32 @!p0 $0x108  }
0x21: {  	s3 =	sadd.s32 s3, s9;
	s6 =	sadd.s32 @!p0 $0x88, s6;
	s7 =	simm.s32 @p2 $0x1082  }
0x22: {  	[simem:s7], [sflag:s8] =	dma.local @!p0 [hbm:s6], $0xF7A  }
0x23: {  	s9 =	sor.u32 $0xD0000000, s2;
	s6 =	simm.s32 $0x108;
	_ =	swait.ge @!p0 [sflag:s8], $0x0  }
0x24: {  	s3 =	sadd.s32 $0x88, s3;
	s6 =	simm.s32 @!p1 $0x1082;
	[sflag:s4] =	ssyncset.s32 $0xFFFFF086  }
0x25: {  	[simem:s6], [sflag:s4] =	dma.local [hbm:s3], $0xF7A  }
0x26: {  	[smem:$0x3F9B] =	sst s1;
	(tag) =	ssettag s2;
	_ =	strace s9  }
0x27: {  	s1 =	sld [smem:$0x3FAB]  }
0x28: {  	s2 =	sld [smem:$0x3FAC]  }
0x29: {  	s4 =	sld [smem:$0x3FAE]  }
0x2a: {  	p0 =	seq.s32 s5, $0x0;
	s5 =	sld [smem:$0x3FAF]  }
0x2b: {  	s6 =	sld [smem:$0x3FB0]  }
0x2c: {  	s7 =	sld [smem:$0x3FB1]  }
0x2d: {  	s3 =	simm.s32 $0x108;
	s8 =	sld [smem:$0x3FB2]  }
0x2e: {  	s3 =	simm.s32 @!p0 $0x1082;
	s9 =	sld [smem:$0x3FB3]  }
0x2f: {  	lr =	sadd.s32 s0, s3;
	s0 =	sld [smem:$0x3FAA]  }
0x30: {  	s3 =	sld [smem:$0x3FAD]  }
0x31: {  	[smem:$0x3FB6] =	sst s10  }
0x32: {  	s10 =	sld [smem:$0x3FB4];
	_ =	sdelay $0x3  }
0x33: {  	p0 =	seq.s32 s10, $0x1;
	s10 =	sld [smem:$0x3FB6];
	_ =	sdelay $0x3  }
0x34: {  	[smem:$0x3FB6] =	sst s10  }
0x35: {  	s10 =	sld [smem:$0x3FB5];
	_ =	sdelay $0x3  }
0x36: {  	p1 =	seq.s32 s10, $0x1;
	s10 =	sld [smem:$0x3FB6];
	_ =	sdelay $0x3  }
0x37: {  	[smem:$0x3FB6] =	sst s10  }
0x38: {  	s10 =	sld [smem:$0x3FB7]  }
0x39: {  	_ = 	snop;
	(pc) =	sbr.ind lr, $3  }
0x3a: {  	_ = 	snop  }
0x3b: {  	_ = 	snop  }
0x3c: {  	p2 =	seq.s32 s10, $0x1;
	s10 =	sld [smem:$0x3FB6]  }
0x3d: {  	_ =	shalt  }
0x3e: {  	_ =	shalt  }
0x3f: {  	_ =	shalt  }
0x40: {  	_ =	shalt  }
0x41: {  	_ =	shalt  }
0x42: {  	_ =	shalt  }
0x43: {  	_ =	shalt  }
0x44: {  	_ =	shalt  }
0x45: {  	_ =	shalt  }
0x46: {  	_ =	shalt  }
0x47: {  	_ =	shalt  }
0x48: {  	_ =	shalt  }
0x49: {  	_ =	shalt  }
0x4a: {  	_ =	shalt  }
0x4b: {  	_ =	shalt  }
0x4c: {  	_ =	shalt  }
0x4d: {  	_ =	shalt  }
0x4e: {  	_ =	shalt  }
0x4f: {  	_ =	shalt  }
0x50: {  	_ =	shalt  }
0x51: {  	_ =	shalt  }
0x52: {  	_ =	shalt  }
0x53: {  	_ =	shalt  }
0x54: {  	_ =	shalt  }
0x55: {  	_ =	shalt  }
0x56: {  	_ =	shalt  }
0x57: {  	_ =	shalt  }
0x58: {  	_ =	shalt  }
0x59: {  	_ =	shalt  }
0x5a: {  	_ =	shalt  }
0x5b: {  	_ =	shalt  }
0x5c: {  	_ =	shalt  }
0x5d: {  	_ =	shalt  }
0x5e: {  	_ =	shalt  }
0x5f: {  	_ =	shalt  }
0x60: {  	_ =	shalt  }
0x61: {  	_ =	shalt  }
0x62: {  	_ =	shalt  }
0x63: {  	_ =	shalt  }
0x64: {  	_ =	shalt  }
0x65: {  	_ =	shalt  }
0x66: {  	_ =	shalt  }
0x67: {  	_ =	shalt  }
0x68: {  	_ =	shalt  }
0x69: {  	_ =	shalt  }
0x6a: {  	_ =	shalt  }
0x6b: {  	_ =	shalt  }
0x6c: {  	_ =	shalt  }
0x6d: {  	_ =	shalt  }
0x6e: {  	_ =	shalt  }
0x6f: {  	_ =	shalt  }
0x70: {  	_ =	shalt  }
0x71: {  	_ =	shalt  }
0x72: {  	_ =	shalt  }
0x73: {  	_ =	shalt  }
0x74: {  	_ =	shalt  }
0x75: {  	_ =	shalt  }
0x76: {  	_ =	shalt  }
0x77: {  	_ =	shalt  }
0x78: {  	_ =	shalt  }
0x79: {  	_ =	shalt  }
0x7a: {  	_ =	shalt  }
0x7b: {  	_ =	shalt  }
0x7c: {  	_ =	shalt  }
0x7d: {  	_ =	shalt  }
0x7e: {  	_ =	shalt  }
0x7f: {  	_ =	shalt  }
0x80: {  	_ =	shalt  }
0x81: {  	_ =	shalt  }
0x82: {  	_ =	shalt  }
0x83: {  	_ =	shalt  }
0x84: {  	_ =	shalt  }
0x85: {  	_ =	shalt  }
0x86: {  	_ =	shalt  }
0x87: {  	_ =	shalt  }
.Lfunc_end0:
.L_simem_size_0:
called_computation.1_lowered:
.L_overlay_start_0:
0x88: {  	s2 =	sld [smem:$0x3FD9]  }
0x89: {  	s3 =	sld [smem:$0x3FFE];
	_ =	sdelay $0x1  }
0x8a: {  	s1 =	srdreg.scid  }
0x8b: {  	s0 =	sand.u32 $0x1, s1  }
0x8c: {  	s16 =	sshll.u32 s0, $0xA;
	s2 =	sadd.s32 s3, s2  }
0x8d: {  	s2 =	sadd.s32 s2, s16  }
0x8e: {  	[smem:$0x3FC2] =	sst s2  }
0x8f: {  	_ = 	snop  }
0x90: {  	(tm) =	ssettm $0x1  }
0x91: {  	s17 =	sld [smem:$0x3FFB];
	_ =	sdelay $0x3  }
0x92: {  	_ =	strace s17  }
0x93: {  	s2 =	sld [smem:$0x3FFC];
	_ =	sdelay $0x3  }
0x94: {  	_ =	strace s2  }
0x95: {  	s2 =	sld [smem:$0x3FFD];
	_ =	sdelay $0x3  }
0x96: {  	_ =	strace s2  }
0x97: {  	_ =	strace $0x8FFFFFFF  }
0x98: {  	s18 =	sld [smem:$0x3FDB];
	_ =	sdelay $0x1  }
0x99: {  	s19 =	simm.s32 $_scs_section_size  }
0x9a: {  	s4 =	simm.s32 $_size__tile_overlayer_lowered;
	s5 =	simm.s32 $_tile_overlayer_lowered  }
0x9b: {  	s22 =	simm.s32 $0x1BFF;
	s21 =	sshll.u32 s5, $0x1;
	s2 =	sadd.s32 s19, s18  }
0x9c: {  	s6 =	simm.s32 $0x0;
	s20 =	sshll.u32 s4, $0x1;
	s4 =	sadd.s32 s21, s2  }
0x9d: {  	[timem:s6], [sflag:s22] =	dma.local [hbm:s4], s20  }
0x9e: {  	_ =	swait.ge [sflag:s22], s20  }
0x9f: {  	s3 =	ssub.s32 $0x0, s20;
	[sflag:s22] =	ssyncset.done $0x0  }
0xa0: {  	[sflag:s22] =	ssyncadd.s32 s3;
	_ =	sdelay $0x1  }
0xa1: {  	s23 =	simm.s32 $0x1B8B  }
0xa2: {  	_ =	swait.ge [sflag:s23], $0x1  }
0xa3: {  	[sflag:s23] =	ssyncset.done $0x0  }
0xa4: {  	s25 =	simm.s32 $0x1B8E;
	s24 =	sld [smem:$0x3FFE];
	[sflag:s23] =	ssyncadd.s32 $0xFFFFFFFF  }
0xa5: {  	s26 =	simm.s32 $execute0_lowered;
	[smem:$0x3FD2] =	sst s25  }
0xa6: {  	s4 =	sshll.u32 s26, $0x1;
	_ =	strace $0x80000049;
	[dreg:$0x1] =	wrdreg $0xFFFFFFFF  }
0xa7: {  	s28 =	simm.s32 $_size_execute0_lowered;
	s2 =	sadd.s32 s2, s4;
	[dreg:$0x0] =	wrdreg $0x0  }
0xa8: {  	s4 =	sshll.u32 s28, $0x1;
	[dreg:$0x2] =	wrdreg s2  }
0xa9: {  	[dreg:$0x3] =	wrdreg s4  }
0xaa: {  	[dreg:$0x4] =	wrdreg $0xC0  }
0xab: {  	_ =	task [dreg:s6], $0x5FFFF  }
0xac: {  	[dreg:$0x1] =	wrdreg $0xFFFFFFFF  }
0xad: {  	[dreg:$0x0] =	wrdreg $0x60  }
0xae: {  	[dreg:$0x2] =	wrdreg s24  }
0xaf: {  	[dreg:$0x3] =	wrdreg $0xA8000  }
0xb0: {  	[dreg:$0x4] =	wrdreg $0x9  }
0xb1: {  	_ =	task.clear_ibuf [dreg:s6], $0x5FFFF;
	_ =	strace $0x90000049  }
0xb2: {  	s29 =	simm.s32 $0x9;
	_ =	strace $0x8000004B  }
0xb3: {  	_ =	swait.ge [sflag:s29], $0x1  }
0xb4: {  	[sflag:s29] =	ssyncadd.s32 $0xFFFFFFFF  }
0xb5: {  	_ =	strace $0x9000004B  }
0xb6: {  	_ =	sfence  }
0xb7: {  	s30 =	sld [smem:$0x0];
	_ =	sdelay $0x2  }
0xb8: {  	s31 =	sshll.u32 s1, $0xD;
	s1 =	sshrl.u32 s1, $0x2  }
0xb9: {  	s3 =	sand.u32 $0x4000, s31;
	s1 =	sadd.s32 s1, s30  }
0xba: {  	s0 =	sor.u32 s3, s0;
	s1 =	sshll.u32 s1, $0x11  }
0xbb: {  	s0 =	sor.u32 s1, s0  }
0xbc: {  	s0 =	sadd.s32 $0x8F2B, s0  }
0xbd: {  	[sflag:s0] =	ssyncadd.remote.s32 $0x1  }
0xbe: {  	_ =	sfence.sel $0xFFFF  }
0xbf: {  	[dreg:$0x0] =	wrdreg $0xFFFFFFFF;
	(pc) =	sbr.abs _section_cstart, $3  }
0xc0: {  	[dreg:$0x1] =	wrdreg $0xFFFFFFFF  }
0xc1: {  	_ =	task.clear_ibuf [dreg:s6], $0x2FFFF;
	_ =	strace $0x9FFFFFFF  }
0xc2: {  	(tm) =	ssettm $0x7FFFFFFF  }
0xc3: {  	_ =	shalt  }
tec
execute0_lowered:
.L_overlay_start_1:
0x0: {  	(tag) =	ssettag $0x1  }
0x1: {  	s0 =	rddreg [dreg:$0x0]  }
0x2: {  	s2 =	rddreg [dreg:$0x1];
	s3 =	simm.s32 $0x0  }
0x3: {  	s12 =	stileid.u32;
	s4 =	srdreg.scid;
	s28 =	simm.s32 $0x100  }
0x4: {  	s29 =	simm.s32 $0x6800;
	s30 =	simm.s32 $0x180;
	s31 =	simm.s32 $0x8800  }
0x5: {  	[smem:$0x7FF] =	sst s3;
	s1 =	smul.u32 $0x13C00, s12;
	s5 =	sadd.s32 $0x12A00, s0  }
0x6: {  	s4 =	sand.u32 $0x1, s4;
	s6 =	sadd.s32 $0x2600, s0;
	s13 =	sadd.s32 $0x2E00, s0  }
0x7: {  	s15 =	sshll.u32 s12, $0x1;
	s9 =	smul.u32 $0x4F000, s12;
	s12 =	sshll.u32 s12, $0x6  }
0x8: {  	s23 =	sadd.s32 $0x26280, s0;
	_ =	strace $0x8000004A;
	[dreg:$0x3] =	wrdreg s6  }
0x9: {  	s8 =	smul.u32 $0x13C000, s4;
	s6 =	sadd.s32 $0x88C00, s0;
	s10 =	ssub.s32 $0x2, s4  }
0xa: {  	s4 =	sor.u32 s4, s15;
	[dreg:$0x6] =	wrdreg s12;
	s19 =	sor.u32 $0x1C01, s12  }
0xb: {  	s12 =	sadd.s32 $0x3080, s0;
	s7 =	sshrl.u32 s1, $0x3;
	s11 =	smul.u32 $0x5000, s4  }
0xc: {  	s16 =	sshrl.u32 s10, $0x1;
	s9 =	sshrl.u32 s9, $0x2;
	s17 =	smul.u32 $0xA00, s4  }
0xd: {  	[dreg:$0x8] =	wrdreg s19;
	p0 =	seq.s32 s4, $0x1F;
	s19 =	simm.s32 $0x0  }
0xe: {  	s7 =	sadd.s32 s7, s0;
	s1 =	sadd.s32 s1, s8;
	s8 =	ssub.s32 s10, s16  }
0xf: {  	s9 =	sadd.s32 s9, s2;
	s10 =	simm.s32 $0x7;
	s1 =	sshrl.u32 s1, $0x3  }
0x10: {  	[dreg:$0x5] =	wrdreg s9;
	s18 =	sshrl.u32 s11, $0x3;
	s7 =	sadd.s32 $0xAFE00, s7  }
0x11: {  	s21 =	sadd.s32 s5, s17;
	s22 =	sadd.s32 $0x280, s17;
	s24 =	sadd.s32 $0x500, s17  }
0x12: {  	s11 =	sadd.s32 $0x2880, s0;
	s9 =	sadd.s32 $0x780, s17;
	s26 =	smax.u32 s8, $0x1  }
0x13: {  	s8 =	simm.s32 $0x2700;
	s1 =	sadd.s32 s1, s0;
	[dreg:$0x7] =	wrdreg s7  }
0x14: {  	s20 =	sadd.s32 s5, s18;
	[dreg:$0x9] =	wrdreg s21;
	s25 =	sadd.s32 s5, s22  }
0x15: {  	s14 =	sadd.s32 s5, s24;
	s15 =	sadd.s32 s24, s23;
	s16 =	sadd.s32 s5, s9  }
0x16: {  	s17 =	sadd.s32 s9, s23;
	s5 =	sadd.s32 $0x2B00, s0;
	s0 =	sadd.s32 $0x3300, s0  }
0x17: {  	[dreg:$0x10] =	wrdreg s26;
	s21 =	simm.s32 $0x1400;
	s24 =	simm.s32 $0x2800  }
0x18: {  	s26 =	simm.s32 $0x4800;
	s9 =	simm.s32 $0x6;
	s18 =	simm.s32 $0x2780  }
0x19: {  	s7 =	sadd.s32 $0x13880, s20;
	[dreg:$0xb] =	wrdreg s25;
	s1 =	sadd.s32 $0xD7600, s1  }
0x1a: {  	s14 =	smov.u32 @p0 s11;
	s15 =	smov.u32 @p0 s12;
	s16 =	smov.u32 @p0 s5  }
0x1b: {  	s17 =	smov.u32 @p0 s0;
	s20 =	simm.s32 $0x9;
	[dreg:$0xa] =	wrdreg s7  }
0x1c: {  	p0 =	sne.s32 s4, $0x1F;
	s25 =	simm.s32 $0x80;
	[dreg:$0xf] =	wrdreg s1  }
0x1d: {  	s0 =	simm.s32 $0x2;
	s4 =	simm.s32 $0x4;
	[dreg:$0xc] =	wrdreg s14  }
0x1e: {  	s11 =	simm.s32 $0x8;
	s12 =	simm.s32 $0x2600;
	[dreg:$0xd] =	wrdreg s15  }
0x1f: {  	s7 =	sadd.s32 s22, s23;
	[dreg:$0xe] =	wrdreg s16;
	s22 =	simm.s32 $0x1  }
0x20: {  	s23 =	simm.s32 $0x40;
	s1 =	simm.s32 $0x3;
	s13 =	smov.u32 @p0 s7  }
0x21: {  	s7 =	simm.s32 $0x5;
	[dreg:$0x4] =	wrdreg s13;
	s13 =	simm.s32 $0x2680  }
.LBB2_1:
0x22: {  	s5 =	rddreg [dreg:$0x5]  }
0x23: {  	s14 =	rddreg [dreg:$0x7]  }
0x24: {  	s15 =	rddreg [dreg:$0x8];
	s5 =	sshrl.u32 s5, $0x3  }
0x25: {  	[spmem:s5], [sflag:s15] =	dma.local [hbm:s14], $0x2780  }
0x26: {  	s14 =	rddreg [dreg:$0x9]  }
0x27: {  	[tilespmem:s3], [sflag:$0x9] =	stream.linear.gather [hbm4b:s14+s3], $0x1400, $0x38;
	[tilespmem:$0x1E400] =	vst v63  }
0x28: {  	_ =	swait.ge [sflag:s20], $0x1400  }
0x29: {  	[sflag:s20] =	ssyncset.done $0x0  }
0x2a: {  	s15 =	rddreg [dreg:$0xa];
	[sflag:s20] =	ssyncadd.s32 $0xFFFFEC00  }
0x2b: {  	[tilespmem:s21], [sflag:$0x9] =	stream.linear.gather [hbm4b:s15+s3], $0x1400, $0x38;
	[tilespmem:$0x1E400] =	vst v63  }
0x2c: {  	_ =	swait.ge [sflag:s20], $0x1400  }
0x2d: {  	[sflag:s20] =	ssyncset.done $0x0  }
0x2e: {  	[sflag:s20] =	ssyncadd.s32 $0xFFFFEC00  }
0x2f: {  	_ =	swait.ge [sflag:s22], $0x2780  }
0x30: {  	[sflag:s22] =	ssyncset.done $0x0  }
0x31: {  	[sflag:s22] =	ssyncadd.s32 $0xFFFFD880  }
0x32: {  	[tilespmem:s24], [sflag:$0x1] =	stream.indirect.gather [hbm4b:s6+s23], $0x80, s3, s23, $0xb8;
	[tilespmem:$0x1E400] =	vst v63  }
0x33: {  	_ = 	snop  }
0x34: {  	[tilespmem:s26], [sflag:$0x2] =	stream.indirect.gather [hbm4b:s6+s23], $0x80, s25, s23, $0xb8;
	[tilespmem:$0x1E400] =	vst v63  }
0x35: {  	_ = 	snop  }
0x36: {  	[tilespmem:s29], [sflag:$0x3] =	stream.indirect.gather [hbm4b:s6+s23], $0x80, s28, s23, $0xb8;
	[tilespmem:$0x1E400] =	vst v63  }
0x37: {  	_ = 	snop  }
0x38: {  	[tilespmem:s31], [sflag:$0x4] =	stream.indirect.gather [hbm4b:s6+s23], $0x80, s30, s23, $0xb8;
	[tilespmem:$0x1E400] =	vst v63  }
0x39: {  	[bflag:$0x0] =	sbarrier.arrive $0xFFFF  }
0x3a: {  	_ =	swait.ge [sflag:s22], $0x2000  }
0x3b: {  	[sflag:s22] =	ssyncset.done $0x0  }
0x3c: {  	s16 =	simm.s32 $0x1400;
	[sflag:s22] =	ssyncadd.s32 $0xFFFFE000  }
0x3d: {  	[spmem:s2] =	stream.indirect.scatter.add.f32 [tilespmem:s24], [sflag:$0x5], $0x80, s16, s23, $0xb8;
	[tilespmem:$0x1E400] =	vst v63  }
0x3e: {  	_ =	swait.ge [sflag:s0], $0x2000  }
0x3f: {  	[sflag:s0] =	ssyncset.done $0x0  }
0x40: {  	s15 =	simm.s32 $0x1480;
	[sflag:s0] =	ssyncadd.s32 $0xFFFFE000  }
0x41: {  	[spmem:s2] =	stream.indirect.scatter.add.f32 [tilespmem:s26], [sflag:$0x6], $0x80, s15, s23, $0xb8;
	[tilespmem:$0x1E400] =	vst v63  }
0x42: {  	_ =	swait.ge [sflag:s1], $0x2000  }
0x43: {  	[sflag:s1] =	ssyncset.done $0x0  }
0x44: {  	s16 =	simm.s32 $0x1500;
	[sflag:s1] =	ssyncadd.s32 $0xFFFFE000  }
0x45: {  	[spmem:s2] =	stream.indirect.scatter.add.f32 [tilespmem:s29], [sflag:$0x7], $0x80, s16, s23, $0xb8;
	[tilespmem:$0x1E400] =	vst v63  }
0x46: {  	_ =	swait.ge [sflag:s4], $0x2000  }
0x47: {  	[sflag:s4] =	ssyncset.done $0x0  }
0x48: {  	s15 =	simm.s32 $0x1580;
	[sflag:s4] =	ssyncadd.s32 $0xFFFFE000  }
0x49: {  	[spmem:s2] =	stream.indirect.scatter.add.f32 [tilespmem:s31], [sflag:$0x8], $0x80, s15, s23, $0xb8;
	[tilespmem:$0x1E400] =	vst v63  }
0x4a: {  	_ =	swait.ge [sflag:s7], $0x2000  }
0x4b: {  	[sflag:s7] =	ssyncset.done $0x0  }
0x4c: {  	s16 =	simm.s32 $0x200;
	[sflag:s7] =	ssyncadd.s32 $0xFFFFE000  }
0x4d: {  	[tilespmem:s24], [sflag:$0x1] =	stream.indirect.gather [hbm4b:s6+s23], $0x80, s16, s23, $0xb8;
	[tilespmem:$0x1E400] =	vst v63  }
0x4e: {  	_ =	swait.ge [sflag:s9], $0x2000  }
0x4f: {  	[sflag:s9] =	ssyncset.done $0x0  }
0x50: {  	s15 =	simm.s32 $0x280;
	[sflag:s9] =	ssyncadd.s32 $0xFFFFE000  }
0x51: {  	[tilespmem:s26], [sflag:$0x2] =	stream.indirect.gather [hbm4b:s6+s23], $0x80, s15, s23, $0xb8;
	[tilespmem:$0x1E400] =	vst v63  }
0x52: {  	_ =	swait.ge [sflag:s10], $0x2000  }
0x53: {  	[sflag:s10] =	ssyncset.done $0x0  }
0x54: {  	s16 =	simm.s32 $0x300;
	[sflag:s10] =	ssyncadd.s32 $0xFFFFE000  }
0x55: {  	[tilespmem:s29], [sflag:$0x3] =	stream.indirect.gather [hbm4b:s6+s23], $0x80, s16, s23, $0xb8;
	[tilespmem:$0x1E400] =	vst v63  }
0x56: {  	_ =	swait.ge [sflag:s11], $0x2000  }
0x57: {  	[sflag:s11] =	ssyncset.done $0x0  }
0x58: {  	s14 =	simm.s32 $0x800;
	s15 =	simm.s32 $0x380;
	[sflag:s11] =	ssyncadd.s32 $0xFFFFE000  }
.LBB2_2:
0x59: {  	[tilespmem:s31], [sflag:$0x4] =	stream.indirect.gather [hbm4b:s6+s23], $0x80, s15, s23, $0xb8;
	[tilespmem:$0x1E400] =	vst v63  }
0x5a: {  	s15 =	smov.u32 s14  }
0x5b: {  	p1 =	sne.s32 s14, $0x4000;
	s14 =	sadd.s32 $0x800, s14;
	_ =	swait.ge [sflag:s22], $0x2000  }
0x5c: {  	s15 =	sshra.s32 s15, $0x2;
	[sflag:s22] =	ssyncset.done $0x0  }
0x5d: {  	s16 =	sadd.s32 $0x1400, s15;
	[sflag:s22] =	ssyncadd.s32 $0xFFFFE000  }
0x5e: {  	[spmem:s2] =	stream.indirect.scatter.add.f32 [tilespmem:s24], [sflag:$0x5], $0x80, s16, s23, $0xb8;
	[tilespmem:$0x1E400] =	vst v63  }
0x5f: {  	_ =	swait.ge [sflag:s0], $0x2000  }
0x60: {  	[sflag:s0] =	ssyncset.done $0x0  }
0x61: {  	s16 =	sadd.s32 $0x1480, s15;
	[sflag:s0] =	ssyncadd.s32 $0xFFFFE000  }
0x62: {  	[spmem:s2] =	stream.indirect.scatter.add.f32 [tilespmem:s26], [sflag:$0x6], $0x80, s16, s23, $0xb8;
	[tilespmem:$0x1E400] =	vst v63  }
0x63: {  	_ =	swait.ge [sflag:s1], $0x2000  }
0x64: {  	[sflag:s1] =	ssyncset.done $0x0  }
0x65: {  	s16 =	sadd.s32 $0x1500, s15;
	[sflag:s1] =	ssyncadd.s32 $0xFFFFE000  }
0x66: {  	[spmem:s2] =	stream.indirect.scatter.add.f32 [tilespmem:s29], [sflag:$0x7], $0x80, s16, s23, $0xb8;
	[tilespmem:$0x1E400] =	vst v63  }
0x67: {  	_ =	swait.ge [sflag:s4], $0x2000  }
0x68: {  	[sflag:s4] =	ssyncset.done $0x0  }
0x69: {  	s16 =	sadd.s32 $0x1580, s15;
	[sflag:s4] =	ssyncadd.s32 $0xFFFFE000  }
0x6a: {  	[spmem:s2] =	stream.indirect.scatter.add.f32 [tilespmem:s31], [sflag:$0x8], $0x80, s16, s23, $0xb8;
	[tilespmem:$0x1E400] =	vst v63  }
0x6b: {  	_ =	swait.ge [sflag:s7], $0x2000  }
0x6c: {  	[sflag:s7] =	ssyncset.done $0x0  }
0x6d: {  	s16 =	sadd.s32 $0x200, s15;
	[sflag:s7] =	ssyncadd.s32 $0xFFFFE000  }
0x6e: {  	[tilespmem:s24], [sflag:$0x1] =	stream.indirect.gather [hbm4b:s6+s23], $0x80, s16, s23, $0xb8;
	[tilespmem:$0x1E400] =	vst v63  }
0x6f: {  	_ =	swait.ge [sflag:s9], $0x2000  }
0x70: {  	[sflag:s9] =	ssyncset.done $0x0  }
0x71: {  	s16 =	sadd.s32 $0x280, s15;
	[sflag:s9] =	ssyncadd.s32 $0xFFFFE000  }
0x72: {  	[tilespmem:s26], [sflag:$0x2] =	stream.indirect.gather [hbm4b:s6+s23], $0x80, s16, s23, $0xb8;
	[tilespmem:$0x1E400] =	vst v63  }
0x73: {  	_ =	swait.ge [sflag:s10], $0x2000  }
0x74: {  	[sflag:s10] =	ssyncset.done $0x0  }
.Ltmp0:
0x75: {  	s16 =	sadd.s32 $0x300, s15;
	[sflag:s10] =	ssyncadd.s32 $0xFFFFE000;
	(pc) =	sbr.rel @p1 .LBB2_2-.Ltmp0, $4  }
0x76: {  	[tilespmem:s29], [sflag:$0x3] =	stream.indirect.gather [hbm4b:s6+s23], $0x80, s16, s23, $0xb8;
	[tilespmem:$0x1E400] =	vst v63  }
0x77: {  	_ =	swait.ge [sflag:s11], $0x2000  }
0x78: {  	[sflag:s11] =	ssyncset.done $0x0  }
0x79: {  	s15 =	sadd.s32 $0x380, s15;
	[sflag:s11] =	ssyncadd.s32 $0xFFFFE000  }
0x7a: {  	[tilespmem:s31], [sflag:$0x4] =	stream.indirect.gather [hbm4b:s6+s23], $0x80, s15, s23, $0xb8;
	[tilespmem:$0x1E400] =	vst v63  }
0x7b: {  	_ =	swait.ge [sflag:s22], $0x2000  }
0x7c: {  	[sflag:s22] =	ssyncset.done $0x0  }
0x7d: {  	[sflag:s22] =	ssyncadd.s32 $0xFFFFE000  }
0x7e: {  	[spmem:s2] =	stream.indirect.scatter.add.f32 [tilespmem:s24], [sflag:$0x5], $0x80, s12, s23, $0xb8;
	[tilespmem:$0x1E400] =	vst v63  }
0x7f: {  	_ =	swait.ge [sflag:s0], $0x2000  }
0x80: {  	[sflag:s0] =	ssyncset.done $0x0  }
0x81: {  	[sflag:s0] =	ssyncadd.s32 $0xFFFFE000  }
0x82: {  	[spmem:s2] =	stream.indirect.scatter.add.f32 [tilespmem:s26], [sflag:$0x6], $0x80, s13, s23, $0xb8;
	[tilespmem:$0x1E400] =	vst v63  }
0x83: {  	_ =	swait.ge [sflag:s1], $0x2000  }
0x84: {  	[sflag:s1] =	ssyncset.done $0x0  }
0x85: {  	[sflag:s1] =	ssyncadd.s32 $0xFFFFE000  }
0x86: {  	[spmem:s2] =	stream.indirect.scatter.add.f32 [tilespmem:s29], [sflag:$0x7], $0x80, s8, s23, $0xb8;
	[tilespmem:$0x1E400] =	vst v63  }
0x87: {  	_ =	swait.ge [sflag:s4], $0x2000  }
0x88: {  	[sflag:s4] =	ssyncset.done $0x0  }
0x89: {  	[sflag:s4] =	ssyncadd.s32 $0xFFFFE000  }
0x8a: {  	[spmem:s2] =	stream.indirect.scatter.add.f32 [tilespmem:s31], [sflag:$0x8], $0x80, s18, s23, $0xb8;
	[tilespmem:$0x1E400] =	vst v63  }
0x8b: {  	_ =	swait.ge [sflag:s7], $0x2000  }
0x8c: {  	[sflag:s7] =	ssyncset.done $0x0  }
0x8d: {  	[sflag:s7] =	ssyncadd.s32 $0xFFFFE000  }
0x8e: {  	_ =	swait.ge [sflag:s9], $0x2000  }
0x8f: {  	[sflag:s9] =	ssyncset.done $0x0  }
0x90: {  	[sflag:s9] =	ssyncadd.s32 $0xFFFFE000  }
0x91: {  	_ =	swait.ge [sflag:s10], $0x2000  }
0x92: {  	[sflag:s10] =	ssyncset.done $0x0  }
0x93: {  	[sflag:s10] =	ssyncadd.s32 $0xFFFFE000  }
0x94: {  	_ =	swait.ge [sflag:s11], $0x2000  }
0x95: {  	[sflag:s11] =	ssyncset.done $0x0  }
0x96: {  	s14 =	simm.s32 @p0 $0x0;
	s15 =	rddreg [dreg:$0xb];
	[sflag:s11] =	ssyncadd.s32 $0xFFFFE000  }
0x97: {  	[tilespmem:s14], [sflag:$0x9] =	stream.linear.gather @p0 [hbm4b:s15+s14], $0x1400, $0x38;
	[tilespmem:$0x1E400] =	vst v63  }
0x98: {  	s14 =	simm.s32 @p0 $0x9  }
0x99: {  	_ =	swait.ge @p0 [sflag:s14], $0x1400  }
0x9a: {  	[sflag:s14] =	ssyncset.done @p0 $0x0  }
0x9b: {  	s15 =	rddreg [dreg:$0x3];
	[sflag:s14] =	ssyncadd.s32 @p0 $0xFFFFEC00;
	s14 =	simm.s32 @!p0 $0x0  }
0x9c: {  	[tilespmem:s14], [sflag:$0x9] =	stream.linear.gather @!p0 [hbm4b:s15+s14], $0x1400, $0x38;
	[tilespmem:$0x1E400] =	vst v63  }
0x9d: {  	s14 =	simm.s32 @!p0 $0x9  }
0x9e: {  	_ =	swait.ge @!p0 [sflag:s14], $0x1400  }
0x9f: {  	[sflag:s14] =	ssyncset.done @!p0 $0x0  }
0xa0: {  	s16 =	rddreg [dreg:$0x4];
	[sflag:s14] =	ssyncadd.s32 @!p0 $0xFFFFEC00;
	s14 =	simm.s32 $0x0  }
0xa1: {  	[tilespmem:s21], [sflag:$0x9] =	stream.linear.gather [hbm4b:s16+s14], $0x1400, $0x38;
	[tilespmem:$0x1E400] =	vst v63  }
0xa2: {  	_ =	swait.ge [sflag:s20], $0x1400  }
0xa3: {  	[sflag:s20] =	ssyncset.done $0x0  }
0xa4: {  	[sflag:s20] =	ssyncadd.s32 $0xFFFFEC00  }
0xa5: {  	[tilespmem:s24], [sflag:$0x1] =	stream.indirect.gather [hbm4b:s6+s23], $0x80, s14, s23, $0xb8;
	[tilespmem:$0x1E400] =	vst v63  }
0xa6: {  	_ = 	snop  }
0xa7: {  	[tilespmem:s26], [sflag:$0x2] =	stream.indirect.gather [hbm4b:s6+s23], $0x80, s25, s23, $0xb8;
	[tilespmem:$0x1E400] =	vst v63  }
0xa8: {  	_ = 	snop  }
0xa9: {  	[tilespmem:s29], [sflag:$0x3] =	stream.indirect.gather [hbm4b:s6+s23], $0x80, s28, s23, $0xb8;
	[tilespmem:$0x1E400] =	vst v63  }
0xaa: {  	_ = 	snop  }
0xab: {  	[tilespmem:s31], [sflag:$0x4] =	stream.indirect.gather [hbm4b:s6+s23], $0x80, s30, s23, $0xb8;
	[tilespmem:$0x1E400] =	vst v63  }
0xac: {  	_ =	swait.ge [sflag:s22], $0x2000  }
0xad: {  	[sflag:s22] =	ssyncset.done $0x0  }
0xae: {  	s16 =	simm.s32 $0x1400;
	[sflag:s22] =	ssyncadd.s32 $0xFFFFE000  }
0xaf: {  	[spmem:s2] =	stream.indirect.scatter.add.f32 [tilespmem:s24], [sflag:$0x5], $0x80, s16, s23, $0xb8;
	[tilespmem:$0x1E400] =	vst v63  }
0xb0: {  	_ =	swait.ge [sflag:s0], $0x2000  }
0xb1: {  	[sflag:s0] =	ssyncset.done $0x0  }
0xb2: {  	s15 =	simm.s32 $0x1480;
	[sflag:s0] =	ssyncadd.s32 $0xFFFFE000  }
0xb3: {  	[spmem:s2] =	stream.indirect.scatter.add.f32 [tilespmem:s26], [sflag:$0x6], $0x80, s15, s23, $0xb8;
	[tilespmem:$0x1E400] =	vst v63  }
0xb4: {  	_ =	swait.ge [sflag:s1], $0x2000  }
0xb5: {  	[sflag:s1] =	ssyncset.done $0x0  }
0xb6: {  	s16 =	simm.s32 $0x1500;
	[sflag:s1] =	ssyncadd.s32 $0xFFFFE000  }
0xb7: {  	[spmem:s2] =	stream.indirect.scatter.add.f32 [tilespmem:s29], [sflag:$0x7], $0x80, s16, s23, $0xb8;
	[tilespmem:$0x1E400] =	vst v63  }
0xb8: {  	_ =	swait.ge [sflag:s4], $0x2000  }
0xb9: {  	[sflag:s4] =	ssyncset.done $0x0  }
0xba: {  	s15 =	simm.s32 $0x1580;
	[sflag:s4] =	ssyncadd.s32 $0xFFFFE000  }
0xbb: {  	[spmem:s2] =	stream.indirect.scatter.add.f32 [tilespmem:s31], [sflag:$0x8], $0x80, s15, s23, $0xb8;
	[tilespmem:$0x1E400] =	vst v63  }
0xbc: {  	_ =	swait.ge [sflag:s7], $0x2000  }
0xbd: {  	[sflag:s7] =	ssyncset.done $0x0  }
0xbe: {  	s16 =	simm.s32 $0x200;
	[sflag:s7] =	ssyncadd.s32 $0xFFFFE000  }
0xbf: {  	[tilespmem:s24], [sflag:$0x1] =	stream.indirect.gather [hbm4b:s6+s23], $0x80, s16, s23, $0xb8;
	[tilespmem:$0x1E400] =	vst v63  }
0xc0: {  	_ =	swait.ge [sflag:s9], $0x2000  }
0xc1: {  	[sflag:s9] =	ssyncset.done $0x0  }
0xc2: {  	s15 =	simm.s32 $0x280;
	[sflag:s9] =	ssyncadd.s32 $0xFFFFE000  }
0xc3: {  	[tilespmem:s26], [sflag:$0x2] =	stream.indirect.gather [hbm4b:s6+s23], $0x80, s15, s23, $0xb8;
	[tilespmem:$0x1E400] =	vst v63  }
0xc4: {  	_ =	swait.ge [sflag:s10], $0x2000  }
0xc5: {  	[sflag:s10] =	ssyncset.done $0x0  }
0xc6: {  	s16 =	simm.s32 $0x300;
	[sflag:s10] =	ssyncadd.s32 $0xFFFFE000  }
0xc7: {  	[tilespmem:s29], [sflag:$0x3] =	stream.indirect.gather [hbm4b:s6+s23], $0x80, s16, s23, $0xb8;
	[tilespmem:$0x1E400] =	vst v63  }
0xc8: {  	_ =	swait.ge [sflag:s11], $0x2000  }
0xc9: {  	[sflag:s11] =	ssyncset.done $0x0  }
0xca: {  	s14 =	simm.s32 $0x800;
	s15 =	simm.s32 $0x380;
	[sflag:s11] =	ssyncadd.s32 $0xFFFFE000  }
.LBB2_4:
0xcb: {  	[tilespmem:s31], [sflag:$0x4] =	stream.indirect.gather [hbm4b:s6+s23], $0x80, s15, s23, $0xb8;
	[tilespmem:$0x1E400] =	vst v63  }
0xcc: {  	s15 =	smov.u32 s14  }
0xcd: {  	p1 =	sne.s32 s14, $0x4000;
	s14 =	sadd.s32 $0x800, s14;
	_ =	swait.ge [sflag:s22], $0x2000  }
0xce: {  	s15 =	sshra.s32 s15, $0x2;
	[sflag:s22] =	ssyncset.done $0x0  }
0xcf: {  	s16 =	sadd.s32 $0x1400, s15;
	[sflag:s22] =	ssyncadd.s32 $0xFFFFE000  }
0xd0: {  	[spmem:s2] =	stream.indirect.scatter.add.f32 [tilespmem:s24], [sflag:$0x5], $0x80, s16, s23, $0xb8;
	[tilespmem:$0x1E400] =	vst v63  }
0xd1: {  	_ =	swait.ge [sflag:s0], $0x2000  }
0xd2: {  	[sflag:s0] =	ssyncset.done $0x0  }
0xd3: {  	s16 =	sadd.s32 $0x1480, s15;
	[sflag:s0] =	ssyncadd.s32 $0xFFFFE000  }
0xd4: {  	[spmem:s2] =	stream.indirect.scatter.add.f32 [tilespmem:s26], [sflag:$0x6], $0x80, s16, s23, $0xb8;
	[tilespmem:$0x1E400] =	vst v63  }
0xd5: {  	_ =	swait.ge [sflag:s1], $0x2000  }
0xd6: {  	[sflag:s1] =	ssyncset.done $0x0  }
0xd7: {  	s16 =	sadd.s32 $0x1500, s15;
	[sflag:s1] =	ssyncadd.s32 $0xFFFFE000  }
0xd8: {  	[spmem:s2] =	stream.indirect.scatter.add.f32 [tilespmem:s29], [sflag:$0x7], $0x80, s16, s23, $0xb8;
	[tilespmem:$0x1E400] =	vst v63  }
0xd9: {  	_ =	swait.ge [sflag:s4], $0x2000  }
0xda: {  	[sflag:s4] =	ssyncset.done $0x0  }
0xdb: {  	s16 =	sadd.s32 $0x1580, s15;
	[sflag:s4] =	ssyncadd.s32 $0xFFFFE000  }
0xdc: {  	[spmem:s2] =	stream.indirect.scatter.add.f32 [tilespmem:s31], [sflag:$0x8], $0x80, s16, s23, $0xb8;
	[tilespmem:$0x1E400] =	vst v63  }
0xdd: {  	_ =	swait.ge [sflag:s7], $0x2000  }
0xde: {  	[sflag:s7] =	ssyncset.done $0x0  }
0xdf: {  	s16 =	sadd.s32 $0x200, s15;
	[sflag:s7] =	ssyncadd.s32 $0xFFFFE000  }
0xe0: {  	[tilespmem:s24], [sflag:$0x1] =	stream.indirect.gather [hbm4b:s6+s23], $0x80, s16, s23, $0xb8;
	[tilespmem:$0x1E400] =	vst v63  }
0xe1: {  	_ =	swait.ge [sflag:s9], $0x2000  }
0xe2: {  	[sflag:s9] =	ssyncset.done $0x0  }
0xe3: {  	s16 =	sadd.s32 $0x280, s15;
	[sflag:s9] =	ssyncadd.s32 $0xFFFFE000  }
0xe4: {  	[tilespmem:s26], [sflag:$0x2] =	stream.indirect.gather [hbm4b:s6+s23], $0x80, s16, s23, $0xb8;
	[tilespmem:$0x1E400] =	vst v63  }
0xe5: {  	_ =	swait.ge [sflag:s10], $0x2000  }
0xe6: {  	[sflag:s10] =	ssyncset.done $0x0  }
.Ltmp1:
0xe7: {  	s16 =	sadd.s32 $0x300, s15;
	[sflag:s10] =	ssyncadd.s32 $0xFFFFE000;
	(pc) =	sbr.rel @p1 .LBB2_4-.Ltmp1, $4  }
0xe8: {  	[tilespmem:s29], [sflag:$0x3] =	stream.indirect.gather [hbm4b:s6+s23], $0x80, s16, s23, $0xb8;
	[tilespmem:$0x1E400] =	vst v63  }
0xe9: {  	_ =	swait.ge [sflag:s11], $0x2000  }
0xea: {  	[sflag:s11] =	ssyncset.done $0x0  }
0xeb: {  	s15 =	sadd.s32 $0x380, s15;
	[sflag:s11] =	ssyncadd.s32 $0xFFFFE000  }
0xec: {  	[tilespmem:s31], [sflag:$0x4] =	stream.indirect.gather [hbm4b:s6+s23], $0x80, s15, s23, $0xb8;
	[tilespmem:$0x1E400] =	vst v63  }
0xed: {  	_ =	swait.ge [sflag:s22], $0x2000  }
0xee: {  	[sflag:s22] =	ssyncset.done $0x0  }
0xef: {  	[sflag:s22] =	ssyncadd.s32 $0xFFFFE000  }
0xf0: {  	[spmem:s2] =	stream.indirect.scatter.add.f32 [tilespmem:s24], [sflag:$0x5], $0x80, s12, s23, $0xb8;
	[tilespmem:$0x1E400] =	vst v63  }
0xf1: {  	_ =	swait.ge [sflag:s0], $0x2000  }
0xf2: {  	[sflag:s0] =	ssyncset.done $0x0  }
0xf3: {  	[sflag:s0] =	ssyncadd.s32 $0xFFFFE000  }
0xf4: {  	[spmem:s2] =	stream.indirect.scatter.add.f32 [tilespmem:s26], [sflag:$0x6], $0x80, s13, s23, $0xb8;
	[tilespmem:$0x1E400] =	vst v63  }
0xf5: {  	_ =	swait.ge [sflag:s1], $0x2000  }
0xf6: {  	[sflag:s1] =	ssyncset.done $0x0  }
0xf7: {  	[sflag:s1] =	ssyncadd.s32 $0xFFFFE000  }
0xf8: {  	[spmem:s2] =	stream.indirect.scatter.add.f32 [tilespmem:s29], [sflag:$0x7], $0x80, s8, s23, $0xb8;
	[tilespmem:$0x1E400] =	vst v63  }
0xf9: {  	_ =	swait.ge [sflag:s4], $0x2000  }
0xfa: {  	[sflag:s4] =	ssyncset.done $0x0  }
0xfb: {  	[sflag:s4] =	ssyncadd.s32 $0xFFFFE000  }
0xfc: {  	[spmem:s2] =	stream.indirect.scatter.add.f32 [tilespmem:s31], [sflag:$0x8], $0x80, s18, s23, $0xb8;
	[tilespmem:$0x1E400] =	vst v63  }
0xfd: {  	_ =	swait.ge [sflag:s7], $0x2000  }
0xfe: {  	[sflag:s7] =	ssyncset.done $0x0  }
0xff: {  	[sflag:s7] =	ssyncadd.s32 $0xFFFFE000  }
0x100: {  	_ =	swait.ge [sflag:s9], $0x2000  }
0x101: {  	[sflag:s9] =	ssyncset.done $0x0  }
0x102: {  	[sflag:s9] =	ssyncadd.s32 $0xFFFFE000  }
0x103: {  	_ =	swait.ge [sflag:s10], $0x2000  }
0x104: {  	[sflag:s10] =	ssyncset.done $0x0  }
0x105: {  	[sflag:s10] =	ssyncadd.s32 $0xFFFFE000  }
0x106: {  	_ =	swait.ge [sflag:s11], $0x2000  }
0x107: {  	[sflag:s11] =	ssyncset.done $0x0  }
0x108: {  	s14 =	simm.s32 $0x0;
	s16 =	rddreg [dreg:$0xc];
	[sflag:s11] =	ssyncadd.s32 $0xFFFFE000  }
0x109: {  	[tilespmem:s14], [sflag:$0x9] =	stream.linear.gather [hbm4b:s16+s14], $0x1400, $0x38;
	[tilespmem:$0x1E400] =	vst v63  }
0x10a: {  	_ =	swait.ge [sflag:s20], $0x1400  }
0x10b: {  	[sflag:s20] =	ssyncset.done $0x0  }
0x10c: {  	s16 =	rddreg [dreg:$0xd];
	[sflag:s20] =	ssyncadd.s32 $0xFFFFEC00  }
0x10d: {  	[tilespmem:s21], [sflag:$0x9] =	stream.linear.gather [hbm4b:s16+s14], $0x1400, $0x38;
	[tilespmem:$0x1E400] =	vst v63  }
0x10e: {  	_ =	swait.ge [sflag:s20], $0x1400  }
0x10f: {  	[sflag:s20] =	ssyncset.done $0x0  }
0x110: {  	[sflag:s20] =	ssyncadd.s32 $0xFFFFEC00  }
0x111: {  	[tilespmem:s24], [sflag:$0x1] =	stream.indirect.gather [hbm4b:s6+s23], $0x80, s14, s23, $0xb8;
	[tilespmem:$0x1E400] =	vst v63  }
0x112: {  	_ = 	snop  }
0x113: {  	[tilespmem:s26], [sflag:$0x2] =	stream.indirect.gather [hbm4b:s6+s23], $0x80, s25, s23, $0xb8;
	[tilespmem:$0x1E400] =	vst v63  }
0x114: {  	_ = 	snop  }
0x115: {  	[tilespmem:s29], [sflag:$0x3] =	stream.indirect.gather [hbm4b:s6+s23], $0x80, s28, s23, $0xb8;
	[tilespmem:$0x1E400] =	vst v63  }
0x116: {  	_ = 	snop  }
0x117: {  	[tilespmem:s31], [sflag:$0x4] =	stream.indirect.gather [hbm4b:s6+s23], $0x80, s30, s23, $0xb8;
	[tilespmem:$0x1E400] =	vst v63  }
0x118: {  	_ =	swait.ge [sflag:s22], $0x2000  }
0x119: {  	[sflag:s22] =	ssyncset.done $0x0  }
0x11a: {  	s16 =	simm.s32 $0x1400;
	[sflag:s22] =	ssyncadd.s32 $0xFFFFE000  }
0x11b: {  	[spmem:s2] =	stream.indirect.scatter.add.f32 [tilespmem:s24], [sflag:$0x5], $0x80, s16, s23, $0xb8;
	[tilespmem:$0x1E400] =	vst v63  }
0x11c: {  	_ =	swait.ge [sflag:s0], $0x2000  }
0x11d: {  	[sflag:s0] =	ssyncset.done $0x0  }
0x11e: {  	s15 =	simm.s32 $0x1480;
	[sflag:s0] =	ssyncadd.s32 $0xFFFFE000  }
0x11f: {  	[spmem:s2] =	stream.indirect.scatter.add.f32 [tilespmem:s26], [sflag:$0x6], $0x80, s15, s23, $0xb8;
	[tilespmem:$0x1E400] =	vst v63  }
0x120: {  	_ =	swait.ge [sflag:s1], $0x2000  }
0x121: {  	[sflag:s1] =	ssyncset.done $0x0  }
0x122: {  	s16 =	simm.s32 $0x1500;
	[sflag:s1] =	ssyncadd.s32 $0xFFFFE000  }
0x123: {  	[spmem:s2] =	stream.indirect.scatter.add.f32 [tilespmem:s29], [sflag:$0x7], $0x80, s16, s23, $0xb8;
	[tilespmem:$0x1E400] =	vst v63  }
0x124: {  	_ =	swait.ge [sflag:s4], $0x2000  }
0x125: {  	[sflag:s4] =	ssyncset.done $0x0  }
0x126: {  	s15 =	simm.s32 $0x1580;
	[sflag:s4] =	ssyncadd.s32 $0xFFFFE000  }
0x127: {  	[spmem:s2] =	stream.indirect.scatter.add.f32 [tilespmem:s31], [sflag:$0x8], $0x80, s15, s23, $0xb8;
	[tilespmem:$0x1E400] =	vst v63  }
0x128: {  	_ =	swait.ge [sflag:s7], $0x2000  }
0x129: {  	[sflag:s7] =	ssyncset.done $0x0  }
0x12a: {  	s16 =	simm.s32 $0x200;
	[sflag:s7] =	ssyncadd.s32 $0xFFFFE000  }
0x12b: {  	[tilespmem:s24], [sflag:$0x1] =	stream.indirect.gather [hbm4b:s6+s23], $0x80, s16, s23, $0xb8;
	[tilespmem:$0x1E400] =	vst v63  }
0x12c: {  	_ =	swait.ge [sflag:s9], $0x2000  }
0x12d: {  	[sflag:s9] =	ssyncset.done $0x0  }
0x12e: {  	s15 =	simm.s32 $0x280;
	[sflag:s9] =	ssyncadd.s32 $0xFFFFE000  }
0x12f: {  	[tilespmem:s26], [sflag:$0x2] =	stream.indirect.gather [hbm4b:s6+s23], $0x80, s15, s23, $0xb8;
	[tilespmem:$0x1E400] =	vst v63  }
0x130: {  	_ =	swait.ge [sflag:s10], $0x2000  }
0x131: {  	[sflag:s10] =	ssyncset.done $0x0  }
0x132: {  	s16 =	simm.s32 $0x300;
	[sflag:s10] =	ssyncadd.s32 $0xFFFFE000  }
0x133: {  	[tilespmem:s29], [sflag:$0x3] =	stream.indirect.gather [hbm4b:s6+s23], $0x80, s16, s23, $0xb8;
	[tilespmem:$0x1E400] =	vst v63  }
0x134: {  	_ =	swait.ge [sflag:s11], $0x2000  }
0x135: {  	[sflag:s11] =	ssyncset.done $0x0  }
0x136: {  	s14 =	simm.s32 $0x800;
	s15 =	simm.s32 $0x380;
	[sflag:s11] =	ssyncadd.s32 $0xFFFFE000  }
.LBB2_6:
0x137: {  	[tilespmem:s31], [sflag:$0x4] =	stream.indirect.gather [hbm4b:s6+s23], $0x80, s15, s23, $0xb8;
	[tilespmem:$0x1E400] =	vst v63  }
0x138: {  	s15 =	smov.u32 s14  }
0x139: {  	p1 =	sne.s32 s14, $0x4000;
	s14 =	sadd.s32 $0x800, s14;
	_ =	swait.ge [sflag:s22], $0x2000  }
0x13a: {  	s15 =	sshra.s32 s15, $0x2;
	[sflag:s22] =	ssyncset.done $0x0  }
0x13b: {  	s16 =	sadd.s32 $0x1400, s15;
	[sflag:s22] =	ssyncadd.s32 $0xFFFFE000  }
0x13c: {  	[spmem:s2] =	stream.indirect.scatter.add.f32 [tilespmem:s24], [sflag:$0x5], $0x80, s16, s23, $0xb8;
	[tilespmem:$0x1E400] =	vst v63  }
0x13d: {  	_ =	swait.ge [sflag:s0], $0x2000  }
0x13e: {  	[sflag:s0] =	ssyncset.done $0x0  }
0x13f: {  	s16 =	sadd.s32 $0x1480, s15;
	[sflag:s0] =	ssyncadd.s32 $0xFFFFE000  }
0x140: {  	[spmem:s2] =	stream.indirect.scatter.add.f32 [tilespmem:s26], [sflag:$0x6], $0x80, s16, s23, $0xb8;
	[tilespmem:$0x1E400] =	vst v63  }
0x141: {  	_ =	swait.ge [sflag:s1], $0x2000  }
0x142: {  	[sflag:s1] =	ssyncset.done $0x0  }
0x143: {  	s16 =	sadd.s32 $0x1500, s15;
	[sflag:s1] =	ssyncadd.s32 $0xFFFFE000  }
0x144: {  	[spmem:s2] =	stream.indirect.scatter.add.f32 [tilespmem:s29], [sflag:$0x7], $0x80, s16, s23, $0xb8;
	[tilespmem:$0x1E400] =	vst v63  }
0x145: {  	_ =	swait.ge [sflag:s4], $0x2000  }
0x146: {  	[sflag:s4] =	ssyncset.done $0x0  }
0x147: {  	s16 =	sadd.s32 $0x1580, s15;
	[sflag:s4] =	ssyncadd.s32 $0xFFFFE000  }
0x148: {  	[spmem:s2] =	stream.indirect.scatter.add.f32 [tilespmem:s31], [sflag:$0x8], $0x80, s16, s23, $0xb8;
	[tilespmem:$0x1E400] =	vst v63  }
0x149: {  	_ =	swait.ge [sflag:s7], $0x2000  }
0x14a: {  	[sflag:s7] =	ssyncset.done $0x0  }
0x14b: {  	s16 =	sadd.s32 $0x200, s15;
	[sflag:s7] =	ssyncadd.s32 $0xFFFFE000  }
0x14c: {  	[tilespmem:s24], [sflag:$0x1] =	stream.indirect.gather [hbm4b:s6+s23], $0x80, s16, s23, $0xb8;
	[tilespmem:$0x1E400] =	vst v63  }
0x14d: {  	_ =	swait.ge [sflag:s9], $0x2000  }
0x14e: {  	[sflag:s9] =	ssyncset.done $0x0  }
0x14f: {  	s16 =	sadd.s32 $0x280, s15;
	[sflag:s9] =	ssyncadd.s32 $0xFFFFE000  }
0x150: {  	[tilespmem:s26], [sflag:$0x2] =	stream.indirect.gather [hbm4b:s6+s23], $0x80, s16, s23, $0xb8;
	[tilespmem:$0x1E400] =	vst v63  }
0x151: {  	_ =	swait.ge [sflag:s10], $0x2000  }
0x152: {  	[sflag:s10] =	ssyncset.done $0x0  }
.Ltmp2:
0x153: {  	s16 =	sadd.s32 $0x300, s15;
	[sflag:s10] =	ssyncadd.s32 $0xFFFFE000;
	(pc) =	sbr.rel @p1 .LBB2_6-.Ltmp2, $4  }
0x154: {  	[tilespmem:s29], [sflag:$0x3] =	stream.indirect.gather [hbm4b:s6+s23], $0x80, s16, s23, $0xb8;
	[tilespmem:$0x1E400] =	vst v63  }
0x155: {  	_ =	swait.ge [sflag:s11], $0x2000  }
0x156: {  	[sflag:s11] =	ssyncset.done $0x0  }
0x157: {  	s15 =	sadd.s32 $0x380, s15;
	[sflag:s11] =	ssyncadd.s32 $0xFFFFE000  }
0x158: {  	[tilespmem:s31], [sflag:$0x4] =	stream.indirect.gather [hbm4b:s6+s23], $0x80, s15, s23, $0xb8;
	[tilespmem:$0x1E400] =	vst v63  }
0x159: {  	_ =	swait.ge [sflag:s22], $0x2000  }
0x15a: {  	[sflag:s22] =	ssyncset.done $0x0  }
0x15b: {  	[sflag:s22] =	ssyncadd.s32 $0xFFFFE000  }
0x15c: {  	[spmem:s2] =	stream.indirect.scatter.add.f32 [tilespmem:s24], [sflag:$0x5], $0x80, s12, s23, $0xb8;
	[tilespmem:$0x1E400] =	vst v63  }
0x15d: {  	_ =	swait.ge [sflag:s0], $0x2000  }
0x15e: {  	[sflag:s0] =	ssyncset.done $0x0  }
0x15f: {  	[sflag:s0] =	ssyncadd.s32 $0xFFFFE000  }
0x160: {  	[spmem:s2] =	stream.indirect.scatter.add.f32 [tilespmem:s26], [sflag:$0x6], $0x80, s13, s23, $0xb8;
	[tilespmem:$0x1E400] =	vst v63  }
0x161: {  	_ =	swait.ge [sflag:s1], $0x2000  }
0x162: {  	[sflag:s1] =	ssyncset.done $0x0  }
0x163: {  	[sflag:s1] =	ssyncadd.s32 $0xFFFFE000  }
0x164: {  	[spmem:s2] =	stream.indirect.scatter.add.f32 [tilespmem:s29], [sflag:$0x7], $0x80, s8, s23, $0xb8;
	[tilespmem:$0x1E400] =	vst v63  }
0x165: {  	_ =	swait.ge [sflag:s4], $0x2000  }
0x166: {  	[sflag:s4] =	ssyncset.done $0x0  }
0x167: {  	[sflag:s4] =	ssyncadd.s32 $0xFFFFE000  }
0x168: {  	[spmem:s2] =	stream.indirect.scatter.add.f32 [tilespmem:s31], [sflag:$0x8], $0x80, s18, s23, $0xb8;
	[tilespmem:$0x1E400] =	vst v63  }
0x169: {  	_ =	swait.ge [sflag:s7], $0x2000  }
0x16a: {  	[sflag:s7] =	ssyncset.done $0x0  }
0x16b: {  	[sflag:s7] =	ssyncadd.s32 $0xFFFFE000  }
0x16c: {  	_ =	swait.ge [sflag:s9], $0x2000  }
0x16d: {  	[sflag:s9] =	ssyncset.done $0x0  }
0x16e: {  	[sflag:s9] =	ssyncadd.s32 $0xFFFFE000  }
0x16f: {  	_ =	swait.ge [sflag:s10], $0x2000  }
0x170: {  	[sflag:s10] =	ssyncset.done $0x0  }
0x171: {  	[sflag:s10] =	ssyncadd.s32 $0xFFFFE000  }
0x172: {  	_ =	swait.ge [sflag:s11], $0x2000  }
0x173: {  	[sflag:s11] =	ssyncset.done $0x0  }
0x174: {  	s14 =	simm.s32 $0x0;
	s16 =	rddreg [dreg:$0xe];
	[sflag:s11] =	ssyncadd.s32 $0xFFFFE000  }
0x175: {  	[tilespmem:s14], [sflag:$0x9] =	stream.linear.gather [hbm4b:s16+s14], $0x1400, $0x38;
	[tilespmem:$0x1E400] =	vst v63  }
0x176: {  	_ =	swait.ge [sflag:s20], $0x1400  }
0x177: {  	[sflag:s20] =	ssyncset.done $0x0  }
0x178: {  	[sflag:s20] =	ssyncadd.s32 $0xFFFFEC00  }
0x179: {  	[tilespmem:s21], [sflag:$0x9] =	stream.linear.gather [hbm4b:s17+s14], $0x1400, $0x38;
	[tilespmem:$0x1E400] =	vst v63  }
0x17a: {  	_ =	swait.ge [sflag:s20], $0x1400  }
0x17b: {  	[sflag:s20] =	ssyncset.done $0x0  }
0x17c: {  	[sflag:s20] =	ssyncadd.s32 $0xFFFFEC00  }
0x17d: {  	[tilespmem:s24], [sflag:$0x1] =	stream.indirect.gather [hbm4b:s6+s23], $0x80, s14, s23, $0xb8;
	[tilespmem:$0x1E400] =	vst v63  }
0x17e: {  	_ = 	snop  }
0x17f: {  	[tilespmem:s26], [sflag:$0x2] =	stream.indirect.gather [hbm4b:s6+s23], $0x80, s25, s23, $0xb8;
	[tilespmem:$0x1E400] =	vst v63  }
0x180: {  	_ = 	snop  }
0x181: {  	[tilespmem:s29], [sflag:$0x3] =	stream.indirect.gather [hbm4b:s6+s23], $0x80, s28, s23, $0xb8;
	[tilespmem:$0x1E400] =	vst v63  }
0x182: {  	_ = 	snop  }
0x183: {  	[tilespmem:s31], [sflag:$0x4] =	stream.indirect.gather [hbm4b:s6+s23], $0x80, s30, s23, $0xb8;
	[tilespmem:$0x1E400] =	vst v63  }
0x184: {  	_ =	swait.ge [sflag:s22], $0x2000  }
0x185: {  	[sflag:s22] =	ssyncset.done $0x0  }
0x186: {  	s16 =	simm.s32 $0x1400;
	[sflag:s22] =	ssyncadd.s32 $0xFFFFE000  }
0x187: {  	[spmem:s2] =	stream.indirect.scatter.add.f32 [tilespmem:s24], [sflag:$0x5], $0x80, s16, s23, $0xb8;
	[tilespmem:$0x1E400] =	vst v63  }
0x188: {  	_ =	swait.ge [sflag:s0], $0x2000  }
0x189: {  	[sflag:s0] =	ssyncset.done $0x0  }
0x18a: {  	s15 =	simm.s32 $0x1480;
	[sflag:s0] =	ssyncadd.s32 $0xFFFFE000  }
0x18b: {  	[spmem:s2] =	stream.indirect.scatter.add.f32 [tilespmem:s26], [sflag:$0x6], $0x80, s15, s23, $0xb8;
	[tilespmem:$0x1E400] =	vst v63  }
0x18c: {  	_ =	swait.ge [sflag:s1], $0x2000  }
0x18d: {  	[sflag:s1] =	ssyncset.done $0x0  }
0x18e: {  	s16 =	simm.s32 $0x1500;
	[sflag:s1] =	ssyncadd.s32 $0xFFFFE000  }
0x18f: {  	[spmem:s2] =	stream.indirect.scatter.add.f32 [tilespmem:s29], [sflag:$0x7], $0x80, s16, s23, $0xb8;
	[tilespmem:$0x1E400] =	vst v63  }
0x190: {  	_ =	swait.ge [sflag:s4], $0x2000  }
0x191: {  	[sflag:s4] =	ssyncset.done $0x0  }
0x192: {  	s15 =	simm.s32 $0x1580;
	[sflag:s4] =	ssyncadd.s32 $0xFFFFE000  }
0x193: {  	[spmem:s2] =	stream.indirect.scatter.add.f32 [tilespmem:s31], [sflag:$0x8], $0x80, s15, s23, $0xb8;
	[tilespmem:$0x1E400] =	vst v63  }
0x194: {  	_ =	swait.ge [sflag:s7], $0x2000  }
0x195: {  	[sflag:s7] =	ssyncset.done $0x0  }
0x196: {  	s16 =	simm.s32 $0x200;
	[sflag:s7] =	ssyncadd.s32 $0xFFFFE000  }
0x197: {  	[tilespmem:s24], [sflag:$0x1] =	stream.indirect.gather [hbm4b:s6+s23], $0x80, s16, s23, $0xb8;
	[tilespmem:$0x1E400] =	vst v63  }
0x198: {  	_ =	swait.ge [sflag:s9], $0x2000  }
0x199: {  	[sflag:s9] =	ssyncset.done $0x0  }
0x19a: {  	s15 =	simm.s32 $0x280;
	[sflag:s9] =	ssyncadd.s32 $0xFFFFE000  }
0x19b: {  	[tilespmem:s26], [sflag:$0x2] =	stream.indirect.gather [hbm4b:s6+s23], $0x80, s15, s23, $0xb8;
	[tilespmem:$0x1E400] =	vst v63  }
0x19c: {  	_ =	swait.ge [sflag:s10], $0x2000  }
0x19d: {  	[sflag:s10] =	ssyncset.done $0x0  }
0x19e: {  	s16 =	simm.s32 $0x300;
	[sflag:s10] =	ssyncadd.s32 $0xFFFFE000  }
0x19f: {  	[tilespmem:s29], [sflag:$0x3] =	stream.indirect.gather [hbm4b:s6+s23], $0x80, s16, s23, $0xb8;
	[tilespmem:$0x1E400] =	vst v63  }
0x1a0: {  	_ =	swait.ge [sflag:s11], $0x2000  }
0x1a1: {  	[sflag:s11] =	ssyncset.done $0x0  }
0x1a2: {  	s14 =	simm.s32 $0x800;
	s15 =	simm.s32 $0x380;
	[sflag:s11] =	ssyncadd.s32 $0xFFFFE000  }
.LBB2_8:
0x1a3: {  	[tilespmem:s31], [sflag:$0x4] =	stream.indirect.gather [hbm4b:s6+s23], $0x80, s15, s23, $0xb8;
	[tilespmem:$0x1E400] =	vst v63  }
0x1a4: {  	s15 =	smov.u32 s14  }
0x1a5: {  	p1 =	sne.s32 s14, $0x4000;
	s14 =	sadd.s32 $0x800, s14;
	_ =	swait.ge [sflag:s22], $0x2000  }
0x1a6: {  	s15 =	sshra.s32 s15, $0x2;
	[sflag:s22] =	ssyncset.done $0x0  }
0x1a7: {  	s16 =	sadd.s32 $0x1400, s15;
	[sflag:s22] =	ssyncadd.s32 $0xFFFFE000  }
0x1a8: {  	[spmem:s2] =	stream.indirect.scatter.add.f32 [tilespmem:s24], [sflag:$0x5], $0x80, s16, s23, $0xb8;
	[tilespmem:$0x1E400] =	vst v63  }
0x1a9: {  	_ =	swait.ge [sflag:s0], $0x2000  }
0x1aa: {  	[sflag:s0] =	ssyncset.done $0x0  }
0x1ab: {  	s16 =	sadd.s32 $0x1480, s15;
	[sflag:s0] =	ssyncadd.s32 $0xFFFFE000  }
0x1ac: {  	[spmem:s2] =	stream.indirect.scatter.add.f32 [tilespmem:s26], [sflag:$0x6], $0x80, s16, s23, $0xb8;
	[tilespmem:$0x1E400] =	vst v63  }
0x1ad: {  	_ =	swait.ge [sflag:s1], $0x2000  }
0x1ae: {  	[sflag:s1] =	ssyncset.done $0x0  }
0x1af: {  	s16 =	sadd.s32 $0x1500, s15;
	[sflag:s1] =	ssyncadd.s32 $0xFFFFE000  }
0x1b0: {  	[spmem:s2] =	stream.indirect.scatter.add.f32 [tilespmem:s29], [sflag:$0x7], $0x80, s16, s23, $0xb8;
	[tilespmem:$0x1E400] =	vst v63  }
0x1b1: {  	_ =	swait.ge [sflag:s4], $0x2000  }
0x1b2: {  	[sflag:s4] =	ssyncset.done $0x0  }
0x1b3: {  	s16 =	sadd.s32 $0x1580, s15;
	[sflag:s4] =	ssyncadd.s32 $0xFFFFE000  }
0x1b4: {  	[spmem:s2] =	stream.indirect.scatter.add.f32 [tilespmem:s31], [sflag:$0x8], $0x80, s16, s23, $0xb8;
	[tilespmem:$0x1E400] =	vst v63  }
0x1b5: {  	_ =	swait.ge [sflag:s7], $0x2000  }
0x1b6: {  	[sflag:s7] =	ssyncset.done $0x0  }
0x1b7: {  	s16 =	sadd.s32 $0x200, s15;
	[sflag:s7] =	ssyncadd.s32 $0xFFFFE000  }
0x1b8: {  	[tilespmem:s24], [sflag:$0x1] =	stream.indirect.gather [hbm4b:s6+s23], $0x80, s16, s23, $0xb8;
	[tilespmem:$0x1E400] =	vst v63  }
0x1b9: {  	_ =	swait.ge [sflag:s9], $0x2000  }
0x1ba: {  	[sflag:s9] =	ssyncset.done $0x0  }
0x1bb: {  	s16 =	sadd.s32 $0x280, s15;
	[sflag:s9] =	ssyncadd.s32 $0xFFFFE000  }
0x1bc: {  	[tilespmem:s26], [sflag:$0x2] =	stream.indirect.gather [hbm4b:s6+s23], $0x80, s16, s23, $0xb8;
	[tilespmem:$0x1E400] =	vst v63  }
0x1bd: {  	_ =	swait.ge [sflag:s10], $0x2000  }
0x1be: {  	[sflag:s10] =	ssyncset.done $0x0  }
.Ltmp3:
0x1bf: {  	s16 =	sadd.s32 $0x300, s15;
	[sflag:s10] =	ssyncadd.s32 $0xFFFFE000;
	(pc) =	sbr.rel @p1 .LBB2_8-.Ltmp3, $4  }
0x1c0: {  	[tilespmem:s29], [sflag:$0x3] =	stream.indirect.gather [hbm4b:s6+s23], $0x80, s16, s23, $0xb8;
	[tilespmem:$0x1E400] =	vst v63  }
0x1c1: {  	_ =	swait.ge [sflag:s11], $0x2000  }
0x1c2: {  	[sflag:s11] =	ssyncset.done $0x0  }
0x1c3: {  	s15 =	sadd.s32 $0x380, s15;
	[sflag:s11] =	ssyncadd.s32 $0xFFFFE000  }
0x1c4: {  	[tilespmem:s31], [sflag:$0x4] =	stream.indirect.gather [hbm4b:s6+s23], $0x80, s15, s23, $0xb8;
	[tilespmem:$0x1E400] =	vst v63  }
0x1c5: {  	_ =	swait.ge [sflag:s22], $0x2000  }
0x1c6: {  	[sflag:s22] =	ssyncset.done $0x0  }
0x1c7: {  	[sflag:s22] =	ssyncadd.s32 $0xFFFFE000  }
0x1c8: {  	[spmem:s2] =	stream.indirect.scatter.add.f32 [tilespmem:s24], [sflag:$0x5], $0x80, s12, s23, $0xb8;
	[tilespmem:$0x1E400] =	vst v63  }
0x1c9: {  	_ =	swait.ge [sflag:s0], $0x2000  }
0x1ca: {  	[sflag:s0] =	ssyncset.done $0x0  }
0x1cb: {  	[sflag:s0] =	ssyncadd.s32 $0xFFFFE000  }
0x1cc: {  	[spmem:s2] =	stream.indirect.scatter.add.f32 [tilespmem:s26], [sflag:$0x6], $0x80, s13, s23, $0xb8;
	[tilespmem:$0x1E400] =	vst v63  }
0x1cd: {  	_ =	swait.ge [sflag:s1], $0x2000  }
0x1ce: {  	[sflag:s1] =	ssyncset.done $0x0  }
0x1cf: {  	[sflag:s1] =	ssyncadd.s32 $0xFFFFE000  }
0x1d0: {  	[spmem:s2] =	stream.indirect.scatter.add.f32 [tilespmem:s29], [sflag:$0x7], $0x80, s8, s23, $0xb8;
	[tilespmem:$0x1E400] =	vst v63  }
0x1d1: {  	_ =	swait.ge [sflag:s4], $0x2000  }
0x1d2: {  	[sflag:s4] =	ssyncset.done $0x0  }
0x1d3: {  	[sflag:s4] =	ssyncadd.s32 $0xFFFFE000  }
0x1d4: {  	[spmem:s2] =	stream.indirect.scatter.add.f32 [tilespmem:s31], [sflag:$0x8], $0x80, s18, s23, $0xb8;
	[tilespmem:$0x1E400] =	vst v63  }
0x1d5: {  	_ =	swait.ge [sflag:s7], $0x2000  }
0x1d6: {  	[sflag:s7] =	ssyncset.done $0x0  }
0x1d7: {  	[sflag:s7] =	ssyncadd.s32 $0xFFFFE000  }
0x1d8: {  	_ =	swait.ge [sflag:s9], $0x2000  }
0x1d9: {  	[sflag:s9] =	ssyncset.done $0x0  }
0x1da: {  	[sflag:s9] =	ssyncadd.s32 $0xFFFFE000  }
0x1db: {  	_ =	swait.ge [sflag:s10], $0x2000  }
0x1dc: {  	[sflag:s10] =	ssyncset.done $0x0  }
0x1dd: {  	[sflag:s10] =	ssyncadd.s32 $0xFFFFE000  }
0x1de: {  	_ =	swait.ge [sflag:s11], $0x2000  }
0x1df: {  	[sflag:s11] =	ssyncset.done $0x0  }
0x1e0: {  	[sflag:s11] =	ssyncadd.s32 $0xFFFFE000  }
0x1e1: {  	[bflag:$0x0] =	sbarrier.arrive $0xFFFF  }
0x1e2: {  	s14 =	rddreg [dreg:$0x6]  }
0x1e3: {  	s16 =	rddreg [dreg:$0xf];
	s14 =	sor.u32 $0x1C09, s14  }
0x1e4: {  	[hbm:s16], [sflag:s14] =	dma.local [spmem:s5], $0x2780  }
0x1e5: {  	_ =	swait.ge [sflag:s20], $0x2780  }
0x1e6: {  	s19 =	sadd.s32 $0x1, s19;
	s16 =	rddreg [dreg:$0x10]  }
0x1e7: {  	p1 =	sne.s32 s19, s16  }
.Ltmp4:
0x1e8: {  	_ = 	snop;
	(pc) =	sbr.rel @p1 .LBB2_1-.Ltmp4, $3  }
0x1e9: {  	_ =	sdelay $0x1  }
0x1ea: {  	[sflag:s20] =	ssyncset.done $0x0  }
0x1eb: {  	[sflag:s20] =	ssyncadd.s32 $0xFFFFD880  }
0x1ec: {  	_ =	sfence.sel $0x180000  }
0x1ed: {  	[bflag:$0x0] =	sbarrier.arrive $0xFFFF  }
0x1ee: {  	_ =	strace $0x9000004A  }
0x1ef: {  	s0 =	stileid.u32;
	[bflag:$0x2] =	sbarrier.arrive $0xFFFF  }
0x1f0: {  	p0 =	sne.s32 s0, $0x0;
	s0 =	rddreg [dreg:$0x2]  }
0x1f1: {  	s0 =	sadd.s32 @!p0 $0x100000, s0  }
0x1f2: {  	[sflag:s0] =	ssyncadd.tile.s32 @!p0 $0x1;
	_ =	shalt  }
.Lfunc_end2:
_tile_overlayer_lowered:
.L_overlay_start_2:
0x1f3: {  	(tag) =	ssettag $0x2  }
0x1f4: {  	s0 =	rddreg [dreg:$0x0];
	s2 =	stileid.u32  }
0x1f5: {  	s1 =	rddreg [dreg:$0x1];
	p0 =	sne.s32 s2, $0x0  }
0x1f6: {  	s3 =	rddreg [dreg:$0x2];
	[bflag:$0x3] =	sbarrier.arrive $0xFFFF;
	s2 =	simm.s32 @!p0 $0x1C09  }
0x1f7: {  	[timem:s3], [sflag:s2] =	dma.local @!p0 [hbm:s0], s1  }
0x1f8: {  	s0 =	simm.s32 @!p0 $0x9  }
0x1f9: {  	_ =	swait.ge @!p0 [sflag:s0], s1  }
0x1fa: {  	s1 =	ssub.s32 @!p0 $0x0, s1;
	[sflag:s0] =	ssyncset.done @!p0 $0x0  }
0x1fb: {  	[sflag:s0] =	ssyncadd.s32 @!p0 s1  }
0x1fc: {  	[bflag:$0x3] =	sbarrier.arrive $0xFFFF  }
0x1fd: {  	_ =	shalt  }

// kernel: kernel.7.cloned.1.call-start
scs
__scs_entry_jumppad:
0x0: {  	(pc) =	sbr.rel $0x88, $3  }
0x1: {  	(tag) =	ssettag $0x0;
	lr =	simm.s32 $0x1  }
0x2: {  	[smem:$0x3F9B] =	sst lr;
	_ =	strace $0xD0000000  }
0x3: {  	_ = 	snop  }
0x4: {  	_ = 	snop  }
0x5: {  	_ = 	snop  }
0x6: {  	_ = 	snop  }
0x7: {  	_ = 	snop  }
__scs_overlays_trampoline_lowered:
0x8: {  	[smem:$0x3FAA] =	sst s0  }
0x9: {  	[smem:$0x3FAB] =	sst s1  }
0xa: {  	[smem:$0x3FAC] =	sst s2  }
0xb: {  	[smem:$0x3FAD] =	sst s3  }
0xc: {  	[smem:$0x3FAE] =	sst s4  }
0xd: {  	[smem:$0x3FAF] =	sst s5  }
0xe: {  	[smem:$0x3FB0] =	sst s6  }
0xf: {  	[smem:$0x3FB1] =	sst s7  }
0x10: {  	[smem:$0x3FB2] =	sst s8  }
0x11: {  	[smem:$0x3FB3] =	sst s9;
	s0 =	simm.s32 @!p0 $0x0  }
0x12: {  	s1 =	sld [smem:$0x3F99];
	s0 =	simm.s32 @p0 $0x1  }
0x13: {  	[smem:$0x3FB4] =	sst s0;
	s0 =	simm.s32 @!p1 $0x0  }
0x14: {  	s2 =	sld [smem:$0x3F98];
	s0 =	simm.s32 @p1 $0x1  }
0x15: {  	[smem:$0x3FB5] =	sst s0;
	s0 =	simm.s32 @!p2 $0x0  }
0x16: {  	s3 =	sld [smem:$0x3FDB];
	s0 =	simm.s32 @p2 $0x1  }
0x17: {  	s4 =	simm.s32 $0x1BF5;
	[smem:$0x3FB7] =	sst s0  }
0x18: {  	s0 =	sld [smem:$0x3F9A];
	_ =	swait.ge [sflag:s4], $0x0  }
0x19: {  	s7 =	sld [smem:$0x3F9B]  }
0x1a: {  	s8 =	sadd.s32 $0xFFFFE003, lr  }
0x1b: {  	s9 =	sadd.s32 $0xFFFFFEF7, lr;
	s5 =	simm.s32 $0xFFFFFFFF;
	p2 =	slt.u32 s8, $0xFFFFF086  }
0x1c: {  	p1 =	slt.u32 s9, $0xF7A;
	s5 =	simm.s32 @!p2 $0x0  }
0x1d: {  	s5 =	simm.s32 @p1 $0x1;
	p0 =	seq.s32 s7, s2  }
0x1e: {  	s7 =	smul.u32 @!p0 $0xF7A, s2;
	p2 =	seq.s32 @!p0 s5, $0x0  }
0x1f: {  	s9 =	smul.u32 $0xF7A, s1;
	s8 =	simm.s32 @!p0 $0x1BF5;
	p2 =	por !p2, p0  }
0x20: {  	[sflag:s8] =	ssyncset.s32 @!p0 $0xFFFFF086;
	s6 =	sadd.s32 @!p0 s3, s7;
	s7 =	simm.s32 @!p0 $0x108  }
0x21: {  	s3 =	sadd.s32 s3, s9;
	s6 =	sadd.s32 @!p0 $0x88, s6;
	s7 =	simm.s32 @p2 $0x1082  }
0x22: {  	[simem:s7], [sflag:s8] =	dma.local @!p0 [hbm:s6], $0xF7A  }
0x23: {  	s9 =	sor.u32 $0xD0000000, s2;
	s6 =	simm.s32 $0x108;
	_ =	swait.ge @!p0 [sflag:s8], $0x0  }
0x24: {  	s3 =	sadd.s32 $0x88, s3;
	s6 =	simm.s32 @!p1 $0x1082;
	[sflag:s4] =	ssyncset.s32 $0xFFFFF086  }
0x25: {  	[simem:s6], [sflag:s4] =	dma.local [hbm:s3], $0xF7A  }
0x26: {  	[smem:$0x3F9B] =	sst s1;
	(tag) =	ssettag s2;
	_ =	strace s9  }
0x27: {  	s1 =	sld [smem:$0x3FAB]  }
0x28: {  	s2 =	sld [smem:$0x3FAC]  }
0x29: {  	s4 =	sld [smem:$0x3FAE]  }
0x2a: {  	p0 =	seq.s32 s5, $0x0;
	s5 =	sld [smem:$0x3FAF]  }
0x2b: {  	s6 =	sld [smem:$0x3FB0]  }
0x2c: {  	s7 =	sld [smem:$0x3FB1]  }
0x2d: {  	s3 =	simm.s32 $0x108;
	s8 =	sld [smem:$0x3FB2]  }
0x2e: {  	s3 =	simm.s32 @!p0 $0x1082;
	s9 =	sld [smem:$0x3FB3]  }
0x2f: {  	lr =	sadd.s32 s0, s3;
	s0 =	sld [smem:$0x3FAA]  }
0x30: {  	s3 =	sld [smem:$0x3FAD]  }
0x31: {  	[smem:$0x3FB6] =	sst s10  }
0x32: {  	s10 =	sld [smem:$0x3FB4];
	_ =	sdelay $0x3  }
0x33: {  	p0 =	seq.s32 s10, $0x1;
	s10 =	sld [smem:$0x3FB6];
	_ =	sdelay $0x3  }
0x34: {  	[smem:$0x3FB6] =	sst s10  }
0x35: {  	s10 =	sld [smem:$0x3FB5];
	_ =	sdelay $0x3  }
0x36: {  	p1 =	seq.s32 s10, $0x1;
	s10 =	sld [smem:$0x3FB6];
	_ =	sdelay $0x3  }
0x37: {  	[smem:$0x3FB6] =	sst s10  }
0x38: {  	s10 =	sld [smem:$0x3FB7]  }
0x39: {  	_ = 	snop;
	(pc) =	sbr.ind lr, $3  }
0x3a: {  	_ = 	snop  }
0x3b: {  	_ = 	snop  }
0x3c: {  	p2 =	seq.s32 s10, $0x1;
	s10 =	sld [smem:$0x3FB6]  }
0x3d: {  	_ =	shalt  }
0x3e: {  	_ =	shalt  }
0x3f: {  	_ =	shalt  }
0x40: {  	_ =	shalt  }
0x41: {  	_ =	shalt  }
0x42: {  	_ =	shalt  }
0x43: {  	_ =	shalt  }
0x44: {  	_ =	shalt  }
0x45: {  	_ =	shalt  }
0x46: {  	_ =	shalt  }
0x47: {  	_ =	shalt  }
0x48: {  	_ =	shalt  }
0x49: {  	_ =	shalt  }
0x4a: {  	_ =	shalt  }
0x4b: {  	_ =	shalt  }
0x4c: {  	_ =	shalt  }
0x4d: {  	_ =	shalt  }
0x4e: {  	_ =	shalt  }
0x4f: {  	_ =	shalt  }
0x50: {  	_ =	shalt  }
0x51: {  	_ =	shalt  }
0x52: {  	_ =	shalt  }
0x53: {  	_ =	shalt  }
0x54: {  	_ =	shalt  }
0x55: {  	_ =	shalt  }
0x56: {  	_ =	shalt  }
0x57: {  	_ =	shalt  }
0x58: {  	_ =	shalt  }
0x59: {  	_ =	shalt  }
0x5a: {  	_ =	shalt  }
0x5b: {  	_ =	shalt  }
0x5c: {  	_ =	shalt  }
0x5d: {  	_ =	shalt  }
0x5e: {  	_ =	shalt  }
0x5f: {  	_ =	shalt  }
0x60: {  	_ =	shalt  }
0x61: {  	_ =	shalt  }
0x62: {  	_ =	shalt  }
0x63: {  	_ =	shalt  }
0x64: {  	_ =	shalt  }
0x65: {  	_ =	shalt  }
0x66: {  	_ =	shalt  }
0x67: {  	_ =	shalt  }
0x68: {  	_ =	shalt  }
0x69: {  	_ =	shalt  }
0x6a: {  	_ =	shalt  }
0x6b: {  	_ =	shalt  }
0x6c: {  	_ =	shalt  }
0x6d: {  	_ =	shalt  }
0x6e: {  	_ =	shalt  }
0x6f: {  	_ =	shalt  }
0x70: {  	_ =	shalt  }
0x71: {  	_ =	shalt  }
0x72: {  	_ =	shalt  }
0x73: {  	_ =	shalt  }
0x74: {  	_ =	shalt  }
0x75: {  	_ =	shalt  }
0x76: {  	_ =	shalt  }
0x77: {  	_ =	shalt  }
0x78: {  	_ =	shalt  }
0x79: {  	_ =	shalt  }
0x7a: {  	_ =	shalt  }
0x7b: {  	_ =	shalt  }
0x7c: {  	_ =	shalt  }
0x7d: {  	_ =	shalt  }
0x7e: {  	_ =	shalt  }
0x7f: {  	_ =	shalt  }
0x80: {  	_ =	shalt  }
0x81: {  	_ =	shalt  }
0x82: {  	_ =	shalt  }
0x83: {  	_ =	shalt  }
0x84: {  	_ =	shalt  }
0x85: {  	_ =	shalt  }
0x86: {  	_ =	shalt  }
0x87: {  	_ =	shalt  }
.Lfunc_end0:
.L_simem_size_0:
called_computation_lowered:
.L_overlay_start_0:
0x88: {  	s2 =	sld [smem:$0x3FD9]  }
0x89: {  	s3 =	sld [smem:$0x3FFE];
	_ =	sdelay $0x1  }
0x8a: {  	s1 =	srdreg.scid  }
0x8b: {  	s0 =	sand.u32 $0x1, s1  }
0x8c: {  	s17 =	sshll.u32 s0, $0xA;
	s2 =	sadd.s32 s3, s2  }
0x8d: {  	s2 =	sadd.s32 s2, s17  }
0x8e: {  	[smem:$0x3FC2] =	sst s2  }
0x8f: {  	_ = 	snop  }
0x90: {  	s2 =	sld [smem:$0x3FD0];
	(tm) =	ssettm $0x1  }
0x91: {  	s18 =	sld [smem:$0x3FFB];
	_ =	sdelay $0x3  }
0x92: {  	_ =	strace s18  }
0x93: {  	s3 =	sld [smem:$0x3FFC];
	_ =	sdelay $0x3  }
0x94: {  	_ =	strace s3  }
0x95: {  	s3 =	sld [smem:$0x3FFD];
	_ =	sdelay $0x3  }
0x96: {  	_ =	strace s3  }
0x97: {  	_ =	strace $0x8FFFFFFF  }
0x98: {  	s19 =	sld [smem:$0x3FDB];
	_ =	sdelay $0x1  }
0x99: {  	s4 =	simm.s32 $_scs_section_size  }
0x9a: {  	s5 =	simm.s32 $_size__tile_overlayer_lowered;
	s6 =	simm.s32 $_tile_overlayer_lowered  }
0x9b: {  	s22 =	simm.s32 $0x1BFF;
	s21 =	sshll.u32 s6, $0x1;
	s3 =	sadd.s32 s4, s19  }
0x9c: {  	s7 =	simm.s32 $0x0;
	s20 =	sshll.u32 s5, $0x1;
	s5 =	sadd.s32 s21, s3  }
0x9d: {  	[timem:s7], [sflag:s22] =	dma.local [hbm:s5], s20  }
0x9e: {  	_ =	swait.ge [sflag:s22], s20  }
0x9f: {  	s4 =	ssub.s32 $0x0, s20;
	[sflag:s22] =	ssyncset.done $0x0  }
0xa0: {  	[sflag:s22] =	ssyncadd.s32 s4;
	_ =	sdelay $0x1  }
0xa1: {  	s23 =	simm.s32 $0x1B8B  }
0xa2: {  	_ =	swait.ge [sflag:s23], $0x1  }
0xa3: {  	[sflag:s23] =	ssyncset.done $0x0  }
0xa4: {  	s25 =	simm.s32 $0x1B8E;
	s24 =	sld [smem:$0x3FFE];
	[sflag:s23] =	ssyncadd.s32 $0xFFFFFFFF  }
0xa5: {  	s26 =	simm.s32 $execute0_lowered;
	[smem:$0x3FD2] =	sst s25  }
0xa6: {  	s5 =	sshll.u32 s26, $0x1;
	_ =	strace $0x80000046;
	[dreg:$0x1] =	wrdreg $0xFFFFFFFF  }
0xa7: {  	s28 =	simm.s32 $_size_execute0_lowered;
	s3 =	sadd.s32 s3, s5;
	[dreg:$0x0] =	wrdreg $0x0  }
0xa8: {  	s5 =	sshll.u32 s28, $0x1;
	[dreg:$0x2] =	wrdreg s3  }
0xa9: {  	[dreg:$0x3] =	wrdreg s5  }
0xaa: {  	[dreg:$0x4] =	wrdreg $0xC0  }
0xab: {  	_ =	task [dreg:s7], $0x5FFFF  }
0xac: {  	[dreg:$0x1] =	wrdreg $0xFFFFFFFF  }
0xad: {  	[dreg:$0x0] =	wrdreg $0x60  }
0xae: {  	[dreg:$0x2] =	wrdreg s2  }
0xaf: {  	[dreg:$0x3] =	wrdreg s24  }
0xb0: {  	[dreg:$0x4] =	wrdreg $0xE000  }
0xb1: {  	[dreg:$0x5] =	wrdreg $0x9  }
0xb2: {  	_ =	task.clear_ibuf [dreg:s7], $0x6FFFF;
	_ =	strace $0x90000046  }
0xb3: {  	s29 =	simm.s32 $0x9;
	_ =	strace $0x80000048  }
0xb4: {  	_ =	swait.ge [sflag:s29], $0x1  }
0xb5: {  	[sflag:s29] =	ssyncadd.s32 $0xFFFFFFFF  }
0xb6: {  	_ =	strace $0x90000048  }
0xb7: {  	_ =	sfence  }
0xb8: {  	s30 =	sld [smem:$0x0];
	_ =	sdelay $0x2  }
0xb9: {  	s31 =	sshll.u32 s1, $0xD;
	s1 =	sshrl.u32 s1, $0x2  }
0xba: {  	s3 =	sand.u32 $0x4000, s31;
	s1 =	sadd.s32 s1, s30  }
0xbb: {  	s0 =	sor.u32 s3, s0;
	s1 =	sshll.u32 s1, $0x11  }
0xbc: {  	s0 =	sor.u32 s1, s0  }
0xbd: {  	s0 =	sadd.s32 $0x8F2B, s0  }
0xbe: {  	[sflag:s0] =	ssyncadd.remote.s32 $0x1  }
0xbf: {  	_ =	sfence.sel $0xFFFF  }
0xc0: {  	[dreg:$0x0] =	wrdreg $0xFFFFFFFF;
	(pc) =	sbr.abs _section_cstart, $3  }
0xc1: {  	[dreg:$0x1] =	wrdreg $0xFFFFFFFF  }
0xc2: {  	_ =	task.clear_ibuf [dreg:s7], $0x2FFFF;
	_ =	strace $0x9FFFFFFF  }
0xc3: {  	(tm) =	ssettm $0x7FFFFFFF  }
tec
execute0_lowered:
.L_overlay_start_1:
0x0: {  	(tag) =	ssettag $0x1  }
0x1: {  	s6 =	rddreg [dreg:$0x0]  }
0x2: {  	s11 =	rddreg [dreg:$0x1]  }
0x3: {  	s2 =	rddreg [dreg:$0x2]  }
0x4: {  	s0 =	rddreg [dreg:$0x3];
	s3 =	simm.s32 $0x0;
	s1 =	stileid.u32  }
0x5: {  	s4 =	srdreg.scid;
	s18 =	simm.s32 $0xC0;
	s19 =	simm.s32 $0x1  }
0x6: {  	[smem:$0x7FF] =	sst s3;
	s5 =	smul.u32 $0x2780, s1;
	s4 =	sand.u32 $0x1, s4  }
0x7: {  	s20 =	sadd.s32 $0x3600, s11;
	s9 =	sshll.u32 s1, $0x1;
	s30 =	sshll.u32 s1, $0x6  }
0x8: {  	s16 =	sadd.s32 $0x3740, s11;
	s17 =	sadd.s32 $0x3880, s11;
	_ =	strace $0x80000047  }
0x9: {  	s7 =	smul.u32 $0x27800, s4;
	s9 =	sor.u32 s4, s9;
	s10 =	ssub.s32 $0x2, s4  }
0xa: {  	s4 =	sadd.s32 $0x8A00, s11;
	s8 =	sshrl.u32 s5, $0x3;
	s12 =	smul.u32 $0x2800, s9  }
0xb: {  	s28 =	sshrl.u32 s10, $0x1;
	s15 =	sadd.s32 s5, s2;
	p0 =	seq.s32 s9, $0x1F  }
0xc: {  	s8 =	sadd.s32 s8, s11;
	s7 =	sadd.s32 s5, s7;
	s14 =	ssub.s32 s10, s28  }
0xd: {  	s7 =	sshrl.u32 s7, $0x3;
	s29 =	sshrl.u32 s12, $0x3;
	s5 =	sadd.s32 $0x3A00, s8  }
0xe: {  	s12 =	smax.u32 s14, $0x1;
	s14 =	simm.s32 $0x2;
	s31 =	sadd.s32 s6, s29  }
0xf: {  	s13 =	sadd.s32 s7, s11;
	s6 =	sor.u32 $0x1C02, s30;
	s7 =	sadd.s32 $0x9C40, s31  }
0x10: {  	s8 =	sadd.s32 $0x9D80, s31;
	s9 =	sadd.s32 $0x9EC0, s31;
	s10 =	sadd.s32 $0xA000, s31  }
0x11: {  	s11 =	sadd.s32 $0x8C00, s13;
	s13 =	sshrl.u32 s15, $0x3;
	s15 =	simm.s32 $0xA00  }
0x12: {  	s9 =	smov.u32 @p0 s16;
	s10 =	smov.u32 @p0 s17;
	s16 =	simm.s32 $0x40  }
0x13: {  	s17 =	simm.s32 $0x80;
	s8 =	smov.u32 @p0 s20;
	s20 =	simm.s32 $0x0  }
.LBB2_1:
0x14: {  	[spmem:s13], [sflag:s6] =	dma.local [hbm:s5], $0x4F0  }
0x15: {  	_ =	swait.ge [sflag:s14], $0x4F0  }
0x16: {  	[sflag:s14] =	ssyncset.done $0x0  }
0x17: {  	[sflag:s14] =	ssyncadd.s32 $0xFFFFFB10  }
0x18: {  	[tilespmem:s15], [sflag:$0x2] =	stream.linear.gather [hbm4b:s4+s3], $0x400, $0x38;
	[tilespmem:$0x3580] =	vst v63  }
0x19: {  	_ =	swait.ge [sflag:s14], $0x400  }
0x1a: {  	[sflag:s14] =	ssyncset.done $0x0  }
0x1b: {  	[sflag:s14] =	ssyncadd.s32 $0xFFFFFC00  }
0x1c: {  	[bflag:$0x0] =	sbarrier.arrive $0xFFFF  }
0x1d: {  	[tilespmem:s3], [sflag:$0x2] =	stream.linear.gather [hbm4b:s7+s3], $0xA00, $0x38;
	[tilespmem:$0x3580] =	vst v63  }
0x1e: {  	_ =	swait.ge [sflag:s14], $0xA00  }
0x1f: {  	[sflag:s14] =	ssyncset.done $0x0  }
0x20: {  	[sflag:s14] =	ssyncadd.s32 $0xFFFFF600  }
0x21: {  	[spmem:s2] =	stream.indirect.scatter.add.f32 [tilespmem:s15], [sflag:$0x1], $0x10, s3, s16, $0xb8;
	[tilespmem:$0x3580] =	vst v63  }
0x22: {  	_ = 	snop  }
0x23: {  	[spmem:s2] =	stream.indirect.scatter.add.f32 [tilespmem:s15], [sflag:$0x1], $0x10, s16, s16, $0xb8;
	[tilespmem:$0x3580] =	vst v63  }
0x24: {  	_ = 	snop  }
0x25: {  	[spmem:s2] =	stream.indirect.scatter.add.f32 [tilespmem:s15], [sflag:$0x1], $0x10, s17, s16, $0xb8;
	[tilespmem:$0x3580] =	vst v63  }
0x26: {  	_ = 	snop  }
0x27: {  	[spmem:s2] =	stream.indirect.scatter.add.f32 [tilespmem:s15], [sflag:$0x1], $0x10, s18, s16, $0xb8;
	[tilespmem:$0x3580] =	vst v63  }
0x28: {  	_ =	swait.ge [sflag:s19], $0x400  }
0x29: {  	[sflag:s19] =	ssyncset.done $0x0  }
0x2a: {  	s21 =	simm.s32 $0x500;
	s22 =	simm.s32 $0x100;
	[sflag:s19] =	ssyncadd.s32 $0xFFFFFC00  }
.LBB2_2:
0x2b: {  	[spmem:s2] =	stream.indirect.scatter.add.f32 [tilespmem:s15], [sflag:$0x1], $0x10, s22, s16, $0xb8;
	[tilespmem:$0x3580] =	vst v63  }
0x2c: {  	s22 =	smov.u32 s21;
	p0 =	sne.s32 s21, $0x2700  }
.Ltmp0:
0x2d: {  	s21 =	sadd.s32 $0x100, s21;
	(pc) =	sbr.rel @p0 .LBB2_2-.Ltmp0, $4  }
0x2e: {  	_ = 	snop  }
0x2f: {  	_ =	swait.ge [sflag:s19], $0x400  }
0x30: {  	[sflag:s19] =	ssyncset.done $0x0  }
0x31: {  	s22 =	sshra.s32 s22, $0x2;
	[sflag:s19] =	ssyncadd.s32 $0xFFFFFC00  }
0x32: {  	[spmem:s2] =	stream.indirect.scatter.add.f32 [tilespmem:s15], [sflag:$0x1], $0x10, s22, s16, $0xb8;
	[tilespmem:$0x3580] =	vst v63  }
0x33: {  	_ =	swait.ge [sflag:s19], $0x400  }
0x34: {  	[sflag:s19] =	ssyncset.done $0x0  }
0x35: {  	[sflag:s19] =	ssyncadd.s32 $0xFFFFFC00  }
0x36: {  	_ =	swait.ge [sflag:s19], $0x400  }
0x37: {  	[sflag:s19] =	ssyncset.done $0x0  }
0x38: {  	[sflag:s19] =	ssyncadd.s32 $0xFFFFFC00  }
0x39: {  	_ =	swait.ge [sflag:s19], $0x400  }
0x3a: {  	[sflag:s19] =	ssyncset.done $0x0  }
0x3b: {  	[sflag:s19] =	ssyncadd.s32 $0xFFFFFC00  }
0x3c: {  	_ =	swait.ge [sflag:s19], $0x400  }
0x3d: {  	[sflag:s19] =	ssyncset.done $0x0  }
0x3e: {  	[sflag:s19] =	ssyncadd.s32 $0xFFFFFC00  }
0x3f: {  	[tilespmem:s3], [sflag:$0x2] =	stream.linear.gather [hbm4b:s8+s3], $0xA00, $0x38;
	[tilespmem:$0x3580] =	vst v63  }
0x40: {  	_ =	swait.ge [sflag:s14], $0xA00  }
0x41: {  	[sflag:s14] =	ssyncset.done $0x0  }
0x42: {  	[sflag:s14] =	ssyncadd.s32 $0xFFFFF600  }
0x43: {  	[spmem:s2] =	stream.indirect.scatter.add.f32 [tilespmem:s15], [sflag:$0x1], $0x10, s3, s16, $0xb8;
	[tilespmem:$0x3580] =	vst v63  }
0x44: {  	_ = 	snop  }
0x45: {  	[spmem:s2] =	stream.indirect.scatter.add.f32 [tilespmem:s15], [sflag:$0x1], $0x10, s16, s16, $0xb8;
	[tilespmem:$0x3580] =	vst v63  }
0x46: {  	_ = 	snop  }
0x47: {  	[spmem:s2] =	stream.indirect.scatter.add.f32 [tilespmem:s15], [sflag:$0x1], $0x10, s17, s16, $0xb8;
	[tilespmem:$0x3580] =	vst v63  }
0x48: {  	_ = 	snop  }
0x49: {  	[spmem:s2] =	stream.indirect.scatter.add.f32 [tilespmem:s15], [sflag:$0x1], $0x10, s18, s16, $0xb8;
	[tilespmem:$0x3580] =	vst v63  }
0x4a: {  	_ =	swait.ge [sflag:s19], $0x400  }
0x4b: {  	[sflag:s19] =	ssyncset.done $0x0  }
0x4c: {  	s21 =	simm.s32 $0x500;
	s22 =	simm.s32 $0x100;
	[sflag:s19] =	ssyncadd.s32 $0xFFFFFC00  }
.LBB2_4:
0x4d: {  	[spmem:s2] =	stream.indirect.scatter.add.f32 [tilespmem:s15], [sflag:$0x1], $0x10, s22, s16, $0xb8;
	[tilespmem:$0x3580] =	vst v63  }
0x4e: {  	s22 =	smov.u32 s21;
	p0 =	sne.s32 s21, $0x2700  }
.Ltmp1:
0x4f: {  	s21 =	sadd.s32 $0x100, s21;
	(pc) =	sbr.rel @p0 .LBB2_4-.Ltmp1, $4  }
0x50: {  	_ = 	snop  }
0x51: {  	_ =	swait.ge [sflag:s19], $0x400  }
0x52: {  	[sflag:s19] =	ssyncset.done $0x0  }
0x53: {  	s22 =	sshra.s32 s22, $0x2;
	[sflag:s19] =	ssyncadd.s32 $0xFFFFFC00  }
0x54: {  	[spmem:s2] =	stream.indirect.scatter.add.f32 [tilespmem:s15], [sflag:$0x1], $0x10, s22, s16, $0xb8;
	[tilespmem:$0x3580] =	vst v63  }
0x55: {  	_ =	swait.ge [sflag:s19], $0x400  }
0x56: {  	[sflag:s19] =	ssyncset.done $0x0  }
0x57: {  	[sflag:s19] =	ssyncadd.s32 $0xFFFFFC00  }
0x58: {  	_ =	swait.ge [sflag:s19], $0x400  }
0x59: {  	[sflag:s19] =	ssyncset.done $0x0  }
0x5a: {  	[sflag:s19] =	ssyncadd.s32 $0xFFFFFC00  }
0x5b: {  	_ =	swait.ge [sflag:s19], $0x400  }
0x5c: {  	[sflag:s19] =	ssyncset.done $0x0  }
0x5d: {  	[sflag:s19] =	ssyncadd.s32 $0xFFFFFC00  }
0x5e: {  	_ =	swait.ge [sflag:s19], $0x400  }
0x5f: {  	[sflag:s19] =	ssyncset.done $0x0  }
0x60: {  	[sflag:s19] =	ssyncadd.s32 $0xFFFFFC00  }
0x61: {  	[tilespmem:s3], [sflag:$0x2] =	stream.linear.gather [hbm4b:s9+s3], $0xA00, $0x38;
	[tilespmem:$0x3580] =	vst v63  }
0x62: {  	_ =	swait.ge [sflag:s14], $0xA00  }
0x63: {  	[sflag:s14] =	ssyncset.done $0x0  }
0x64: {  	[sflag:s14] =	ssyncadd.s32 $0xFFFFF600  }
0x65: {  	[spmem:s2] =	stream.indirect.scatter.add.f32 [tilespmem:s15], [sflag:$0x1], $0x10, s3, s16, $0xb8;
	[tilespmem:$0x3580] =	vst v63  }
0x66: {  	_ = 	snop  }
0x67: {  	[spmem:s2] =	stream.indirect.scatter.add.f32 [tilespmem:s15], [sflag:$0x1], $0x10, s16, s16, $0xb8;
	[tilespmem:$0x3580] =	vst v63  }
0x68: {  	_ = 	snop  }
0x69: {  	[spmem:s2] =	stream.indirect.scatter.add.f32 [tilespmem:s15], [sflag:$0x1], $0x10, s17, s16, $0xb8;
	[tilespmem:$0x3580] =	vst v63  }
0x6a: {  	_ = 	snop  }
0x6b: {  	[spmem:s2] =	stream.indirect.scatter.add.f32 [tilespmem:s15], [sflag:$0x1], $0x10, s18, s16, $0xb8;
	[tilespmem:$0x3580] =	vst v63  }
0x6c: {  	_ =	swait.ge [sflag:s19], $0x400  }
0x6d: {  	[sflag:s19] =	ssyncset.done $0x0  }
0x6e: {  	s21 =	simm.s32 $0x500;
	s22 =	simm.s32 $0x100;
	[sflag:s19] =	ssyncadd.s32 $0xFFFFFC00  }
.LBB2_6:
0x6f: {  	[spmem:s2] =	stream.indirect.scatter.add.f32 [tilespmem:s15], [sflag:$0x1], $0x10, s22, s16, $0xb8;
	[tilespmem:$0x3580] =	vst v63  }
0x70: {  	s22 =	smov.u32 s21;
	p0 =	sne.s32 s21, $0x2700  }
.Ltmp2:
0x71: {  	s21 =	sadd.s32 $0x100, s21;
	(pc) =	sbr.rel @p0 .LBB2_6-.Ltmp2, $4  }
0x72: {  	_ = 	snop  }
0x73: {  	_ =	swait.ge [sflag:s19], $0x400  }
0x74: {  	[sflag:s19] =	ssyncset.done $0x0  }
0x75: {  	s22 =	sshra.s32 s22, $0x2;
	[sflag:s19] =	ssyncadd.s32 $0xFFFFFC00  }
0x76: {  	[spmem:s2] =	stream.indirect.scatter.add.f32 [tilespmem:s15], [sflag:$0x1], $0x10, s22, s16, $0xb8;
	[tilespmem:$0x3580] =	vst v63  }
0x77: {  	_ =	swait.ge [sflag:s19], $0x400  }
0x78: {  	[sflag:s19] =	ssyncset.done $0x0  }
0x79: {  	[sflag:s19] =	ssyncadd.s32 $0xFFFFFC00  }
0x7a: {  	_ =	swait.ge [sflag:s19], $0x400  }
0x7b: {  	[sflag:s19] =	ssyncset.done $0x0  }
0x7c: {  	[sflag:s19] =	ssyncadd.s32 $0xFFFFFC00  }
0x7d: {  	_ =	swait.ge [sflag:s19], $0x400  }
0x7e: {  	[sflag:s19] =	ssyncset.done $0x0  }
0x7f: {  	[sflag:s19] =	ssyncadd.s32 $0xFFFFFC00  }
0x80: {  	_ =	swait.ge [sflag:s19], $0x400  }
0x81: {  	[sflag:s19] =	ssyncset.done $0x0  }
0x82: {  	[sflag:s19] =	ssyncadd.s32 $0xFFFFFC00  }
0x83: {  	[tilespmem:s3], [sflag:$0x2] =	stream.linear.gather [hbm4b:s10+s3], $0xA00, $0x38;
	[tilespmem:$0x3580] =	vst v63  }
0x84: {  	_ =	swait.ge [sflag:s14], $0xA00  }
0x85: {  	[sflag:s14] =	ssyncset.done $0x0  }
0x86: {  	[sflag:s14] =	ssyncadd.s32 $0xFFFFF600  }
0x87: {  	[spmem:s2] =	stream.indirect.scatter.add.f32 [tilespmem:s15], [sflag:$0x1], $0x10, s3, s16, $0xb8;
	[tilespmem:$0x3580] =	vst v63  }
0x88: {  	_ = 	snop  }
0x89: {  	[spmem:s2] =	stream.indirect.scatter.add.f32 [tilespmem:s15], [sflag:$0x1], $0x10, s16, s16, $0xb8;
	[tilespmem:$0x3580] =	vst v63  }
0x8a: {  	_ = 	snop  }
0x8b: {  	[spmem:s2] =	stream.indirect.scatter.add.f32 [tilespmem:s15], [sflag:$0x1], $0x10, s17, s16, $0xb8;
	[tilespmem:$0x3580] =	vst v63  }
0x8c: {  	_ = 	snop  }
0x8d: {  	[spmem:s2] =	stream.indirect.scatter.add.f32 [tilespmem:s15], [sflag:$0x1], $0x10, s18, s16, $0xb8;
	[tilespmem:$0x3580] =	vst v63  }
0x8e: {  	_ =	swait.ge [sflag:s19], $0x400  }
0x8f: {  	[sflag:s19] =	ssyncset.done $0x0  }
0x90: {  	s21 =	simm.s32 $0x500;
	s22 =	simm.s32 $0x100;
	[sflag:s19] =	ssyncadd.s32 $0xFFFFFC00  }
.LBB2_8:
0x91: {  	[spmem:s2] =	stream.indirect.scatter.add.f32 [tilespmem:s15], [sflag:$0x1], $0x10, s22, s16, $0xb8;
	[tilespmem:$0x3580] =	vst v63  }
0x92: {  	s22 =	smov.u32 s21;
	p0 =	sne.s32 s21, $0x2700  }
.Ltmp3:
0x93: {  	s21 =	sadd.s32 $0x100, s21;
	(pc) =	sbr.rel @p0 .LBB2_8-.Ltmp3, $4  }
0x94: {  	_ = 	snop  }
0x95: {  	_ =	swait.ge [sflag:s19], $0x400  }
0x96: {  	[sflag:s19] =	ssyncset.done $0x0  }
0x97: {  	s22 =	sshra.s32 s22, $0x2;
	[sflag:s19] =	ssyncadd.s32 $0xFFFFFC00  }
0x98: {  	[spmem:s2] =	stream.indirect.scatter.add.f32 [tilespmem:s15], [sflag:$0x1], $0x10, s22, s16, $0xb8;
	[tilespmem:$0x3580] =	vst v63  }
0x99: {  	_ =	swait.ge [sflag:s19], $0x400  }
0x9a: {  	[sflag:s19] =	ssyncset.done $0x0  }
0x9b: {  	[sflag:s19] =	ssyncadd.s32 $0xFFFFFC00  }
0x9c: {  	_ =	swait.ge [sflag:s19], $0x400  }
0x9d: {  	[sflag:s19] =	ssyncset.done $0x0  }
0x9e: {  	[sflag:s19] =	ssyncadd.s32 $0xFFFFFC00  }
0x9f: {  	_ =	swait.ge [sflag:s19], $0x400  }
0xa0: {  	[sflag:s19] =	ssyncset.done $0x0  }
0xa1: {  	[sflag:s19] =	ssyncadd.s32 $0xFFFFFC00  }
0xa2: {  	_ =	swait.ge [sflag:s19], $0x400  }
0xa3: {  	s20 =	sadd.s32 $0x1, s20;
	[sflag:s19] =	ssyncset.done $0x0  }
0xa4: {  	p0 =	sne.s32 s20, s12;
	[sflag:s19] =	ssyncadd.s32 $0xFFFFFC00  }
.Ltmp4:
0xa5: {  	[bflag:$0x0] =	sbarrier.arrive $0xFFFF;
	(pc) =	sbr.rel @p0 .LBB2_1-.Ltmp4, $4  }
0xa6: {  	[hbm:s11], [sflag:s6] =	dma.local [spmem:s13], $0x4F0  }
0xa7: {  	_ =	swait.ge [sflag:s14], $0x4F0  }
0xa8: {  	[sflag:s14] =	ssyncset.done $0x0  }
0xa9: {  	[sflag:s14] =	ssyncadd.s32 $0xFFFFFB10  }
0xaa: {  	_ =	sfence.sel $0x180000  }
0xab: {  	[bflag:$0x0] =	sbarrier.arrive $0xFFFF  }
0xac: {  	p0 =	sne.s32 s1, $0x0;
	_ =	strace $0x90000047  }
0xad: {  	s0 =	sadd.s32 @!p0 $0x100000, s0;
	[bflag:$0x2] =	sbarrier.arrive $0xFFFF  }
0xae: {  	[sflag:s0] =	ssyncadd.tile.s32 @!p0 $0x1;
	_ =	shalt  }
.Lfunc_end2:
_tile_overlayer_lowered:
.L_overlay_start_2:
0xaf: {  	(tag) =	ssettag $0x2  }
0xb0: {  	s0 =	rddreg [dreg:$0x0];
	s2 =	stileid.u32  }
0xb1: {  	s1 =	rddreg [dreg:$0x1];
	p0 =	sne.s32 s2, $0x0  }
0xb2: {  	s3 =	rddreg [dreg:$0x2];
	[bflag:$0x3] =	sbarrier.arrive $0xFFFF;
	s2 =	simm.s32 @!p0 $0x1C02  }
0xb3: {  	[timem:s3], [sflag:s2] =	dma.local @!p0 [hbm:s0], s1  }
0xb4: {  	s0 =	simm.s32 @!p0 $0x2  }
0xb5: {  	_ =	swait.ge @!p0 [sflag:s0], s1  }
0xb6: {  	s1 =	ssub.s32 @!p0 $0x0, s1;
	[sflag:s0] =	ssyncset.done @!p0 $0x0  }
0xb7: {  	[sflag:s0] =	ssyncadd.s32 @!p0 s1  }
0xb8: {  	[bflag:$0x3] =	sbarrier.arrive $0xFFFF  }
0xb9: {  	_ =	shalt  }

</sc_bundles>
